<compile_context>
chip_gen: v7x
topology: tpu7x:2x2x1
jax: 0.10.2.dev20260603
libtpu: 0.0.44.dev20260713+nightly
codegen_flags: <defaults>
</compile_context>

<pallas_src>
import functools

import jax
import jax.numpy as jnp
from jax import lax
from jax.experimental import pallas as pl
from jax.experimental.pallas import tpu as pltpu
from jax.experimental.pallas import tpu_sc as plsc

N = 10000
E = 320000
D_IN = 128
D_HID = 64
D_HALF = D_HID // 2

NC = 2
NS = 16
NPAD = 10240
ROWS_PER_TILE = NPAD // NS
CHUNK = 256
NCHUNKS = E // CHUNK
CPT = NCHUNKS // NS
XTRA = NCHUNKS - CPT * NS
KBUF = 4
RINGROUNDS = (CPT + 1 + KBUF - 1) // KBUF
BR = 1000

DCPT = (NCHUNKS // 2) // NS
DXTRA = NCHUNKS // 2 - DCPT * NS

_mesh = plsc.VectorSubcoreMesh(
    core_axis_name="c", subcore_axis_name="s", num_cores=NC, num_subcores=NS)
_sc_params = pltpu.CompilerParams(use_tc_tiling_on_sc=False)


@functools.partial(
    pl.kernel,
    out_type=jax.ShapeDtypeStruct((NC, NPAD), jnp.float32),
    mesh=_mesh,
    scratch_types=[
        pltpu.VMEM((DCPT + 1, CHUNK), jnp.int32),
        pltpu.VMEM((CHUNK,), jnp.float32),
        pltpu.VMEM((ROWS_PER_TILE,), jnp.float32),
        pltpu.VMEM_SHARED((NPAD,), jnp.float32),
    ],
    compiler_params=_sc_params,
)
def _deg_kernel(ei_hbm, out_hbm, dst_v, ones_v, zfill_v, acc_sh):
    cid = lax.axis_index("c")
    sid = lax.axis_index("s")
    c0 = cid * (NCHUNKS // 2) + sid * DCPT + jnp.minimum(sid, DXTRA)
    nch = DCPT + jnp.where(sid < DXTRA, 1, 0)
    pltpu.sync_copy(ei_hbm.at[1, pl.ds(c0, DCPT)], dst_v.at[pl.ds(0, DCPT)])

    @pl.when(sid < DXTRA)
    def _():
        pltpu.sync_copy(ei_hbm.at[1, pl.ds(c0 + DCPT, 1)],
                        dst_v.at[pl.ds(DCPT, 1)])

    def fill_ones(i, _):
        ones_v[pl.ds(i * 16, 16)] = jnp.ones((16,), jnp.float32)
        return 0
    lax.fori_loop(0, CHUNK // 16, fill_ones, 0)

    def fill_zero(i, _):
        zfill_v[pl.ds(i * 16, 16)] = jnp.zeros((16,), jnp.float32)
        return 0
    lax.fori_loop(0, ROWS_PER_TILE // 16, fill_zero, 0)
    row0 = sid * ROWS_PER_TILE
    pltpu.sync_copy(zfill_v, acc_sh.at[pl.ds(row0, ROWS_PER_TILE)])
    plsc.subcore_barrier()

    def scatter_ones(ch, _):
        @pl.when(ch < nch)
        def _():
            pltpu.sync_copy(ones_v, acc_sh.at[dst_v.at[ch]], add=True)
        return 0
    lax.fori_loop(0, DCPT + 1, scatter_ones, 0)
    plsc.subcore_barrier()
    pltpu.sync_copy(acc_sh.at[pl.ds(row0, ROWS_PER_TILE)],
                    out_hbm.at[cid, pl.ds(row0, ROWS_PER_TILE)])


_PIECES = []
_off = 0
while _off < ROWS_PER_TILE:
    _sz = min(CHUNK, ROWS_PER_TILE - _off)
    _PIECES.append((_off, _sz))
    _off += _sz


@functools.partial(
    pl.kernel,
    out_type=jax.ShapeDtypeStruct((NPAD, D_HID), jnp.float32),
    mesh=_mesh,
    scratch_types=[
        pltpu.VMEM((CPT + 1, CHUNK), jnp.int32),
        pltpu.VMEM((CPT + 1, CHUNK), jnp.int32),
        pltpu.VMEM((KBUF, CHUNK, D_HALF), jnp.float32),
        pltpu.VMEM((ROWS_PER_TILE, 16), jnp.float32),
        pltpu.VMEM((D_HALF,), jnp.float32),
        pltpu.VMEM_SHARED((NPAD, D_HALF), jnp.float32),
        pltpu.VMEM_SHARED((NPAD, D_HALF), jnp.float32),
        pltpu.SemaphoreType.DMA,
        pltpu.SemaphoreType.DMA,
    ],
    compiler_params=_sc_params,
)
def _gcn2x_kernel(h0_hbm, disx_hbm, ei_hbm, b1_hbm, q_hbm,
                  src_v, dst_v, bufs, disx_v, b1_v,
                  acc_sh, z_sh, sg, ss):
    cid = lax.axis_index("c")
    sid = lax.axis_index("s")
    col0 = cid * D_HALF
    c0 = sid * CPT + jnp.minimum(sid, XTRA)
    nch = CPT + jnp.where(sid < XTRA, 1, 0)
    row0 = sid * ROWS_PER_TILE
    pltpu.sync_copy(ei_hbm.at[0, pl.ds(c0, CPT)], src_v.at[pl.ds(0, CPT)])
    pltpu.sync_copy(ei_hbm.at[1, pl.ds(c0, CPT)], dst_v.at[pl.ds(0, CPT)])

    @pl.when(sid < XTRA)
    def _():
        pltpu.sync_copy(ei_hbm.at[0, pl.ds(c0 + CPT, 1)],
                        src_v.at[pl.ds(CPT, 1)])
        pltpu.sync_copy(ei_hbm.at[1, pl.ds(c0 + CPT, 1)],
                        dst_v.at[pl.ds(CPT, 1)])

    pltpu.sync_copy(disx_hbm.at[pl.ds(row0, ROWS_PER_TILE)], disx_v)
    pltpu.sync_copy(b1_hbm.at[pl.ds(col0, D_HALF)], b1_v)

    def scale_rows(first):
        for i, (off, sz) in enumerate(_PIECES):
            b = i % KBUF
            if first:
                pltpu.sync_copy(
                    h0_hbm.at[pl.ds(row0 + off, sz), pl.ds(col0, D_HALF)],
                    bufs.at[b, pl.ds(0, sz)])
            else:
                pltpu.sync_copy(acc_sh.at[pl.ds(row0 + off, sz)],
                                bufs.at[b, pl.ds(0, sz)])

            def row_body(r, _):
                d = disx_v[off + r, pl.ds(0, 16)]
                for cv in range(D_HALF // 16):
                    s = pl.ds(cv * 16, 16)
                    if first:
                        bufs[b, r, s] = bufs[b, r, s] * d
                    else:
                        v = bufs[b, r, s] * d + b1_v[pl.ds(cv * 16, 16)]
                        bufs[b, r, s] = jnp.maximum(v, 0.0) * d
                return 0
            lax.fori_loop(0, sz, row_body, 0)
            pltpu.sync_copy(bufs.at[b, pl.ds(0, sz)],
                            z_sh.at[pl.ds(row0 + off, sz)])
            pltpu.sync_copy(bufs.at[b, pl.ds(0, sz)],
                            acc_sh.at[pl.ds(row0 + off, sz)])

    scale_rows(True)
    plsc.subcore_barrier()

    def edge_pass():
        for j in range(KBUF):
            pltpu.async_copy(z_sh.at[src_v.at[j]], bufs.at[j], sg)

        def round_body(p, _):
            base = p * KBUF
            for j in range(KBUF):
                ch = base + j

                @pl.when(ch < nch)
                def _():
                    pltpu.make_async_copy(z_sh.at[src_v.at[ch]],
                                          bufs.at[j], sg).wait()
                    pltpu.async_copy(bufs.at[j], acc_sh.at[dst_v.at[ch]],
                                     ss, add=True)
            for j in range(KBUF):
                ch = base + j
                ch2 = ch + KBUF

                @pl.when(ch < nch)
                def _():
                    pltpu.make_async_copy(bufs.at[j],
                                          acc_sh.at[dst_v.at[ch]],
                                          ss).wait()

                @pl.when(ch2 < nch)
                def _():
                    pltpu.async_copy(z_sh.at[src_v.at[ch2]],
                                     bufs.at[j], sg)
            return 0
        lax.fori_loop(0, RINGROUNDS, round_body, 0)

    edge_pass()
    plsc.subcore_barrier()
    scale_rows(False)
    plsc.subcore_barrier()
    edge_pass()
    plsc.subcore_barrier()

    for i, (off, sz) in enumerate(_PIECES):
        b = i % KBUF
        pltpu.sync_copy(acc_sh.at[pl.ds(row0 + off, sz)],
                        bufs.at[b, pl.ds(0, sz)])
        pltpu.sync_copy(bufs.at[b, pl.ds(0, sz)],
                        q_hbm.at[pl.ds(row0 + off, sz), pl.ds(col0, D_HALF)])


def _mm_body(x_ref, w_ref, h_ref):
    h_ref[...] = jnp.dot(x_ref[...], w_ref[...],
                         preferred_element_type=jnp.float32)


def _disk_body(d0_ref, d1_ref, dis_ref, disx_ref):
    dis = lax.rsqrt(d0_ref[...] + d1_ref[...] + 1.0)
    dis_ref[...] = dis
    disx_ref[...] = jnp.broadcast_to(dis, (dis.shape[0], 16))


def _final_body(q_ref, dis_ref, wm_ref, bm_ref, wl_ref, bl_ref,
                mu_ref, ls_ref):
    g = q_ref[...] * dis_ref[...]
    mu_ref[...] = jnp.dot(g, wm_ref[...],
                          preferred_element_type=jnp.float32) + bm_ref[...]
    ls_ref[...] = jnp.dot(g, wl_ref[...],
                          preferred_element_type=jnp.float32) + bl_ref[...]


def _row_spec(d):
    return pl.BlockSpec((BR, d), lambda i: (i, 0))


def _full_spec(r, c):
    return pl.BlockSpec((r, c), lambda i: (0, 0))


@jax.jit
def kernel(x, edge_index, W1, b1, W_mu, b_mu, W_ls, b_ls):
    ei = edge_index.astype(jnp.int32).reshape(2, NCHUNKS, CHUNK)

    degp = _deg_kernel(ei)
    d0 = degp[0][:, None]
    d1 = degp[1][:, None]

    grid = (N // BR,)
    h0 = pl.pallas_call(
        _mm_body,
        grid=grid,
        in_specs=[_row_spec(D_IN), _full_spec(D_IN, D_HID)],
        out_specs=_row_spec(D_HID),
        out_shape=jax.ShapeDtypeStruct((NPAD, D_HID), jnp.float32),
    )(x, W1)

    dis, disx = pl.pallas_call(
        _disk_body,
        in_specs=[pl.BlockSpec((NPAD, 1), lambda: (0, 0)),
                  pl.BlockSpec((NPAD, 1), lambda: (0, 0))],
        out_specs=[pl.BlockSpec((NPAD, 1), lambda: (0, 0)),
                   pl.BlockSpec((NPAD, 16), lambda: (0, 0))],
        out_shape=[jax.ShapeDtypeStruct((NPAD, 1), jnp.float32),
                   jax.ShapeDtypeStruct((NPAD, 16), jnp.float32)],
    )(d0, d1)

    q = _gcn2x_kernel(h0, disx, ei, b1)

    mu, ls = pl.pallas_call(
        _final_body,
        grid=grid,
        in_specs=[_row_spec(D_HID), _row_spec(1), _full_spec(D_HID, D_HID),
                  _full_spec(1, D_HID), _full_spec(D_HID, D_HID),
                  _full_spec(1, D_HID)],
        out_specs=[_row_spec(D_HID), _row_spec(D_HID)],
        out_shape=[jax.ShapeDtypeStruct((N, D_HID), jnp.float32),
                   jax.ShapeDtypeStruct((N, D_HID), jnp.float32)],
    )(q, dis, W_mu, b_mu[None, :], W_ls, b_ls[None, :])

    return mu, ls

# --- scband reference (transcript-rebuilt; emitter-appended) ---
"""Pipeline reference for scband-encoder-91319594647569 (READ-ONLY COPY).

The authoritative reference and input builder live on the scoring server;
editing this copy changes nothing except your own understanding.
"""

import jax, jax.numpy as jnp
import numpy as np

N = 10000
E = 320000
D_IN = 128
D_HID = 64
D_OUT = 64


def setup_inputs(seed: int = 0) -> dict:
    key = jax.random.key(seed)
    k1, k2, k3, k4, k5, k6, k7, k8 = jax.random.split(key, 8)
    x = jax.random.normal(k1, (N, D_IN), dtype=jnp.float32)
    edge_index = jax.random.randint(k2, (2, E), 0, N, dtype=jnp.int64)
    W1 = jax.random.normal(k3, (D_IN, D_HID), dtype=jnp.float32) * 0.05
    b1 = jnp.zeros((D_HID,), dtype=jnp.float32)
    W_mu = jax.random.normal(k4, (D_HID, D_OUT), dtype=jnp.float32) * 0.05
    b_mu = jnp.zeros((D_OUT,), dtype=jnp.float32)
    W_ls = jax.random.normal(k5, (D_HID, D_OUT), dtype=jnp.float32) * 0.05
    b_ls = jnp.zeros((D_OUT,), dtype=jnp.float32)
    return {"x": x, "edge_index": edge_index, "W1": W1, "b1": b1,
            "W_mu": W_mu, "b_mu": b_mu, "W_ls": W_ls, "b_ls": b_ls}


def gcn_conv(x, edge_index, W, b):
    n = x.shape[0]
    loop = jnp.arange(n, dtype=edge_index.dtype)
    src = jnp.concatenate([edge_index[0], loop])
    dst = jnp.concatenate([edge_index[1], loop])
    # symmetric normalization with self-loops (PyG GCNConv default)
    deg = jnp.zeros((n,), dtype=x.dtype).at[dst].add(1.0)
    deg_inv_sqrt = jnp.where(deg > 0, 1.0 / jnp.sqrt(deg), 0.0)
    norm = deg_inv_sqrt[src] * deg_inv_sqrt[dst]
    h = x @ W
    msg = h[src] * norm[:, None]
    out = jnp.zeros((n, W.shape[1]), dtype=x.dtype).at[dst].add(msg)
    return out + b


def reference(x, edge_index, W1, b1, W_mu, b_mu, W_ls, b_ls):
    h = jax.nn.relu(gcn_conv(x, edge_index, W1, b1))
    mu = gcn_conv(h, edge_index, W_mu, b_mu)
    logstd = gcn_conv(h, edge_index, W_ls, b_ls)
    return (mu, logstd)

if __name__ == "__main__":
    import jax
    _d = setup_inputs()
    print(jax.jit(kernel)(*tuple(_d.values())))

</pallas_src>

<mosaic_0001>
#map = affine_map<(d0, d1) -> (0, 0, 0)>
#map1 = affine_map<(d0, d1) -> (0, 0)>
module attributes {stable_mosaic.version = 14 : i64} {
  func.func @_deg_kernel(%arg0: i32, %arg1: i32, %arg2: memref<2x1250x256xi32, #tpu.memory_space<hbm>>, %arg3: memref<2x10240xf32, #tpu.memory_space<hbm>>, %arg4: memref<40x256xi32, #tpu.memory_space<vmem>>, %arg5: memref<256xf32, #tpu.memory_space<vmem>>, %arg6: memref<640xf32, #tpu.memory_space<vmem>>, %arg7: memref<10240xf32, #tpu.memory_space<vmem_shared>>) attributes {dimension_semantics = [#tpu.dimension_semantics<core_parallel>, #tpu.dimension_semantics<subcore_parallel>], iteration_bounds = array<i64: 2, 16>, scalar_prefetch = 0 : i64, scratch_operands = 4 : i64, tpu.core_type = #tpu.core_type<sc_vector_subcore>, window_params = [{transform_indices = #map}, {transform_indices = #map1}]} {
    %mul3A = arith.constant 625 : i32
    %mul3A_0 = arith.muli %arg0, %mul3A : i32
    %mul3A_1 = arith.constant 39 : i32
    %mul3A_2 = arith.muli %arg1, %mul3A_1 : i32
    %add3A = arith.addi %mul3A_0, %mul3A_2 : i32
    %min3A = arith.constant 1 : i32
    %min3A_3 = arith.minsi %arg1, %min3A : i32
    %add3A_4 = arith.addi %add3A, %min3A_3 : i32
    %lt3A = arith.constant 1 : i32
    %lt3A_5 = arith.cmpi slt, %arg1, %lt3A : i32
    %jit3A = arith.constant 1 : i32
    %jit3A_6 = arith.constant 0 : i32
    %select_n3A = arith.select %lt3A_5, %jit3A, %jit3A_6 : i32
    %add3A_7 = arith.constant 39 : i32
    %add3A_8 = arith.addi %add3A_7, %select_n3A : i32
    %run_scoped3A = arith.constant 1 : i32
    "tpu.region"() ({
      %run_scoped3A_35 = tpu.sem_alloc : memref<!tpu.dma_semaphore, #tpu.memory_space<semaphore_mem>>
      %dma_start3A = arith.constant 0 : i32
      %dma_start3A_36 = arith.constant 0 : i32
      %dma_start3A_37 = tpu.memref_slice %arg4[%dma_start3A, %dma_start3A_36] : memref<40x256xi32, #tpu.memory_space<vmem>> -> memref<39x256xi32, #tpu.memory_space<vmem>>
      %dma_start3A_38 = arith.constant 0 : i32
      %dma_start3A_39 = tpu.memref_slice %arg2[%run_scoped3A, %add3A_4, %dma_start3A_38] : memref<2x1250x256xi32, #tpu.memory_space<hbm>> -> memref<1x39x256xi32, #tpu.memory_space<hbm>>
      %dma_start3A_40 = tpu.memref_squeeze %dma_start3A_39 : memref<1x39x256xi32, #tpu.memory_space<hbm>> -> memref<39x256xi32, #tpu.memory_space<hbm>>
      %dma_start3A_41 = arith.constant 0 : i32
      %dma_start3A_42 = arith.constant 0 : i32
      %dma_start3A_43 = tpu.memref_slice %arg4[%dma_start3A_41, %dma_start3A_42] : memref<40x256xi32, #tpu.memory_space<vmem>> -> memref<39x256xi32, #tpu.memory_space<vmem>>
      %dma_start3A_44 = arith.constant 0 : i32
      %dma_start3A_45 = tpu.memref_slice %arg2[%run_scoped3A, %add3A_4, %dma_start3A_44] : memref<2x1250x256xi32, #tpu.memory_space<hbm>> -> memref<1x39x256xi32, #tpu.memory_space<hbm>>
      %dma_start3A_46 = tpu.memref_squeeze %dma_start3A_45 : memref<1x39x256xi32, #tpu.memory_space<hbm>> -> memref<39x256xi32, #tpu.memory_space<hbm>>
      tpu.enqueue_dma source(%dma_start3A_46 : memref<39x256xi32, #tpu.memory_space<hbm>>) target(%dma_start3A_43 : memref<39x256xi32, #tpu.memory_space<vmem>>) target_semaphore(%run_scoped3A_35 : memref<!tpu.dma_semaphore, #tpu.memory_space<semaphore_mem>>)
      %dma_wait3A = arith.constant 0 : i32
      %dma_wait3A_47 = arith.constant 0 : i32
      %dma_wait3A_48 = tpu.memref_slice %arg4[%dma_wait3A, %dma_wait3A_47] : memref<40x256xi32, #tpu.memory_space<vmem>> -> memref<39x256xi32, #tpu.memory_space<vmem>>
      %dma_wait3A_49 = arith.constant 0 : i32
      %dma_wait3A_50 = tpu.memref_slice %arg2[%run_scoped3A, %add3A_4, %dma_wait3A_49] : memref<2x1250x256xi32, #tpu.memory_space<hbm>> -> memref<1x39x256xi32, #tpu.memory_space<hbm>>
      %dma_wait3A_51 = tpu.memref_squeeze %dma_wait3A_50 : memref<1x39x256xi32, #tpu.memory_space<hbm>> -> memref<39x256xi32, #tpu.memory_space<hbm>>
      %dma_wait3A_52 = arith.constant 0 : i32
      %dma_wait3A_53 = arith.constant 0 : i32
      %dma_wait3A_54 = tpu.memref_slice %arg4[%dma_wait3A_52, %dma_wait3A_53] : memref<40x256xi32, #tpu.memory_space<vmem>> -> memref<39x256xi32, #tpu.memory_space<vmem>>
      %dma_wait3A_55 = arith.constant 0 : i32
      %dma_wait3A_56 = tpu.memref_slice %arg2[%run_scoped3A, %add3A_4, %dma_wait3A_55] : memref<2x1250x256xi32, #tpu.memory_space<hbm>> -> memref<1x39x256xi32, #tpu.memory_space<hbm>>
      %dma_wait3A_57 = tpu.memref_squeeze %dma_wait3A_56 : memref<1x39x256xi32, #tpu.memory_space<hbm>> -> memref<39x256xi32, #tpu.memory_space<hbm>>
      tpu.wait_dma2 semaphore(%run_scoped3A_35 : memref<!tpu.dma_semaphore, #tpu.memory_space<semaphore_mem>>) src(%dma_wait3A_57 : memref<39x256xi32, #tpu.memory_space<hbm>>) dst(%dma_wait3A_54 : memref<39x256xi32, #tpu.memory_space<vmem>>)
      tpu.yield
    }) : () -> ()
    %lt3A_9 = arith.constant 1 : i32
    %lt3A_10 = arith.cmpi slt, %arg1, %lt3A_9 : i32
    %convert_element_type3A = arith.extui %lt3A_10 : i1 to i32
    %cond3A = arith.constant 0 : i32
    %cond3A_11 = arith.cmpi ne, %convert_element_type3A, %cond3A : i32
    scf.if %cond3A_11 {
      %add3A_35 = arith.constant 39 : i32
      %add3A_36 = arith.addi %add3A_4, %add3A_35 : i32
      %run_scoped3A_37 = arith.constant 1 : i32
      "tpu.region"() ({
        %run_scoped3A_38 = tpu.sem_alloc : memref<!tpu.dma_semaphore, #tpu.memory_space<semaphore_mem>>
        %dma_start3A = arith.constant 39 : i32
        %dma_start3A_39 = arith.constant 0 : i32
        %dma_start3A_40 = tpu.memref_slice %arg4[%dma_start3A, %dma_start3A_39] : memref<40x256xi32, #tpu.memory_space<vmem>> -> memref<1x256xi32, #tpu.memory_space<vmem>>
        %dma_start3A_41 = arith.constant 0 : i32
        %dma_start3A_42 = tpu.memref_slice %arg2[%run_scoped3A_37, %add3A_36, %dma_start3A_41] : memref<2x1250x256xi32, #tpu.memory_space<hbm>> -> memref<1x1x256xi32, #tpu.memory_space<hbm>>
        %dma_start3A_43 = tpu.memref_squeeze %dma_start3A_42 : memref<1x1x256xi32, #tpu.memory_space<hbm>> -> memref<1x256xi32, #tpu.memory_space<hbm>>
        %dma_start3A_44 = arith.constant 39 : i32
        %dma_start3A_45 = arith.constant 0 : i32
        %dma_start3A_46 = tpu.memref_slice %arg4[%dma_start3A_44, %dma_start3A_45] : memref<40x256xi32, #tpu.memory_space<vmem>> -> memref<1x256xi32, #tpu.memory_space<vmem>>
        %dma_start3A_47 = arith.constant 0 : i32
        %dma_start3A_48 = tpu.memref_slice %arg2[%run_scoped3A_37, %add3A_36, %dma_start3A_47] : memref<2x1250x256xi32, #tpu.memory_space<hbm>> -> memref<1x1x256xi32, #tpu.memory_space<hbm>>
        %dma_start3A_49 = tpu.memref_squeeze %dma_start3A_48 : memref<1x1x256xi32, #tpu.memory_space<hbm>> -> memref<1x256xi32, #tpu.memory_space<hbm>>
        tpu.enqueue_dma source(%dma_start3A_49 : memref<1x256xi32, #tpu.memory_space<hbm>>) target(%dma_start3A_46 : memref<1x256xi32, #tpu.memory_space<vmem>>) target_semaphore(%run_scoped3A_38 : memref<!tpu.dma_semaphore, #tpu.memory_space<semaphore_mem>>)
        %dma_wait3A = arith.constant 39 : i32
        %dma_wait3A_50 = arith.constant 0 : i32
        %dma_wait3A_51 = tpu.memref_slice %arg4[%dma_wait3A, %dma_wait3A_50] : memref<40x256xi32, #tpu.memory_space<vmem>> -> memref<1x256xi32, #tpu.memory_space<vmem>>
        %dma_wait3A_52 = arith.constant 0 : i32
        %dma_wait3A_53 = tpu.memref_slice %arg2[%run_scoped3A_37, %add3A_36, %dma_wait3A_52] : memref<2x1250x256xi32, #tpu.memory_space<hbm>> -> memref<1x1x256xi32, #tpu.memory_space<hbm>>
        %dma_wait3A_54 = tpu.memref_squeeze %dma_wait3A_53 : memref<1x1x256xi32, #tpu.memory_space<hbm>> -> memref<1x256xi32, #tpu.memory_space<hbm>>
        %dma_wait3A_55 = arith.constant 39 : i32
        %dma_wait3A_56 = arith.constant 0 : i32
        %dma_wait3A_57 = tpu.memref_slice %arg4[%dma_wait3A_55, %dma_wait3A_56] : memref<40x256xi32, #tpu.memory_space<vmem>> -> memref<1x256xi32, #tpu.memory_space<vmem>>
        %dma_wait3A_58 = arith.constant 0 : i32
        %dma_wait3A_59 = tpu.memref_slice %arg2[%run_scoped3A_37, %add3A_36, %dma_wait3A_58] : memref<2x1250x256xi32, #tpu.memory_space<hbm>> -> memref<1x1x256xi32, #tpu.memory_space<hbm>>
        %dma_wait3A_60 = tpu.memref_squeeze %dma_wait3A_59 : memref<1x1x256xi32, #tpu.memory_space<hbm>> -> memref<1x256xi32, #tpu.memory_space<hbm>>
        tpu.wait_dma2 semaphore(%run_scoped3A_38 : memref<!tpu.dma_semaphore, #tpu.memory_space<semaphore_mem>>) src(%dma_wait3A_60 : memref<1x256xi32, #tpu.memory_space<hbm>>) dst(%dma_wait3A_57 : memref<1x256xi32, #tpu.memory_space<vmem>>)
        tpu.yield
      }) : () -> ()
    } else {
    }
    %scan3A = arith.constant 0 : i32
    %scan3A_12 = arith.constant 0 : i32
    %scan3A_13 = arith.constant 16 : i32
    %scan3A_14 = arith.addi %scan3A_12, %scan3A_13 : i32
    %scan3A_15 = arith.constant 1 : i32
    %scan3A_16 = scf.for %scan3A_35 = %scan3A_12 to %scan3A_14 step %scan3A_15 iter_args(%scan3A_36 = %scan3A) -> (i32)  : i32 {
      %broadcast_in_dim3A = arith.constant 1.000000e+00 : f32
      %broadcast_in_dim3A_37 = vector.broadcast %broadcast_in_dim3A : f32 to vector<16xf32>
      %mul3A_38 = arith.constant 16 : i32
      %mul3A_39 = arith.muli %scan3A_35, %mul3A_38 : i32
      %swap3A = arith.index_cast %mul3A_39 : i32 to index
      %swap3A_40 = tpu.vector_load %arg5[%swap3A] {strides = array<i32>} : memref<256xf32, #tpu.memory_space<vmem>>, vector<16xf32>,
      %swap3A_41 = vector.shape_cast %swap3A_40 : vector<16xf32> to vector<16xf32>
      %swap3A_42 = vector.shape_cast %broadcast_in_dim3A_37 : vector<16xf32> to vector<16xf32>
      tpu.vector_store %arg5[%swap3A], %swap3A_42 {strides = array<i32>} : memref<256xf32, #tpu.memory_space<vmem>>, vector<16xf32>,
      %scan3A_43 = arith.constant 0 : i32
      scf.yield %scan3A_43 : i32
    }
    %scan3A_17 = arith.constant 16 : i32
    %scan3A_18 = arith.constant 0 : i32
    %scan3A_19 = arith.constant 0 : i32
    %scan3A_20 = arith.constant 40 : i32
    %scan3A_21 = arith.addi %scan3A_19, %scan3A_20 : i32
    %scan3A_22 = arith.constant 1 : i32
    %scan3A_23 = scf.for %scan3A_35 = %scan3A_19 to %scan3A_21 step %scan3A_22 iter_args(%scan3A_36 = %scan3A_18) -> (i32)  : i32 {
      %broadcast_in_dim3A = arith.constant 0.000000e+00 : f32
      %broadcast_in_dim3A_37 = vector.broadcast %broadcast_in_dim3A : f32 to vector<16xf32>
      %mul3A_38 = arith.constant 16 : i32
      %mul3A_39 = arith.muli %scan3A_35, %mul3A_38 : i32
      %swap3A = arith.index_cast %mul3A_39 : i32 to index
      %swap3A_40 = tpu.vector_load %arg6[%swap3A] {strides = array<i32>} : memref<640xf32, #tpu.memory_space<vmem>>, vector<16xf32>,
      %swap3A_41 = vector.shape_cast %swap3A_40 : vector<16xf32> to vector<16xf32>
      %swap3A_42 = vector.shape_cast %broadcast_in_dim3A_37 : vector<16xf32> to vector<16xf32>
      tpu.vector_store %arg6[%swap3A], %swap3A_42 {strides = array<i32>} : memref<640xf32, #tpu.memory_space<vmem>>, vector<16xf32>,
      %scan3A_43 = arith.constant 0 : i32
      scf.yield %scan3A_43 : i32
    }
    %scan3A_24 = arith.constant 40 : i32
    %mul3A_25 = arith.constant 640 : i32
    %mul3A_26 = arith.muli %arg1, %mul3A_25 : i32
    "tpu.region"() ({
      %run_scoped3A_35 = tpu.sem_alloc : memref<!tpu.dma_semaphore, #tpu.memory_space<semaphore_mem>>
      %dma_start3A = tpu.memref_slice %arg7[%mul3A_26] : memref<10240xf32, #tpu.memory_space<vmem_shared>> -> memref<640xf32, #tpu.memory_space<vmem_shared>>
      %dma_start3A_36 = tpu.memref_slice %arg7[%mul3A_26] : memref<10240xf32, #tpu.memory_space<vmem_shared>> -> memref<640xf32, #tpu.memory_space<vmem_shared>>
      tpu.enqueue_dma source(%arg6 : memref<640xf32, #tpu.memory_space<vmem>>) target(%dma_start3A_36 : memref<640xf32, #tpu.memory_space<vmem_shared>>) target_semaphore(%run_scoped3A_35 : memref<!tpu.dma_semaphore, #tpu.memory_space<semaphore_mem>>)
      %dma_wait3A = tpu.memref_slice %arg7[%mul3A_26] : memref<10240xf32, #tpu.memory_space<vmem_shared>> -> memref<640xf32, #tpu.memory_space<vmem_shared>>
      %dma_wait3A_37 = tpu.memref_slice %arg7[%mul3A_26] : memref<10240xf32, #tpu.memory_space<vmem_shared>> -> memref<640xf32, #tpu.memory_space<vmem_shared>>
      tpu.wait_dma2 semaphore(%run_scoped3A_35 : memref<!tpu.dma_semaphore, #tpu.memory_space<semaphore_mem>>) src(%arg6 : memref<640xf32, #tpu.memory_space<vmem>>) dst(%dma_wait3A_37 : memref<640xf32, #tpu.memory_space<vmem_shared>>)
      tpu.yield
    }) : () -> ()
    %barrier3A = arith.constant 0 : index
    tpu.barrier barrier_id(%barrier3A)
    %scan3A_27 = arith.constant 0 : i32
    %scan3A_28 = arith.constant 0 : i32
    %scan3A_29 = arith.constant 40 : i32
    %scan3A_30 = arith.addi %scan3A_28, %scan3A_29 : i32
    %scan3A_31 = arith.constant 1 : i32
    %scan3A_32 = scf.for %scan3A_35 = %scan3A_28 to %scan3A_30 step %scan3A_31 iter_args(%scan3A_36 = %scan3A_27) -> (i32)  : i32 {
      %lt3A_37 = arith.cmpi slt, %scan3A_35, %add3A_8 : i32
      %convert_element_type3A_38 = arith.extui %lt3A_37 : i1 to i32
      %cond3A_39 = arith.constant 0 : i32
      %cond3A_40 = arith.cmpi ne, %convert_element_type3A_38, %cond3A_39 : i32
      scf.if %cond3A_40 {
        "tpu.region"() ({
          %run_scoped3A_42 = tpu.sem_alloc : memref<!tpu.dma_semaphore, #tpu.memory_space<semaphore_mem>>
          %dma_start3A = arith.constant 0 : i32
          %dma_start3A_43 = tpu.memref_slice %arg4[%scan3A_35, %dma_start3A] : memref<40x256xi32, #tpu.memory_space<vmem>> -> memref<1x256xi32, #tpu.memory_space<vmem>>
          %dma_start3A_44 = tpu.memref_squeeze %dma_start3A_43 : memref<1x256xi32, #tpu.memory_space<vmem>> -> memref<256xi32, #tpu.memory_space<vmem>>
          %dma_start3A_45 = arith.constant 0 : i32
          %dma_start3A_46 = tpu.memref_slice %arg7[%dma_start3A_45] : memref<10240xf32, #tpu.memory_space<vmem_shared>> -> memref<10240xf32, #tpu.memory_space<vmem_shared>>
          tpu.enqueue_indirect_dma source(%arg5 : memref<256xf32, #tpu.memory_space<vmem>>) target(%dma_start3A_46 : memref<10240xf32, #tpu.memory_space<vmem_shared>>) offsets(%dma_start3A_44 : memref<256xi32, #tpu.memory_space<vmem>>) semaphore(%run_scoped3A_42 : memref<!tpu.dma_semaphore, #tpu.memory_space<semaphore_mem>>) {add = true}
          %dma_wait3A = arith.constant 0 : i32
          %dma_wait3A_47 = tpu.memref_slice %arg4[%scan3A_35, %dma_wait3A] : memref<40x256xi32, #tpu.memory_space<vmem>> -> memref<1x256xi32, #tpu.memory_space<vmem>>
          %dma_wait3A_48 = tpu.memref_squeeze %dma_wait3A_47 : memref<1x256xi32, #tpu.memory_space<vmem>> -> memref<256xi32, #tpu.memory_space<vmem>>
          %dma_wait3A_49 = arith.constant 0 : i32
          %dma_wait3A_50 = tpu.memref_slice %arg7[%dma_wait3A_49] : memref<10240xf32, #tpu.memory_space<vmem_shared>> -> memref<10240xf32, #tpu.memory_space<vmem_shared>>
          tpu.wait_indirect_dma semaphore(%run_scoped3A_42 : memref<!tpu.dma_semaphore, #tpu.memory_space<semaphore_mem>>) src(%arg5 : memref<256xf32, #tpu.memory_space<vmem>>) dst(%dma_wait3A_50 : memref<10240xf32, #tpu.memory_space<vmem_shared>>)
          tpu.yield
        }) : () -> ()
      } else {
      }
      %scan3A_41 = arith.constant 0 : i32
      scf.yield %scan3A_41 : i32
    }
    %scan3A_33 = arith.constant 40 : i32
    %barrier3A_34 = arith.constant 0 : index
    tpu.barrier barrier_id(%barrier3A_34)
    "tpu.region"() ({
      %run_scoped3A_35 = tpu.sem_alloc : memref<!tpu.dma_semaphore, #tpu.memory_space<semaphore_mem>>
      %dma_start3A = tpu.memref_slice %arg3[%arg0, %mul3A_26] : memref<2x10240xf32, #tpu.memory_space<hbm>> -> memref<1x640xf32, #tpu.memory_space<hbm>>
      %dma_start3A_36 = tpu.memref_squeeze %dma_start3A : memref<1x640xf32, #tpu.memory_space<hbm>> -> memref<640xf32, #tpu.memory_space<hbm>>
      %dma_start3A_37 = tpu.memref_slice %arg7[%mul3A_26] : memref<10240xf32, #tpu.memory_space<vmem_shared>> -> memref<640xf32, #tpu.memory_space<vmem_shared>>
      tpu.enqueue_dma source(%dma_start3A_37 : memref<640xf32, #tpu.memory_space<vmem_shared>>) target(%dma_start3A_36 : memref<640xf32, #tpu.memory_space<hbm>>) target_semaphore(%run_scoped3A_35 : memref<!tpu.dma_semaphore, #tpu.memory_space<semaphore_mem>>)
      %dma_wait3A = tpu.memref_slice %arg3[%arg0, %mul3A_26] : memref<2x10240xf32, #tpu.memory_space<hbm>> -> memref<1x640xf32, #tpu.memory_space<hbm>>
      %dma_wait3A_38 = tpu.memref_squeeze %dma_wait3A : memref<1x640xf32, #tpu.memory_space<hbm>> -> memref<640xf32, #tpu.memory_space<hbm>>
      %dma_wait3A_39 = tpu.memref_slice %arg7[%mul3A_26] : memref<10240xf32, #tpu.memory_space<vmem_shared>> -> memref<640xf32, #tpu.memory_space<vmem_shared>>
      tpu.wait_dma2 semaphore(%run_scoped3A_35 : memref<!tpu.dma_semaphore, #tpu.memory_space<semaphore_mem>>) src(%dma_wait3A_39 : memref<640xf32, #tpu.memory_space<vmem_shared>>) dst(%dma_wait3A_38 : memref<640xf32, #tpu.memory_space<hbm>>)
      tpu.yield
    }) : () -> ()
    return
  }
}

#map = affine_map<(d0, d1) -> (0, 0)>
#map1 = affine_map<(d0, d1) -> (0, 0, 0)>
#map2 = affine_map<(d0, d1) -> (0)>
module attributes {stable_mosaic.version = 14 : i64} {
  func.func @_gcn2x_kernel(%arg0: i32, %arg1: i32, %arg2: memref<10240x64xf32, #tpu.memory_space<hbm>>, %arg3: memref<10240x16xf32, #tpu.memory_space<hbm>>, %arg4: memref<2x1250x256xi32, #tpu.memory_space<hbm>>, %arg5: memref<64xf32, #tpu.memory_space<hbm>>, %arg6: memref<10240x64xf32, #tpu.memory_space<hbm>>, %arg7: memref<79x256xi32, #tpu.memory_space<vmem>>, %arg8: memref<79x256xi32, #tpu.memory_space<vmem>>, %arg9: memref<4x256x32xf32, #tpu.memory_space<vmem>>, %arg10: memref<640x16xf32, #tpu.memory_space<vmem>>, %arg11: memref<32xf32, #tpu.memory_space<vmem>>, %arg12: memref<10240x32xf32, #tpu.memory_space<vmem_shared>>, %arg13: memref<10240x32xf32, #tpu.memory_space<vmem_shared>>, %arg14: memref<!tpu.dma_semaphore, #tpu.memory_space<semaphore_mem>>, %arg15: memref<!tpu.dma_semaphore, #tpu.memory_space<semaphore_mem>>) attributes {dimension_semantics = [#tpu.dimension_semantics<core_parallel>, #tpu.dimension_semantics<subcore_parallel>], iteration_bounds = array<i64: 2, 16>, scalar_prefetch = 0 : i64, scratch_operands = 9 : i64, tpu.core_type = #tpu.core_type<sc_vector_subcore>, window_params = [{transform_indices = #map}, {transform_indices = #map}, {transform_indices = #map1}, {transform_indices = #map2}, {transform_indices = #map}]} {
    %mul3A = arith.constant 32 : i32
    %mul3A_0 = arith.muli %arg0, %mul3A : i32
    %mul3A_1 = arith.constant 78 : i32
    %mul3A_2 = arith.muli %arg1, %mul3A_1 : i32
    %min3A = arith.constant 2 : i32
    %min3A_3 = arith.minsi %arg1, %min3A : i32
    %add3A = arith.addi %mul3A_2, %min3A_3 : i32
    %lt3A = arith.constant 2 : i32
    %lt3A_4 = arith.cmpi slt, %arg1, %lt3A : i32
    %jit3A = arith.constant 1 : i32
    %jit3A_5 = arith.constant 0 : i32
    %select_n3A = arith.select %lt3A_4, %jit3A, %jit3A_5 : i32
    %add3A_6 = arith.constant 78 : i32
    %add3A_7 = arith.addi %add3A_6, %select_n3A : i32
    %mul3A_8 = arith.constant 640 : i32
    %mul3A_9 = arith.muli %arg1, %mul3A_8 : i32
    %run_scoped3A = arith.constant 0 : i32
    "tpu.region"() ({
      %run_scoped3A_239 = tpu.sem_alloc : memref<!tpu.dma_semaphore, #tpu.memory_space<semaphore_mem>>
      %dma_start3A_240 = arith.constant 0 : i32
      %dma_start3A_241 = arith.constant 0 : i32
      %dma_start3A_242 = tpu.memref_slice %arg7[%dma_start3A_240, %dma_start3A_241] : memref<79x256xi32, #tpu.memory_space<vmem>> -> memref<78x256xi32, #tpu.memory_space<vmem>>
      %dma_start3A_243 = arith.constant 0 : i32
      %dma_start3A_244 = tpu.memref_slice %arg4[%run_scoped3A, %add3A, %dma_start3A_243] : memref<2x1250x256xi32, #tpu.memory_space<hbm>> -> memref<1x78x256xi32, #tpu.memory_space<hbm>>
      %dma_start3A_245 = tpu.memref_squeeze %dma_start3A_244 : memref<1x78x256xi32, #tpu.memory_space<hbm>> -> memref<78x256xi32, #tpu.memory_space<hbm>>
      %dma_start3A_246 = arith.constant 0 : i32
      %dma_start3A_247 = arith.constant 0 : i32
      %dma_start3A_248 = tpu.memref_slice %arg7[%dma_start3A_246, %dma_start3A_247] : memref<79x256xi32, #tpu.memory_space<vmem>> -> memref<78x256xi32, #tpu.memory_space<vmem>>
      %dma_start3A_249 = arith.constant 0 : i32
      %dma_start3A_250 = tpu.memref_slice %arg4[%run_scoped3A, %add3A, %dma_start3A_249] : memref<2x1250x256xi32, #tpu.memory_space<hbm>> -> memref<1x78x256xi32, #tpu.memory_space<hbm>>
      %dma_start3A_251 = tpu.memref_squeeze %dma_start3A_250 : memref<1x78x256xi32, #tpu.memory_space<hbm>> -> memref<78x256xi32, #tpu.memory_space<hbm>>
      tpu.enqueue_dma source(%dma_start3A_251 : memref<78x256xi32, #tpu.memory_space<hbm>>) target(%dma_start3A_248 : memref<78x256xi32, #tpu.memory_space<vmem>>) target_semaphore(%run_scoped3A_239 : memref<!tpu.dma_semaphore, #tpu.memory_space<semaphore_mem>>)
      %dma_wait3A = arith.constant 0 : i32
      %dma_wait3A_252 = arith.constant 0 : i32
      %dma_wait3A_253 = tpu.memref_slice %arg7[%dma_wait3A, %dma_wait3A_252] : memref<79x256xi32, #tpu.memory_space<vmem>> -> memref<78x256xi32, #tpu.memory_space<vmem>>
      %dma_wait3A_254 = arith.constant 0 : i32
      %dma_wait3A_255 = tpu.memref_slice %arg4[%run_scoped3A, %add3A, %dma_wait3A_254] : memref<2x1250x256xi32, #tpu.memory_space<hbm>> -> memref<1x78x256xi32, #tpu.memory_space<hbm>>
      %dma_wait3A_256 = tpu.memref_squeeze %dma_wait3A_255 : memref<1x78x256xi32, #tpu.memory_space<hbm>> -> memref<78x256xi32, #tpu.memory_space<hbm>>
      %dma_wait3A_257 = arith.constant 0 : i32
      %dma_wait3A_258 = arith.constant 0 : i32
      %dma_wait3A_259 = tpu.memref_slice %arg7[%dma_wait3A_257, %dma_wait3A_258] : memref<79x256xi32, #tpu.memory_space<vmem>> -> memref<78x256xi32, #tpu.memory_space<vmem>>
      %dma_wait3A_260 = arith.constant 0 : i32
      %dma_wait3A_261 = tpu.memref_slice %arg4[%run_scoped3A, %add3A, %dma_wait3A_260] : memref<2x1250x256xi32, #tpu.memory_space<hbm>> -> memref<1x78x256xi32, #tpu.memory_space<hbm>>
      %dma_wait3A_262 = tpu.memref_squeeze %dma_wait3A_261 : memref<1x78x256xi32, #tpu.memory_space<hbm>> -> memref<78x256xi32, #tpu.memory_space<hbm>>
      tpu.wait_dma2 semaphore(%run_scoped3A_239 : memref<!tpu.dma_semaphore, #tpu.memory_space<semaphore_mem>>) src(%dma_wait3A_262 : memref<78x256xi32, #tpu.memory_space<hbm>>) dst(%dma_wait3A_259 : memref<78x256xi32, #tpu.memory_space<vmem>>)
      tpu.yield
    }) : () -> ()
    %run_scoped3A_10 = arith.constant 1 : i32
    "tpu.region"() ({
      %run_scoped3A_239 = tpu.sem_alloc : memref<!tpu.dma_semaphore, #tpu.memory_space<semaphore_mem>>
      %dma_start3A_240 = arith.constant 0 : i32
      %dma_start3A_241 = arith.constant 0 : i32
      %dma_start3A_242 = tpu.memref_slice %arg8[%dma_start3A_240, %dma_start3A_241] : memref<79x256xi32, #tpu.memory_space<vmem>> -> memref<78x256xi32, #tpu.memory_space<vmem>>
      %dma_start3A_243 = arith.constant 0 : i32
      %dma_start3A_244 = tpu.memref_slice %arg4[%run_scoped3A_10, %add3A, %dma_start3A_243] : memref<2x1250x256xi32, #tpu.memory_space<hbm>> -> memref<1x78x256xi32, #tpu.memory_space<hbm>>
      %dma_start3A_245 = tpu.memref_squeeze %dma_start3A_244 : memref<1x78x256xi32, #tpu.memory_space<hbm>> -> memref<78x256xi32, #tpu.memory_space<hbm>>
      %dma_start3A_246 = arith.constant 0 : i32
      %dma_start3A_247 = arith.constant 0 : i32
      %dma_start3A_248 = tpu.memref_slice %arg8[%dma_start3A_246, %dma_start3A_247] : memref<79x256xi32, #tpu.memory_space<vmem>> -> memref<78x256xi32, #tpu.memory_space<vmem>>
      %dma_start3A_249 = arith.constant 0 : i32
      %dma_start3A_250 = tpu.memref_slice %arg4[%run_scoped3A_10, %add3A, %dma_start3A_249] : memref<2x1250x256xi32, #tpu.memory_space<hbm>> -> memref<1x78x256xi32, #tpu.memory_space<hbm>>
      %dma_start3A_251 = tpu.memref_squeeze %dma_start3A_250 : memref<1x78x256xi32, #tpu.memory_space<hbm>> -> memref<78x256xi32, #tpu.memory_space<hbm>>
      tpu.enqueue_dma source(%dma_start3A_251 : memref<78x256xi32, #tpu.memory_space<hbm>>) target(%dma_start3A_248 : memref<78x256xi32, #tpu.memory_space<vmem>>) target_semaphore(%run_scoped3A_239 : memref<!tpu.dma_semaphore, #tpu.memory_space<semaphore_mem>>)
      %dma_wait3A = arith.constant 0 : i32
      %dma_wait3A_252 = arith.constant 0 : i32
      %dma_wait3A_253 = tpu.memref_slice %arg8[%dma_wait3A, %dma_wait3A_252] : memref<79x256xi32, #tpu.memory_space<vmem>> -> memref<78x256xi32, #tpu.memory_space<vmem>>
      %dma_wait3A_254 = arith.constant 0 : i32
      %dma_wait3A_255 = tpu.memref_slice %arg4[%run_scoped3A_10, %add3A, %dma_wait3A_254] : memref<2x1250x256xi32, #tpu.memory_space<hbm>> -> memref<1x78x256xi32, #tpu.memory_space<hbm>>
      %dma_wait3A_256 = tpu.memref_squeeze %dma_wait3A_255 : memref<1x78x256xi32, #tpu.memory_space<hbm>> -> memref<78x256xi32, #tpu.memory_space<hbm>>
      %dma_wait3A_257 = arith.constant 0 : i32
      %dma_wait3A_258 = arith.constant 0 : i32
      %dma_wait3A_259 = tpu.memref_slice %arg8[%dma_wait3A_257, %dma_wait3A_258] : memref<79x256xi32, #tpu.memory_space<vmem>> -> memref<78x256xi32, #tpu.memory_space<vmem>>
      %dma_wait3A_260 = arith.constant 0 : i32
      %dma_wait3A_261 = tpu.memref_slice %arg4[%run_scoped3A_10, %add3A, %dma_wait3A_260] : memref<2x1250x256xi32, #tpu.memory_space<hbm>> -> memref<1x78x256xi32, #tpu.memory_space<hbm>>
      %dma_wait3A_262 = tpu.memref_squeeze %dma_wait3A_261 : memref<1x78x256xi32, #tpu.memory_space<hbm>> -> memref<78x256xi32, #tpu.memory_space<hbm>>
      tpu.wait_dma2 semaphore(%run_scoped3A_239 : memref<!tpu.dma_semaphore, #tpu.memory_space<semaphore_mem>>) src(%dma_wait3A_262 : memref<78x256xi32, #tpu.memory_space<hbm>>) dst(%dma_wait3A_259 : memref<78x256xi32, #tpu.memory_space<vmem>>)
      tpu.yield
    }) : () -> ()
    %lt3A_11 = arith.constant 2 : i32
    %lt3A_12 = arith.cmpi slt, %arg1, %lt3A_11 : i32
    %convert_element_type3A = arith.extui %lt3A_12 : i1 to i32
    %cond3A = arith.constant 0 : i32
    %cond3A_13 = arith.cmpi ne, %convert_element_type3A, %cond3A : i32
    scf.if %cond3A_13 {
      %add3A_239 = arith.constant 78 : i32
      %add3A_240 = arith.addi %add3A, %add3A_239 : i32
      %run_scoped3A_241 = arith.constant 0 : i32
      "tpu.region"() ({
        %run_scoped3A_245 = tpu.sem_alloc : memref<!tpu.dma_semaphore, #tpu.memory_space<semaphore_mem>>
        %dma_start3A_246 = arith.constant 78 : i32
        %dma_start3A_247 = arith.constant 0 : i32
        %dma_start3A_248 = tpu.memref_slice %arg7[%dma_start3A_246, %dma_start3A_247] : memref<79x256xi32, #tpu.memory_space<vmem>> -> memref<1x256xi32, #tpu.memory_space<vmem>>
        %dma_start3A_249 = arith.constant 0 : i32
        %dma_start3A_250 = tpu.memref_slice %arg4[%run_scoped3A_241, %add3A_240, %dma_start3A_249] : memref<2x1250x256xi32, #tpu.memory_space<hbm>> -> memref<1x1x256xi32, #tpu.memory_space<hbm>>
        %dma_start3A_251 = tpu.memref_squeeze %dma_start3A_250 : memref<1x1x256xi32, #tpu.memory_space<hbm>> -> memref<1x256xi32, #tpu.memory_space<hbm>>
        %dma_start3A_252 = arith.constant 78 : i32
        %dma_start3A_253 = arith.constant 0 : i32
        %dma_start3A_254 = tpu.memref_slice %arg7[%dma_start3A_252, %dma_start3A_253] : memref<79x256xi32, #tpu.memory_space<vmem>> -> memref<1x256xi32, #tpu.memory_space<vmem>>
        %dma_start3A_255 = arith.constant 0 : i32
        %dma_start3A_256 = tpu.memref_slice %arg4[%run_scoped3A_241, %add3A_240, %dma_start3A_255] : memref<2x1250x256xi32, #tpu.memory_space<hbm>> -> memref<1x1x256xi32, #tpu.memory_space<hbm>>
        %dma_start3A_257 = tpu.memref_squeeze %dma_start3A_256 : memref<1x1x256xi32, #tpu.memory_space<hbm>> -> memref<1x256xi32, #tpu.memory_space<hbm>>
        tpu.enqueue_dma source(%dma_start3A_257 : memref<1x256xi32, #tpu.memory_space<hbm>>) target(%dma_start3A_254 : memref<1x256xi32, #tpu.memory_space<vmem>>) target_semaphore(%run_scoped3A_245 : memref<!tpu.dma_semaphore, #tpu.memory_space<semaphore_mem>>)
        %dma_wait3A = arith.constant 78 : i32
        %dma_wait3A_258 = arith.constant 0 : i32
        %dma_wait3A_259 = tpu.memref_slice %arg7[%dma_wait3A, %dma_wait3A_258] : memref<79x256xi32, #tpu.memory_space<vmem>> -> memref<1x256xi32, #tpu.memory_space<vmem>>
        %dma_wait3A_260 = arith.constant 0 : i32
        %dma_wait3A_261 = tpu.memref_slice %arg4[%run_scoped3A_241, %add3A_240, %dma_wait3A_260] : memref<2x1250x256xi32, #tpu.memory_space<hbm>> -> memref<1x1x256xi32, #tpu.memory_space<hbm>>
        %dma_wait3A_262 = tpu.memref_squeeze %dma_wait3A_261 : memref<1x1x256xi32, #tpu.memory_space<hbm>> -> memref<1x256xi32, #tpu.memory_space<hbm>>
        %dma_wait3A_263 = arith.constant 78 : i32
        %dma_wait3A_264 = arith.constant 0 : i32
        %dma_wait3A_265 = tpu.memref_slice %arg7[%dma_wait3A_263, %dma_wait3A_264] : memref<79x256xi32, #tpu.memory_space<vmem>> -> memref<1x256xi32, #tpu.memory_space<vmem>>
        %dma_wait3A_266 = arith.constant 0 : i32
        %dma_wait3A_267 = tpu.memref_slice %arg4[%run_scoped3A_241, %add3A_240, %dma_wait3A_266] : memref<2x1250x256xi32, #tpu.memory_space<hbm>> -> memref<1x1x256xi32, #tpu.memory_space<hbm>>
        %dma_wait3A_268 = tpu.memref_squeeze %dma_wait3A_267 : memref<1x1x256xi32, #tpu.memory_space<hbm>> -> memref<1x256xi32, #tpu.memory_space<hbm>>
        tpu.wait_dma2 semaphore(%run_scoped3A_245 : memref<!tpu.dma_semaphore, #tpu.memory_space<semaphore_mem>>) src(%dma_wait3A_268 : memref<1x256xi32, #tpu.memory_space<hbm>>) dst(%dma_wait3A_265 : memref<1x256xi32, #tpu.memory_space<vmem>>)
        tpu.yield
      }) : () -> ()
      %add3A_242 = arith.constant 78 : i32
      %add3A_243 = arith.addi %add3A, %add3A_242 : i32
      %run_scoped3A_244 = arith.constant 1 : i32
      "tpu.region"() ({
        %run_scoped3A_245 = tpu.sem_alloc : memref<!tpu.dma_semaphore, #tpu.memory_space<semaphore_mem>>
        %dma_start3A_246 = arith.constant 78 : i32
        %dma_start3A_247 = arith.constant 0 : i32
        %dma_start3A_248 = tpu.memref_slice %arg8[%dma_start3A_246, %dma_start3A_247] : memref<79x256xi32, #tpu.memory_space<vmem>> -> memref<1x256xi32, #tpu.memory_space<vmem>>
        %dma_start3A_249 = arith.constant 0 : i32
        %dma_start3A_250 = tpu.memref_slice %arg4[%run_scoped3A_244, %add3A_243, %dma_start3A_249] : memref<2x1250x256xi32, #tpu.memory_space<hbm>> -> memref<1x1x256xi32, #tpu.memory_space<hbm>>
        %dma_start3A_251 = tpu.memref_squeeze %dma_start3A_250 : memref<1x1x256xi32, #tpu.memory_space<hbm>> -> memref<1x256xi32, #tpu.memory_space<hbm>>
        %dma_start3A_252 = arith.constant 78 : i32
        %dma_start3A_253 = arith.constant 0 : i32
        %dma_start3A_254 = tpu.memref_slice %arg8[%dma_start3A_252, %dma_start3A_253] : memref<79x256xi32, #tpu.memory_space<vmem>> -> memref<1x256xi32, #tpu.memory_space<vmem>>
        %dma_start3A_255 = arith.constant 0 : i32
        %dma_start3A_256 = tpu.memref_slice %arg4[%run_scoped3A_244, %add3A_243, %dma_start3A_255] : memref<2x1250x256xi32, #tpu.memory_space<hbm>> -> memref<1x1x256xi32, #tpu.memory_space<hbm>>
        %dma_start3A_257 = tpu.memref_squeeze %dma_start3A_256 : memref<1x1x256xi32, #tpu.memory_space<hbm>> -> memref<1x256xi32, #tpu.memory_space<hbm>>
        tpu.enqueue_dma source(%dma_start3A_257 : memref<1x256xi32, #tpu.memory_space<hbm>>) target(%dma_start3A_254 : memref<1x256xi32, #tpu.memory_space<vmem>>) target_semaphore(%run_scoped3A_245 : memref<!tpu.dma_semaphore, #tpu.memory_space<semaphore_mem>>)
        %dma_wait3A = arith.constant 78 : i32
        %dma_wait3A_258 = arith.constant 0 : i32
        %dma_wait3A_259 = tpu.memref_slice %arg8[%dma_wait3A, %dma_wait3A_258] : memref<79x256xi32, #tpu.memory_space<vmem>> -> memref<1x256xi32, #tpu.memory_space<vmem>>
        %dma_wait3A_260 = arith.constant 0 : i32
        %dma_wait3A_261 = tpu.memref_slice %arg4[%run_scoped3A_244, %add3A_243, %dma_wait3A_260] : memref<2x1250x256xi32, #tpu.memory_space<hbm>> -> memref<1x1x256xi32, #tpu.memory_space<hbm>>
        %dma_wait3A_262 = tpu.memref_squeeze %dma_wait3A_261 : memref<1x1x256xi32, #tpu.memory_space<hbm>> -> memref<1x256xi32, #tpu.memory_space<hbm>>
        %dma_wait3A_263 = arith.constant 78 : i32
        %dma_wait3A_264 = arith.constant 0 : i32
        %dma_wait3A_265 = tpu.memref_slice %arg8[%dma_wait3A_263, %dma_wait3A_264] : memref<79x256xi32, #tpu.memory_space<vmem>> -> memref<1x256xi32, #tpu.memory_space<vmem>>
        %dma_wait3A_266 = arith.constant 0 : i32
        %dma_wait3A_267 = tpu.memref_slice %arg4[%run_scoped3A_244, %add3A_243, %dma_wait3A_266] : memref<2x1250x256xi32, #tpu.memory_space<hbm>> -> memref<1x1x256xi32, #tpu.memory_space<hbm>>
        %dma_wait3A_268 = tpu.memref_squeeze %dma_wait3A_267 : memref<1x1x256xi32, #tpu.memory_space<hbm>> -> memref<1x256xi32, #tpu.memory_space<hbm>>
        tpu.wait_dma2 semaphore(%run_scoped3A_245 : memref<!tpu.dma_semaphore, #tpu.memory_space<semaphore_mem>>) src(%dma_wait3A_268 : memref<1x256xi32, #tpu.memory_space<hbm>>) dst(%dma_wait3A_265 : memref<1x256xi32, #tpu.memory_space<vmem>>)
        tpu.yield
      }) : () -> ()
    } else {
    }
    "tpu.region"() ({
      %run_scoped3A_239 = tpu.sem_alloc : memref<!tpu.dma_semaphore, #tpu.memory_space<semaphore_mem>>
      %dma_start3A_240 = arith.constant 0 : i32
      %dma_start3A_241 = tpu.memref_slice %arg3[%mul3A_9, %dma_start3A_240] : memref<10240x16xf32, #tpu.memory_space<hbm>> -> memref<640x16xf32, #tpu.memory_space<hbm>>
      %dma_start3A_242 = arith.constant 0 : i32
      %dma_start3A_243 = tpu.memref_slice %arg3[%mul3A_9, %dma_start3A_242] : memref<10240x16xf32, #tpu.memory_space<hbm>> -> memref<640x16xf32, #tpu.memory_space<hbm>>
      tpu.enqueue_dma source(%dma_start3A_243 : memref<640x16xf32, #tpu.memory_space<hbm>>) target(%arg10 : memref<640x16xf32, #tpu.memory_space<vmem>>) target_semaphore(%run_scoped3A_239 : memref<!tpu.dma_semaphore, #tpu.memory_space<semaphore_mem>>)
      %dma_wait3A = arith.constant 0 : i32
      %dma_wait3A_244 = tpu.memref_slice %arg3[%mul3A_9, %dma_wait3A] : memref<10240x16xf32, #tpu.memory_space<hbm>> -> memref<640x16xf32, #tpu.memory_space<hbm>>
      %dma_wait3A_245 = arith.constant 0 : i32
      %dma_wait3A_246 = tpu.memref_slice %arg3[%mul3A_9, %dma_wait3A_245] : memref<10240x16xf32, #tpu.memory_space<hbm>> -> memref<640x16xf32, #tpu.memory_space<hbm>>
      tpu.wait_dma2 semaphore(%run_scoped3A_239 : memref<!tpu.dma_semaphore, #tpu.memory_space<semaphore_mem>>) src(%dma_wait3A_246 : memref<640x16xf32, #tpu.memory_space<hbm>>) dst(%arg10 : memref<640x16xf32, #tpu.memory_space<vmem>>)
      tpu.yield
    }) : () -> ()
    "tpu.region"() ({
      %run_scoped3A_239 = tpu.sem_alloc : memref<!tpu.dma_semaphore, #tpu.memory_space<semaphore_mem>>
      %dma_start3A_240 = tpu.memref_slice %arg5[%mul3A_0] : memref<64xf32, #tpu.memory_space<hbm>> -> memref<32xf32, #tpu.memory_space<hbm>>
      %dma_start3A_241 = tpu.memref_slice %arg5[%mul3A_0] : memref<64xf32, #tpu.memory_space<hbm>> -> memref<32xf32, #tpu.memory_space<hbm>>
      tpu.enqueue_dma source(%dma_start3A_241 : memref<32xf32, #tpu.memory_space<hbm>>) target(%arg11 : memref<32xf32, #tpu.memory_space<vmem>>) target_semaphore(%run_scoped3A_239 : memref<!tpu.dma_semaphore, #tpu.memory_space<semaphore_mem>>)
      %dma_wait3A = tpu.memref_slice %arg5[%mul3A_0] : memref<64xf32, #tpu.memory_space<hbm>> -> memref<32xf32, #tpu.memory_space<hbm>>
      %dma_wait3A_242 = tpu.memref_slice %arg5[%mul3A_0] : memref<64xf32, #tpu.memory_space<hbm>> -> memref<32xf32, #tpu.memory_space<hbm>>
      tpu.wait_dma2 semaphore(%run_scoped3A_239 : memref<!tpu.dma_semaphore, #tpu.memory_space<semaphore_mem>>) src(%dma_wait3A_242 : memref<32xf32, #tpu.memory_space<hbm>>) dst(%arg11 : memref<32xf32, #tpu.memory_space<vmem>>)
      tpu.yield
    }) : () -> ()
    %add3A_14 = arith.constant 0 : i32
    %add3A_15 = arith.addi %mul3A_9, %add3A_14 : i32
    %run_scoped3A_16 = arith.constant 0 : i32
    "tpu.region"() ({
      %run_scoped3A_239 = tpu.sem_alloc : memref<!tpu.dma_semaphore, #tpu.memory_space<semaphore_mem>>
      %dma_start3A_240 = arith.constant 0 : i32
      %dma_start3A_241 = arith.constant 0 : i32
      %dma_start3A_242 = tpu.memref_slice %arg9[%run_scoped3A_16, %dma_start3A_240, %dma_start3A_241] : memref<4x256x32xf32, #tpu.memory_space<vmem>> -> memref<1x256x32xf32, #tpu.memory_space<vmem>>
      %dma_start3A_243 = tpu.memref_squeeze %dma_start3A_242 : memref<1x256x32xf32, #tpu.memory_space<vmem>> -> memref<256x32xf32, #tpu.memory_space<vmem>>
      %dma_start3A_244 = tpu.memref_slice %arg2[%add3A_15, %mul3A_0] : memref<10240x64xf32, #tpu.memory_space<hbm>> -> memref<256x32xf32, #tpu.memory_space<hbm>>
      %dma_start3A_245 = arith.constant 0 : i32
      %dma_start3A_246 = arith.constant 0 : i32
      %dma_start3A_247 = tpu.memref_slice %arg9[%run_scoped3A_16, %dma_start3A_245, %dma_start3A_246] : memref<4x256x32xf32, #tpu.memory_space<vmem>> -> memref<1x256x32xf32, #tpu.memory_space<vmem>>
      %dma_start3A_248 = tpu.memref_squeeze %dma_start3A_247 : memref<1x256x32xf32, #tpu.memory_space<vmem>> -> memref<256x32xf32, #tpu.memory_space<vmem>>
      %dma_start3A_249 = tpu.memref_slice %arg2[%add3A_15, %mul3A_0] : memref<10240x64xf32, #tpu.memory_space<hbm>> -> memref<256x32xf32, #tpu.memory_space<hbm>>
      tpu.enqueue_dma source(%dma_start3A_249 : memref<256x32xf32, #tpu.memory_space<hbm>>) target(%dma_start3A_248 : memref<256x32xf32, #tpu.memory_space<vmem>>) target_semaphore(%run_scoped3A_239 : memref<!tpu.dma_semaphore, #tpu.memory_space<semaphore_mem>>)
      %dma_wait3A = arith.constant 0 : i32
      %dma_wait3A_250 = arith.constant 0 : i32
      %dma_wait3A_251 = tpu.memref_slice %arg9[%run_scoped3A_16, %dma_wait3A, %dma_wait3A_250] : memref<4x256x32xf32, #tpu.memory_space<vmem>> -> memref<1x256x32xf32, #tpu.memory_space<vmem>>
      %dma_wait3A_252 = tpu.memref_squeeze %dma_wait3A_251 : memref<1x256x32xf32, #tpu.memory_space<vmem>> -> memref<256x32xf32, #tpu.memory_space<vmem>>
      %dma_wait3A_253 = tpu.memref_slice %arg2[%add3A_15, %mul3A_0] : memref<10240x64xf32, #tpu.memory_space<hbm>> -> memref<256x32xf32, #tpu.memory_space<hbm>>
      %dma_wait3A_254 = arith.constant 0 : i32
      %dma_wait3A_255 = arith.constant 0 : i32
      %dma_wait3A_256 = tpu.memref_slice %arg9[%run_scoped3A_16, %dma_wait3A_254, %dma_wait3A_255] : memref<4x256x32xf32, #tpu.memory_space<vmem>> -> memref<1x256x32xf32, #tpu.memory_space<vmem>>
      %dma_wait3A_257 = tpu.memref_squeeze %dma_wait3A_256 : memref<1x256x32xf32, #tpu.memory_space<vmem>> -> memref<256x32xf32, #tpu.memory_space<vmem>>
      %dma_wait3A_258 = tpu.memref_slice %arg2[%add3A_15, %mul3A_0] : memref<10240x64xf32, #tpu.memory_space<hbm>> -> memref<256x32xf32, #tpu.memory_space<hbm>>
      tpu.wait_dma2 semaphore(%run_scoped3A_239 : memref<!tpu.dma_semaphore, #tpu.memory_space<semaphore_mem>>) src(%dma_wait3A_258 : memref<256x32xf32, #tpu.memory_space<hbm>>) dst(%dma_wait3A_257 : memref<256x32xf32, #tpu.memory_space<vmem>>)
      tpu.yield
    }) : () -> ()
    %scan3A = arith.constant 0 : i32
    %scan3A_17 = arith.constant 0 : i32
    %scan3A_18 = arith.constant 256 : i32
    %scan3A_19 = arith.addi %scan3A_17, %scan3A_18 : i32
    %scan3A_20 = arith.constant 1 : i32
    %scan3A_21 = scf.for %scan3A_239 = %scan3A_17 to %scan3A_19 step %scan3A_20 iter_args(%scan3A_240 = %scan3A) -> (i32)  : i32 {
      %add3A_241 = arith.constant 0 : i32
      %add3A_242 = arith.addi %add3A_241, %scan3A_239 : i32
      %get3A = arith.index_cast %add3A_242 : i32 to index
      %get3A_243 = arith.constant 0 : index
      %get3A_244 = tpu.vector_load %arg10[%get3A, %get3A_243] {strides = array<i32>} : memref<640x16xf32, #tpu.memory_space<vmem>>, vector<1x16xf32>,
      %get3A_245 = vector.shape_cast %get3A_244 : vector<1x16xf32> to vector<16xf32>
      %get3A_246 = arith.constant 0 : i32
      %get3A_247 = arith.index_cast %get3A_246 : i32 to index
      %get3A_248 = arith.index_cast %scan3A_239 : i32 to index
      %get3A_249 = arith.constant 0 : index
      %get3A_250 = tpu.vector_load %arg9[%get3A_247, %get3A_248, %get3A_249] {strides = array<i32>} : memref<4x256x32xf32, #tpu.memory_space<vmem>>, vector<1x1x16xf32>,
      %get3A_251 = vector.shape_cast %get3A_250 : vector<1x1x16xf32> to vector<16xf32>
      %mul3A_252 = arith.mulf %get3A_251, %get3A_245 : vector<16xf32>
      %swap3A = arith.constant 0 : i32
      %swap3A_253 = arith.index_cast %swap3A : i32 to index
      %swap3A_254 = arith.index_cast %scan3A_239 : i32 to index
      %swap3A_255 = arith.constant 0 : index
      %swap3A_256 = tpu.vector_load %arg9[%swap3A_253, %swap3A_254, %swap3A_255] {strides = array<i32>} : memref<4x256x32xf32, #tpu.memory_space<vmem>>, vector<1x1x16xf32>,
      %swap3A_257 = vector.shape_cast %swap3A_256 : vector<1x1x16xf32> to vector<16xf32>
      %swap3A_258 = vector.shape_cast %mul3A_252 : vector<16xf32> to vector<1x1x16xf32>
      tpu.vector_store %arg9[%swap3A_253, %swap3A_254, %swap3A_255], %swap3A_258 {strides = array<i32>} : memref<4x256x32xf32, #tpu.memory_space<vmem>>, vector<1x1x16xf32>,
      %get3A_259 = arith.constant 0 : i32
      %get3A_260 = arith.index_cast %get3A_259 : i32 to index
      %get3A_261 = arith.index_cast %scan3A_239 : i32 to index
      %get3A_262 = arith.constant 16 : index
      %get3A_263 = tpu.vector_load %arg9[%get3A_260, %get3A_261, %get3A_262] {strides = array<i32>} : memref<4x256x32xf32, #tpu.memory_space<vmem>>, vector<1x1x16xf32>,
      %get3A_264 = vector.shape_cast %get3A_263 : vector<1x1x16xf32> to vector<16xf32>
      %mul3A_265 = arith.mulf %get3A_264, %get3A_245 : vector<16xf32>
      %swap3A_266 = arith.constant 0 : i32
      %swap3A_267 = arith.index_cast %swap3A_266 : i32 to index
      %swap3A_268 = arith.index_cast %scan3A_239 : i32 to index
      %swap3A_269 = arith.constant 16 : index
      %swap3A_270 = tpu.vector_load %arg9[%swap3A_267, %swap3A_268, %swap3A_269] {strides = array<i32>} : memref<4x256x32xf32, #tpu.memory_space<vmem>>, vector<1x1x16xf32>,
      %swap3A_271 = vector.shape_cast %swap3A_270 : vector<1x1x16xf32> to vector<16xf32>
      %swap3A_272 = vector.shape_cast %mul3A_265 : vector<16xf32> to vector<1x1x16xf32>
      tpu.vector_store %arg9[%swap3A_267, %swap3A_268, %swap3A_269], %swap3A_272 {strides = array<i32>} : memref<4x256x32xf32, #tpu.memory_space<vmem>>, vector<1x1x16xf32>,
      %scan3A_273 = arith.constant 0 : i32
      scf.yield %scan3A_273 : i32
    }
    %scan3A_22 = arith.constant 256 : i32
    %add3A_23 = arith.constant 0 : i32
    %add3A_24 = arith.addi %mul3A_9, %add3A_23 : i32
    %run_scoped3A_25 = arith.constant 0 : i32
    "tpu.region"() ({
      %run_scoped3A_239 = tpu.sem_alloc : memref<!tpu.dma_semaphore, #tpu.memory_space<semaphore_mem>>
      %dma_start3A_240 = arith.constant 0 : i32
      %dma_start3A_241 = arith.constant 0 : i32
      %dma_start3A_242 = tpu.memref_slice %arg9[%run_scoped3A_25, %dma_start3A_240, %dma_start3A_241] : memref<4x256x32xf32, #tpu.memory_space<vmem>> -> memref<1x256x32xf32, #tpu.memory_space<vmem>>
      %dma_start3A_243 = tpu.memref_squeeze %dma_start3A_242 : memref<1x256x32xf32, #tpu.memory_space<vmem>> -> memref<256x32xf32, #tpu.memory_space<vmem>>
      %dma_start3A_244 = arith.constant 0 : i32
      %dma_start3A_245 = tpu.memref_slice %arg13[%add3A_24, %dma_start3A_244] : memref<10240x32xf32, #tpu.memory_space<vmem_shared>> -> memref<256x32xf32, #tpu.memory_space<vmem_shared>>
      %dma_start3A_246 = arith.constant 0 : i32
      %dma_start3A_247 = tpu.memref_slice %arg13[%add3A_24, %dma_start3A_246] : memref<10240x32xf32, #tpu.memory_space<vmem_shared>> -> memref<256x32xf32, #tpu.memory_space<vmem_shared>>
      %dma_start3A_248 = arith.constant 0 : i32
      %dma_start3A_249 = arith.constant 0 : i32
      %dma_start3A_250 = tpu.memref_slice %arg9[%run_scoped3A_25, %dma_start3A_248, %dma_start3A_249] : memref<4x256x32xf32, #tpu.memory_space<vmem>> -> memref<1x256x32xf32, #tpu.memory_space<vmem>>
      %dma_start3A_251 = tpu.memref_squeeze %dma_start3A_250 : memref<1x256x32xf32, #tpu.memory_space<vmem>> -> memref<256x32xf32, #tpu.memory_space<vmem>>
      tpu.enqueue_dma source(%dma_start3A_251 : memref<256x32xf32, #tpu.memory_space<vmem>>) target(%dma_start3A_247 : memref<256x32xf32, #tpu.memory_space<vmem_shared>>) target_semaphore(%run_scoped3A_239 : memref<!tpu.dma_semaphore, #tpu.memory_space<semaphore_mem>>)
      %dma_wait3A = arith.constant 0 : i32
      %dma_wait3A_252 = arith.constant 0 : i32
      %dma_wait3A_253 = tpu.memref_slice %arg9[%run_scoped3A_25, %dma_wait3A, %dma_wait3A_252] : memref<4x256x32xf32, #tpu.memory_space<vmem>> -> memref<1x256x32xf32, #tpu.memory_space<vmem>>
      %dma_wait3A_254 = tpu.memref_squeeze %dma_wait3A_253 : memref<1x256x32xf32, #tpu.memory_space<vmem>> -> memref<256x32xf32, #tpu.memory_space<vmem>>
      %dma_wait3A_255 = arith.constant 0 : i32
      %dma_wait3A_256 = tpu.memref_slice %arg13[%add3A_24, %dma_wait3A_255] : memref<10240x32xf32, #tpu.memory_space<vmem_shared>> -> memref<256x32xf32, #tpu.memory_space<vmem_shared>>
      %dma_wait3A_257 = arith.constant 0 : i32
      %dma_wait3A_258 = tpu.memref_slice %arg13[%add3A_24, %dma_wait3A_257] : memref<10240x32xf32, #tpu.memory_space<vmem_shared>> -> memref<256x32xf32, #tpu.memory_space<vmem_shared>>
      %dma_wait3A_259 = arith.constant 0 : i32
      %dma_wait3A_260 = arith.constant 0 : i32
      %dma_wait3A_261 = tpu.memref_slice %arg9[%run_scoped3A_25, %dma_wait3A_259, %dma_wait3A_260] : memref<4x256x32xf32, #tpu.memory_space<vmem>> -> memref<1x256x32xf32, #tpu.memory_space<vmem>>
      %dma_wait3A_262 = tpu.memref_squeeze %dma_wait3A_261 : memref<1x256x32xf32, #tpu.memory_space<vmem>> -> memref<256x32xf32, #tpu.memory_space<vmem>>
      tpu.wait_dma2 semaphore(%run_scoped3A_239 : memref<!tpu.dma_semaphore, #tpu.memory_space<semaphore_mem>>) src(%dma_wait3A_262 : memref<256x32xf32, #tpu.memory_space<vmem>>) dst(%dma_wait3A_258 : memref<256x32xf32, #tpu.memory_space<vmem_shared>>)
      tpu.yield
    }) : () -> ()
    %add3A_26 = arith.constant 0 : i32
    %add3A_27 = arith.addi %mul3A_9, %add3A_26 : i32
    %run_scoped3A_28 = arith.constant 0 : i32
    "tpu.region"() ({
      %run_scoped3A_239 = tpu.sem_alloc : memref<!tpu.dma_semaphore, #tpu.memory_space<semaphore_mem>>
      %dma_start3A_240 = arith.constant 0 : i32
      %dma_start3A_241 = arith.constant 0 : i32
      %dma_start3A_242 = tpu.memref_slice %arg9[%run_scoped3A_28, %dma_start3A_240, %dma_start3A_241] : memref<4x256x32xf32, #tpu.memory_space<vmem>> -> memref<1x256x32xf32, #tpu.memory_space<vmem>>
      %dma_start3A_243 = tpu.memref_squeeze %dma_start3A_242 : memref<1x256x32xf32, #tpu.memory_space<vmem>> -> memref<256x32xf32, #tpu.memory_space<vmem>>
      %dma_start3A_244 = arith.constant 0 : i32
      %dma_start3A_245 = tpu.memref_slice %arg12[%add3A_27, %dma_start3A_244] : memref<10240x32xf32, #tpu.memory_space<vmem_shared>> -> memref<256x32xf32, #tpu.memory_space<vmem_shared>>
      %dma_start3A_246 = arith.constant 0 : i32
      %dma_start3A_247 = tpu.memref_slice %arg12[%add3A_27, %dma_start3A_246] : memref<10240x32xf32, #tpu.memory_space<vmem_shared>> -> memref<256x32xf32, #tpu.memory_space<vmem_shared>>
      %dma_start3A_248 = arith.constant 0 : i32
      %dma_start3A_249 = arith.constant 0 : i32
      %dma_start3A_250 = tpu.memref_slice %arg9[%run_scoped3A_28, %dma_start3A_248, %dma_start3A_249] : memref<4x256x32xf32, #tpu.memory_space<vmem>> -> memref<1x256x32xf32, #tpu.memory_space<vmem>>
      %dma_start3A_251 = tpu.memref_squeeze %dma_start3A_250 : memref<1x256x32xf32, #tpu.memory_space<vmem>> -> memref<256x32xf32, #tpu.memory_space<vmem>>
      tpu.enqueue_dma source(%dma_start3A_251 : memref<256x32xf32, #tpu.memory_space<vmem>>) target(%dma_start3A_247 : memref<256x32xf32, #tpu.memory_space<vmem_shared>>) target_semaphore(%run_scoped3A_239 : memref<!tpu.dma_semaphore, #tpu.memory_space<semaphore_mem>>)
      %dma_wait3A = arith.constant 0 : i32
      %dma_wait3A_252 = arith.constant 0 : i32
      %dma_wait3A_253 = tpu.memref_slice %arg9[%run_scoped3A_28, %dma_wait3A, %dma_wait3A_252] : memref<4x256x32xf32, #tpu.memory_space<vmem>> -> memref<1x256x32xf32, #tpu.memory_space<vmem>>
      %dma_wait3A_254 = tpu.memref_squeeze %dma_wait3A_253 : memref<1x256x32xf32, #tpu.memory_space<vmem>> -> memref<256x32xf32, #tpu.memory_space<vmem>>
      %dma_wait3A_255 = arith.constant 0 : i32
      %dma_wait3A_256 = tpu.memref_slice %arg12[%add3A_27, %dma_wait3A_255] : memref<10240x32xf32, #tpu.memory_space<vmem_shared>> -> memref<256x32xf32, #tpu.memory_space<vmem_shared>>
      %dma_wait3A_257 = arith.constant 0 : i32
      %dma_wait3A_258 = tpu.memref_slice %arg12[%add3A_27, %dma_wait3A_257] : memref<10240x32xf32, #tpu.memory_space<vmem_shared>> -> memref<256x32xf32, #tpu.memory_space<vmem_shared>>
      %dma_wait3A_259 = arith.constant 0 : i32
      %dma_wait3A_260 = arith.constant 0 : i32
      %dma_wait3A_261 = tpu.memref_slice %arg9[%run_scoped3A_28, %dma_wait3A_259, %dma_wait3A_260] : memref<4x256x32xf32, #tpu.memory_space<vmem>> -> memref<1x256x32xf32, #tpu.memory_space<vmem>>
      %dma_wait3A_262 = tpu.memref_squeeze %dma_wait3A_261 : memref<1x256x32xf32, #tpu.memory_space<vmem>> -> memref<256x32xf32, #tpu.memory_space<vmem>>
      tpu.wait_dma2 semaphore(%run_scoped3A_239 : memref<!tpu.dma_semaphore, #tpu.memory_space<semaphore_mem>>) src(%dma_wait3A_262 : memref<256x32xf32, #tpu.memory_space<vmem>>) dst(%dma_wait3A_258 : memref<256x32xf32, #tpu.memory_space<vmem_shared>>)
      tpu.yield
    }) : () -> ()
    %add3A_29 = arith.constant 256 : i32
    %add3A_30 = arith.addi %mul3A_9, %add3A_29 : i32
    %run_scoped3A_31 = arith.constant 1 : i32
    "tpu.region"() ({
      %run_scoped3A_239 = tpu.sem_alloc : memref<!tpu.dma_semaphore, #tpu.memory_space<semaphore_mem>>
      %dma_start3A_240 = arith.constant 0 : i32
      %dma_start3A_241 = arith.constant 0 : i32
      %dma_start3A_242 = tpu.memref_slice %arg9[%run_scoped3A_31, %dma_start3A_240, %dma_start3A_241] : memref<4x256x32xf32, #tpu.memory_space<vmem>> -> memref<1x256x32xf32, #tpu.memory_space<vmem>>
      %dma_start3A_243 = tpu.memref_squeeze %dma_start3A_242 : memref<1x256x32xf32, #tpu.memory_space<vmem>> -> memref<256x32xf32, #tpu.memory_space<vmem>>
      %dma_start3A_244 = tpu.memref_slice %arg2[%add3A_30, %mul3A_0] : memref<10240x64xf32, #tpu.memory_space<hbm>> -> memref<256x32xf32, #tpu.memory_space<hbm>>
      %dma_start3A_245 = arith.constant 0 : i32
      %dma_start3A_246 = arith.constant 0 : i32
      %dma_start3A_247 = tpu.memref_slice %arg9[%run_scoped3A_31, %dma_start3A_245, %dma_start3A_246] : memref<4x256x32xf32, #tpu.memory_space<vmem>> -> memref<1x256x32xf32, #tpu.memory_space<vmem>>
      %dma_start3A_248 = tpu.memref_squeeze %dma_start3A_247 : memref<1x256x32xf32, #tpu.memory_space<vmem>> -> memref<256x32xf32, #tpu.memory_space<vmem>>
      %dma_start3A_249 = tpu.memref_slice %arg2[%add3A_30, %mul3A_0] : memref<10240x64xf32, #tpu.memory_space<hbm>> -> memref<256x32xf32, #tpu.memory_space<hbm>>
      tpu.enqueue_dma source(%dma_start3A_249 : memref<256x32xf32, #tpu.memory_space<hbm>>) target(%dma_start3A_248 : memref<256x32xf32, #tpu.memory_space<vmem>>) target_semaphore(%run_scoped3A_239 : memref<!tpu.dma_semaphore, #tpu.memory_space<semaphore_mem>>)
      %dma_wait3A = arith.constant 0 : i32
      %dma_wait3A_250 = arith.constant 0 : i32
      %dma_wait3A_251 = tpu.memref_slice %arg9[%run_scoped3A_31, %dma_wait3A, %dma_wait3A_250] : memref<4x256x32xf32, #tpu.memory_space<vmem>> -> memref<1x256x32xf32, #tpu.memory_space<vmem>>
      %dma_wait3A_252 = tpu.memref_squeeze %dma_wait3A_251 : memref<1x256x32xf32, #tpu.memory_space<vmem>> -> memref<256x32xf32, #tpu.memory_space<vmem>>
      %dma_wait3A_253 = tpu.memref_slice %arg2[%add3A_30, %mul3A_0] : memref<10240x64xf32, #tpu.memory_space<hbm>> -> memref<256x32xf32, #tpu.memory_space<hbm>>
      %dma_wait3A_254 = arith.constant 0 : i32
      %dma_wait3A_255 = arith.constant 0 : i32
      %dma_wait3A_256 = tpu.memref_slice %arg9[%run_scoped3A_31, %dma_wait3A_254, %dma_wait3A_255] : memref<4x256x32xf32, #tpu.memory_space<vmem>> -> memref<1x256x32xf32, #tpu.memory_space<vmem>>
      %dma_wait3A_257 = tpu.memref_squeeze %dma_wait3A_256 : memref<1x256x32xf32, #tpu.memory_space<vmem>> -> memref<256x32xf32, #tpu.memory_space<vmem>>
      %dma_wait3A_258 = tpu.memref_slice %arg2[%add3A_30, %mul3A_0] : memref<10240x64xf32, #tpu.memory_space<hbm>> -> memref<256x32xf32, #tpu.memory_space<hbm>>
      tpu.wait_dma2 semaphore(%run_scoped3A_239 : memref<!tpu.dma_semaphore, #tpu.memory_space<semaphore_mem>>) src(%dma_wait3A_258 : memref<256x32xf32, #tpu.memory_space<hbm>>) dst(%dma_wait3A_257 : memref<256x32xf32, #tpu.memory_space<vmem>>)
      tpu.yield
    }) : () -> ()
    %scan3A_32 = arith.constant 0 : i32
    %scan3A_33 = arith.constant 0 : i32
    %scan3A_34 = arith.constant 256 : i32
    %scan3A_35 = arith.addi %scan3A_33, %scan3A_34 : i32
    %scan3A_36 = arith.constant 1 : i32
    %scan3A_37 = scf.for %scan3A_239 = %scan3A_33 to %scan3A_35 step %scan3A_36 iter_args(%scan3A_240 = %scan3A_32) -> (i32)  : i32 {
      %add3A_241 = arith.constant 256 : i32
      %add3A_242 = arith.addi %add3A_241, %scan3A_239 : i32
      %get3A = arith.index_cast %add3A_242 : i32 to index
      %get3A_243 = arith.constant 0 : index
      %get3A_244 = tpu.vector_load %arg10[%get3A, %get3A_243] {strides = array<i32>} : memref<640x16xf32, #tpu.memory_space<vmem>>, vector<1x16xf32>,
      %get3A_245 = vector.shape_cast %get3A_244 : vector<1x16xf32> to vector<16xf32>
      %get3A_246 = arith.constant 1 : i32
      %get3A_247 = arith.index_cast %get3A_246 : i32 to index
      %get3A_248 = arith.index_cast %scan3A_239 : i32 to index
      %get3A_249 = arith.constant 0 : index
      %get3A_250 = tpu.vector_load %arg9[%get3A_247, %get3A_248, %get3A_249] {strides = array<i32>} : memref<4x256x32xf32, #tpu.memory_space<vmem>>, vector<1x1x16xf32>,
      %get3A_251 = vector.shape_cast %get3A_250 : vector<1x1x16xf32> to vector<16xf32>
      %mul3A_252 = arith.mulf %get3A_251, %get3A_245 : vector<16xf32>
      %swap3A = arith.constant 1 : i32
      %swap3A_253 = arith.index_cast %swap3A : i32 to index
      %swap3A_254 = arith.index_cast %scan3A_239 : i32 to index
      %swap3A_255 = arith.constant 0 : index
      %swap3A_256 = tpu.vector_load %arg9[%swap3A_253, %swap3A_254, %swap3A_255] {strides = array<i32>} : memref<4x256x32xf32, #tpu.memory_space<vmem>>, vector<1x1x16xf32>,
      %swap3A_257 = vector.shape_cast %swap3A_256 : vector<1x1x16xf32> to vector<16xf32>
      %swap3A_258 = vector.shape_cast %mul3A_252 : vector<16xf32> to vector<1x1x16xf32>
      tpu.vector_store %arg9[%swap3A_253, %swap3A_254, %swap3A_255], %swap3A_258 {strides = array<i32>} : memref<4x256x32xf32, #tpu.memory_space<vmem>>, vector<1x1x16xf32>,
      %get3A_259 = arith.constant 1 : i32
      %get3A_260 = arith.index_cast %get3A_259 : i32 to index
      %get3A_261 = arith.index_cast %scan3A_239 : i32 to index
      %get3A_262 = arith.constant 16 : index
      %get3A_263 = tpu.vector_load %arg9[%get3A_260, %get3A_261, %get3A_262] {strides = array<i32>} : memref<4x256x32xf32, #tpu.memory_space<vmem>>, vector<1x1x16xf32>,
      %get3A_264 = vector.shape_cast %get3A_263 : vector<1x1x16xf32> to vector<16xf32>
      %mul3A_265 = arith.mulf %get3A_264, %get3A_245 : vector<16xf32>
      %swap3A_266 = arith.constant 1 : i32
      %swap3A_267 = arith.index_cast %swap3A_266 : i32 to index
      %swap3A_268 = arith.index_cast %scan3A_239 : i32 to index
      %swap3A_269 = arith.constant 16 : index
      %swap3A_270 = tpu.vector_load %arg9[%swap3A_267, %swap3A_268, %swap3A_269] {strides = array<i32>} : memref<4x256x32xf32, #tpu.memory_space<vmem>>, vector<1x1x16xf32>,
      %swap3A_271 = vector.shape_cast %swap3A_270 : vector<1x1x16xf32> to vector<16xf32>
      %swap3A_272 = vector.shape_cast %mul3A_265 : vector<16xf32> to vector<1x1x16xf32>
      tpu.vector_store %arg9[%swap3A_267, %swap3A_268, %swap3A_269], %swap3A_272 {strides = array<i32>} : memref<4x256x32xf32, #tpu.memory_space<vmem>>, vector<1x1x16xf32>,
      %scan3A_273 = arith.constant 0 : i32
      scf.yield %scan3A_273 : i32
    }
    %scan3A_38 = arith.constant 256 : i32
    %add3A_39 = arith.constant 256 : i32
    %add3A_40 = arith.addi %mul3A_9, %add3A_39 : i32
    %run_scoped3A_41 = arith.constant 1 : i32
    "tpu.region"() ({
      %run_scoped3A_239 = tpu.sem_alloc : memref<!tpu.dma_semaphore, #tpu.memory_space<semaphore_mem>>
      %dma_start3A_240 = arith.constant 0 : i32
      %dma_start3A_241 = arith.constant 0 : i32
      %dma_start3A_242 = tpu.memref_slice %arg9[%run_scoped3A_41, %dma_start3A_240, %dma_start3A_241] : memref<4x256x32xf32, #tpu.memory_space<vmem>> -> memref<1x256x32xf32, #tpu.memory_space<vmem>>
      %dma_start3A_243 = tpu.memref_squeeze %dma_start3A_242 : memref<1x256x32xf32, #tpu.memory_space<vmem>> -> memref<256x32xf32, #tpu.memory_space<vmem>>
      %dma_start3A_244 = arith.constant 0 : i32
      %dma_start3A_245 = tpu.memref_slice %arg13[%add3A_40, %dma_start3A_244] : memref<10240x32xf32, #tpu.memory_space<vmem_shared>> -> memref<256x32xf32, #tpu.memory_space<vmem_shared>>
      %dma_start3A_246 = arith.constant 0 : i32
      %dma_start3A_247 = tpu.memref_slice %arg13[%add3A_40, %dma_start3A_246] : memref<10240x32xf32, #tpu.memory_space<vmem_shared>> -> memref<256x32xf32, #tpu.memory_space<vmem_shared>>
      %dma_start3A_248 = arith.constant 0 : i32
      %dma_start3A_249 = arith.constant 0 : i32
      %dma_start3A_250 = tpu.memref_slice %arg9[%run_scoped3A_41, %dma_start3A_248, %dma_start3A_249] : memref<4x256x32xf32, #tpu.memory_space<vmem>> -> memref<1x256x32xf32, #tpu.memory_space<vmem>>
      %dma_start3A_251 = tpu.memref_squeeze %dma_start3A_250 : memref<1x256x32xf32, #tpu.memory_space<vmem>> -> memref<256x32xf32, #tpu.memory_space<vmem>>
      tpu.enqueue_dma source(%dma_start3A_251 : memref<256x32xf32, #tpu.memory_space<vmem>>) target(%dma_start3A_247 : memref<256x32xf32, #tpu.memory_space<vmem_shared>>) target_semaphore(%run_scoped3A_239 : memref<!tpu.dma_semaphore, #tpu.memory_space<semaphore_mem>>)
      %dma_wait3A = arith.constant 0 : i32
      %dma_wait3A_252 = arith.constant 0 : i32
      %dma_wait3A_253 = tpu.memref_slice %arg9[%run_scoped3A_41, %dma_wait3A, %dma_wait3A_252] : memref<4x256x32xf32, #tpu.memory_space<vmem>> -> memref<1x256x32xf32, #tpu.memory_space<vmem>>
      %dma_wait3A_254 = tpu.memref_squeeze %dma_wait3A_253 : memref<1x256x32xf32, #tpu.memory_space<vmem>> -> memref<256x32xf32, #tpu.memory_space<vmem>>
      %dma_wait3A_255 = arith.constant 0 : i32
      %dma_wait3A_256 = tpu.memref_slice %arg13[%add3A_40, %dma_wait3A_255] : memref<10240x32xf32, #tpu.memory_space<vmem_shared>> -> memref<256x32xf32, #tpu.memory_space<vmem_shared>>
      %dma_wait3A_257 = arith.constant 0 : i32
      %dma_wait3A_258 = tpu.memref_slice %arg13[%add3A_40, %dma_wait3A_257] : memref<10240x32xf32, #tpu.memory_space<vmem_shared>> -> memref<256x32xf32, #tpu.memory_space<vmem_shared>>
      %dma_wait3A_259 = arith.constant 0 : i32
      %dma_wait3A_260 = arith.constant 0 : i32
      %dma_wait3A_261 = tpu.memref_slice %arg9[%run_scoped3A_41, %dma_wait3A_259, %dma_wait3A_260] : memref<4x256x32xf32, #tpu.memory_space<vmem>> -> memref<1x256x32xf32, #tpu.memory_space<vmem>>
      %dma_wait3A_262 = tpu.memref_squeeze %dma_wait3A_261 : memref<1x256x32xf32, #tpu.memory_space<vmem>> -> memref<256x32xf32, #tpu.memory_space<vmem>>
      tpu.wait_dma2 semaphore(%run_scoped3A_239 : memref<!tpu.dma_semaphore, #tpu.memory_space<semaphore_mem>>) src(%dma_wait3A_262 : memref<256x32xf32, #tpu.memory_space<vmem>>) dst(%dma_wait3A_258 : memref<256x32xf32, #tpu.memory_space<vmem_shared>>)
      tpu.yield
    }) : () -> ()
    %add3A_42 = arith.constant 256 : i32
    %add3A_43 = arith.addi %mul3A_9, %add3A_42 : i32
    %run_scoped3A_44 = arith.constant 1 : i32
    "tpu.region"() ({
      %run_scoped3A_239 = tpu.sem_alloc : memref<!tpu.dma_semaphore, #tpu.memory_space<semaphore_mem>>
      %dma_start3A_240 = arith.constant 0 : i32
      %dma_start3A_241 = arith.constant 0 : i32
      %dma_start3A_242 = tpu.memref_slice %arg9[%run_scoped3A_44, %dma_start3A_240, %dma_start3A_241] : memref<4x256x32xf32, #tpu.memory_space<vmem>> -> memref<1x256x32xf32, #tpu.memory_space<vmem>>
      %dma_start3A_243 = tpu.memref_squeeze %dma_start3A_242 : memref<1x256x32xf32, #tpu.memory_space<vmem>> -> memref<256x32xf32, #tpu.memory_space<vmem>>
      %dma_start3A_244 = arith.constant 0 : i32
      %dma_start3A_245 = tpu.memref_slice %arg12[%add3A_43, %dma_start3A_244] : memref<10240x32xf32, #tpu.memory_space<vmem_shared>> -> memref<256x32xf32, #tpu.memory_space<vmem_shared>>
      %dma_start3A_246 = arith.constant 0 : i32
      %dma_start3A_247 = tpu.memref_slice %arg12[%add3A_43, %dma_start3A_246] : memref<10240x32xf32, #tpu.memory_space<vmem_shared>> -> memref<256x32xf32, #tpu.memory_space<vmem_shared>>
      %dma_start3A_248 = arith.constant 0 : i32
      %dma_start3A_249 = arith.constant 0 : i32
      %dma_start3A_250 = tpu.memref_slice %arg9[%run_scoped3A_44, %dma_start3A_248, %dma_start3A_249] : memref<4x256x32xf32, #tpu.memory_space<vmem>> -> memref<1x256x32xf32, #tpu.memory_space<vmem>>
      %dma_start3A_251 = tpu.memref_squeeze %dma_start3A_250 : memref<1x256x32xf32, #tpu.memory_space<vmem>> -> memref<256x32xf32, #tpu.memory_space<vmem>>
      tpu.enqueue_dma source(%dma_start3A_251 : memref<256x32xf32, #tpu.memory_space<vmem>>) target(%dma_start3A_247 : memref<256x32xf32, #tpu.memory_space<vmem_shared>>) target_semaphore(%run_scoped3A_239 : memref<!tpu.dma_semaphore, #tpu.memory_space<semaphore_mem>>)
      %dma_wait3A = arith.constant 0 : i32
      %dma_wait3A_252 = arith.constant 0 : i32
      %dma_wait3A_253 = tpu.memref_slice %arg9[%run_scoped3A_44, %dma_wait3A, %dma_wait3A_252] : memref<4x256x32xf32, #tpu.memory_space<vmem>> -> memref<1x256x32xf32, #tpu.memory_space<vmem>>
      %dma_wait3A_254 = tpu.memref_squeeze %dma_wait3A_253 : memref<1x256x32xf32, #tpu.memory_space<vmem>> -> memref<256x32xf32, #tpu.memory_space<vmem>>
      %dma_wait3A_255 = arith.constant 0 : i32
      %dma_wait3A_256 = tpu.memref_slice %arg12[%add3A_43, %dma_wait3A_255] : memref<10240x32xf32, #tpu.memory_space<vmem_shared>> -> memref<256x32xf32, #tpu.memory_space<vmem_shared>>
      %dma_wait3A_257 = arith.constant 0 : i32
      %dma_wait3A_258 = tpu.memref_slice %arg12[%add3A_43, %dma_wait3A_257] : memref<10240x32xf32, #tpu.memory_space<vmem_shared>> -> memref<256x32xf32, #tpu.memory_space<vmem_shared>>
      %dma_wait3A_259 = arith.constant 0 : i32
      %dma_wait3A_260 = arith.constant 0 : i32
      %dma_wait3A_261 = tpu.memref_slice %arg9[%run_scoped3A_44, %dma_wait3A_259, %dma_wait3A_260] : memref<4x256x32xf32, #tpu.memory_space<vmem>> -> memref<1x256x32xf32, #tpu.memory_space<vmem>>
      %dma_wait3A_262 = tpu.memref_squeeze %dma_wait3A_261 : memref<1x256x32xf32, #tpu.memory_space<vmem>> -> memref<256x32xf32, #tpu.memory_space<vmem>>
      tpu.wait_dma2 semaphore(%run_scoped3A_239 : memref<!tpu.dma_semaphore, #tpu.memory_space<semaphore_mem>>) src(%dma_wait3A_262 : memref<256x32xf32, #tpu.memory_space<vmem>>) dst(%dma_wait3A_258 : memref<256x32xf32, #tpu.memory_space<vmem_shared>>)
      tpu.yield
    }) : () -> ()
    %add3A_45 = arith.constant 512 : i32
    %add3A_46 = arith.addi %mul3A_9, %add3A_45 : i32
    %run_scoped3A_47 = arith.constant 2 : i32
    "tpu.region"() ({
      %run_scoped3A_239 = tpu.sem_alloc : memref<!tpu.dma_semaphore, #tpu.memory_space<semaphore_mem>>
      %dma_start3A_240 = arith.constant 0 : i32
      %dma_start3A_241 = arith.constant 0 : i32
      %dma_start3A_242 = tpu.memref_slice %arg9[%run_scoped3A_47, %dma_start3A_240, %dma_start3A_241] : memref<4x256x32xf32, #tpu.memory_space<vmem>> -> memref<1x128x32xf32, #tpu.memory_space<vmem>>
      %dma_start3A_243 = tpu.memref_squeeze %dma_start3A_242 : memref<1x128x32xf32, #tpu.memory_space<vmem>> -> memref<128x32xf32, #tpu.memory_space<vmem>>
      %dma_start3A_244 = tpu.memref_slice %arg2[%add3A_46, %mul3A_0] : memref<10240x64xf32, #tpu.memory_space<hbm>> -> memref<128x32xf32, #tpu.memory_space<hbm>>
      %dma_start3A_245 = arith.constant 0 : i32
      %dma_start3A_246 = arith.constant 0 : i32
      %dma_start3A_247 = tpu.memref_slice %arg9[%run_scoped3A_47, %dma_start3A_245, %dma_start3A_246] : memref<4x256x32xf32, #tpu.memory_space<vmem>> -> memref<1x128x32xf32, #tpu.memory_space<vmem>>
      %dma_start3A_248 = tpu.memref_squeeze %dma_start3A_247 : memref<1x128x32xf32, #tpu.memory_space<vmem>> -> memref<128x32xf32, #tpu.memory_space<vmem>>
      %dma_start3A_249 = tpu.memref_slice %arg2[%add3A_46, %mul3A_0] : memref<10240x64xf32, #tpu.memory_space<hbm>> -> memref<128x32xf32, #tpu.memory_space<hbm>>
      tpu.enqueue_dma source(%dma_start3A_249 : memref<128x32xf32, #tpu.memory_space<hbm>>) target(%dma_start3A_248 : memref<128x32xf32, #tpu.memory_space<vmem>>) target_semaphore(%run_scoped3A_239 : memref<!tpu.dma_semaphore, #tpu.memory_space<semaphore_mem>>)
      %dma_wait3A = arith.constant 0 : i32
      %dma_wait3A_250 = arith.constant 0 : i32
      %dma_wait3A_251 = tpu.memref_slice %arg9[%run_scoped3A_47, %dma_wait3A, %dma_wait3A_250] : memref<4x256x32xf32, #tpu.memory_space<vmem>> -> memref<1x128x32xf32, #tpu.memory_space<vmem>>
      %dma_wait3A_252 = tpu.memref_squeeze %dma_wait3A_251 : memref<1x128x32xf32, #tpu.memory_space<vmem>> -> memref<128x32xf32, #tpu.memory_space<vmem>>
      %dma_wait3A_253 = tpu.memref_slice %arg2[%add3A_46, %mul3A_0] : memref<10240x64xf32, #tpu.memory_space<hbm>> -> memref<128x32xf32, #tpu.memory_space<hbm>>
      %dma_wait3A_254 = arith.constant 0 : i32
      %dma_wait3A_255 = arith.constant 0 : i32
      %dma_wait3A_256 = tpu.memref_slice %arg9[%run_scoped3A_47, %dma_wait3A_254, %dma_wait3A_255] : memref<4x256x32xf32, #tpu.memory_space<vmem>> -> memref<1x128x32xf32, #tpu.memory_space<vmem>>
      %dma_wait3A_257 = tpu.memref_squeeze %dma_wait3A_256 : memref<1x128x32xf32, #tpu.memory_space<vmem>> -> memref<128x32xf32, #tpu.memory_space<vmem>>
      %dma_wait3A_258 = tpu.memref_slice %arg2[%add3A_46, %mul3A_0] : memref<10240x64xf32, #tpu.memory_space<hbm>> -> memref<128x32xf32, #tpu.memory_space<hbm>>
      tpu.wait_dma2 semaphore(%run_scoped3A_239 : memref<!tpu.dma_semaphore, #tpu.memory_space<semaphore_mem>>) src(%dma_wait3A_258 : memref<128x32xf32, #tpu.memory_space<hbm>>) dst(%dma_wait3A_257 : memref<128x32xf32, #tpu.memory_space<vmem>>)
      tpu.yield
    }) : () -> ()
    %scan3A_48 = arith.constant 0 : i32
    %scan3A_49 = arith.constant 0 : i32
    %scan3A_50 = arith.constant 128 : i32
    %scan3A_51 = arith.addi %scan3A_49, %scan3A_50 : i32
    %scan3A_52 = arith.constant 1 : i32
    %scan3A_53 = scf.for %scan3A_239 = %scan3A_49 to %scan3A_51 step %scan3A_52 iter_args(%scan3A_240 = %scan3A_48) -> (i32)  : i32 {
      %add3A_241 = arith.constant 512 : i32
      %add3A_242 = arith.addi %add3A_241, %scan3A_239 : i32
      %get3A = arith.index_cast %add3A_242 : i32 to index
      %get3A_243 = arith.constant 0 : index
      %get3A_244 = tpu.vector_load %arg10[%get3A, %get3A_243] {strides = array<i32>} : memref<640x16xf32, #tpu.memory_space<vmem>>, vector<1x16xf32>,
      %get3A_245 = vector.shape_cast %get3A_244 : vector<1x16xf32> to vector<16xf32>
      %get3A_246 = arith.constant 2 : i32
      %get3A_247 = arith.index_cast %get3A_246 : i32 to index
      %get3A_248 = arith.index_cast %scan3A_239 : i32 to index
      %get3A_249 = arith.constant 0 : index
      %get3A_250 = tpu.vector_load %arg9[%get3A_247, %get3A_248, %get3A_249] {strides = array<i32>} : memref<4x256x32xf32, #tpu.memory_space<vmem>>, vector<1x1x16xf32>,
      %get3A_251 = vector.shape_cast %get3A_250 : vector<1x1x16xf32> to vector<16xf32>
      %mul3A_252 = arith.mulf %get3A_251, %get3A_245 : vector<16xf32>
      %swap3A = arith.constant 2 : i32
      %swap3A_253 = arith.index_cast %swap3A : i32 to index
      %swap3A_254 = arith.index_cast %scan3A_239 : i32 to index
      %swap3A_255 = arith.constant 0 : index
      %swap3A_256 = tpu.vector_load %arg9[%swap3A_253, %swap3A_254, %swap3A_255] {strides = array<i32>} : memref<4x256x32xf32, #tpu.memory_space<vmem>>, vector<1x1x16xf32>,
      %swap3A_257 = vector.shape_cast %swap3A_256 : vector<1x1x16xf32> to vector<16xf32>
      %swap3A_258 = vector.shape_cast %mul3A_252 : vector<16xf32> to vector<1x1x16xf32>
      tpu.vector_store %arg9[%swap3A_253, %swap3A_254, %swap3A_255], %swap3A_258 {strides = array<i32>} : memref<4x256x32xf32, #tpu.memory_space<vmem>>, vector<1x1x16xf32>,
      %get3A_259 = arith.constant 2 : i32
      %get3A_260 = arith.index_cast %get3A_259 : i32 to index
      %get3A_261 = arith.index_cast %scan3A_239 : i32 to index
      %get3A_262 = arith.constant 16 : index
      %get3A_263 = tpu.vector_load %arg9[%get3A_260, %get3A_261, %get3A_262] {strides = array<i32>} : memref<4x256x32xf32, #tpu.memory_space<vmem>>, vector<1x1x16xf32>,
      %get3A_264 = vector.shape_cast %get3A_263 : vector<1x1x16xf32> to vector<16xf32>
      %mul3A_265 = arith.mulf %get3A_264, %get3A_245 : vector<16xf32>
      %swap3A_266 = arith.constant 2 : i32
      %swap3A_267 = arith.index_cast %swap3A_266 : i32 to index
      %swap3A_268 = arith.index_cast %scan3A_239 : i32 to index
      %swap3A_269 = arith.constant 16 : index
      %swap3A_270 = tpu.vector_load %arg9[%swap3A_267, %swap3A_268, %swap3A_269] {strides = array<i32>} : memref<4x256x32xf32, #tpu.memory_space<vmem>>, vector<1x1x16xf32>,
      %swap3A_271 = vector.shape_cast %swap3A_270 : vector<1x1x16xf32> to vector<16xf32>
      %swap3A_272 = vector.shape_cast %mul3A_265 : vector<16xf32> to vector<1x1x16xf32>
      tpu.vector_store %arg9[%swap3A_267, %swap3A_268, %swap3A_269], %swap3A_272 {strides = array<i32>} : memref<4x256x32xf32, #tpu.memory_space<vmem>>, vector<1x1x16xf32>,
      %scan3A_273 = arith.constant 0 : i32
      scf.yield %scan3A_273 : i32
    }
    %scan3A_54 = arith.constant 128 : i32
    %add3A_55 = arith.constant 512 : i32
    %add3A_56 = arith.addi %mul3A_9, %add3A_55 : i32
    %run_scoped3A_57 = arith.constant 2 : i32
    "tpu.region"() ({
      %run_scoped3A_239 = tpu.sem_alloc : memref<!tpu.dma_semaphore, #tpu.memory_space<semaphore_mem>>
      %dma_start3A_240 = arith.constant 0 : i32
      %dma_start3A_241 = arith.constant 0 : i32
      %dma_start3A_242 = tpu.memref_slice %arg9[%run_scoped3A_57, %dma_start3A_240, %dma_start3A_241] : memref<4x256x32xf32, #tpu.memory_space<vmem>> -> memref<1x128x32xf32, #tpu.memory_space<vmem>>
      %dma_start3A_243 = tpu.memref_squeeze %dma_start3A_242 : memref<1x128x32xf32, #tpu.memory_space<vmem>> -> memref<128x32xf32, #tpu.memory_space<vmem>>
      %dma_start3A_244 = arith.constant 0 : i32
      %dma_start3A_245 = tpu.memref_slice %arg13[%add3A_56, %dma_start3A_244] : memref<10240x32xf32, #tpu.memory_space<vmem_shared>> -> memref<128x32xf32, #tpu.memory_space<vmem_shared>>
      %dma_start3A_246 = arith.constant 0 : i32
      %dma_start3A_247 = tpu.memref_slice %arg13[%add3A_56, %dma_start3A_246] : memref<10240x32xf32, #tpu.memory_space<vmem_shared>> -> memref<128x32xf32, #tpu.memory_space<vmem_shared>>
      %dma_start3A_248 = arith.constant 0 : i32
      %dma_start3A_249 = arith.constant 0 : i32
      %dma_start3A_250 = tpu.memref_slice %arg9[%run_scoped3A_57, %dma_start3A_248, %dma_start3A_249] : memref<4x256x32xf32, #tpu.memory_space<vmem>> -> memref<1x128x32xf32, #tpu.memory_space<vmem>>
      %dma_start3A_251 = tpu.memref_squeeze %dma_start3A_250 : memref<1x128x32xf32, #tpu.memory_space<vmem>> -> memref<128x32xf32, #tpu.memory_space<vmem>>
      tpu.enqueue_dma source(%dma_start3A_251 : memref<128x32xf32, #tpu.memory_space<vmem>>) target(%dma_start3A_247 : memref<128x32xf32, #tpu.memory_space<vmem_shared>>) target_semaphore(%run_scoped3A_239 : memref<!tpu.dma_semaphore, #tpu.memory_space<semaphore_mem>>)
      %dma_wait3A = arith.constant 0 : i32
      %dma_wait3A_252 = arith.constant 0 : i32
      %dma_wait3A_253 = tpu.memref_slice %arg9[%run_scoped3A_57, %dma_wait3A, %dma_wait3A_252] : memref<4x256x32xf32, #tpu.memory_space<vmem>> -> memref<1x128x32xf32, #tpu.memory_space<vmem>>
      %dma_wait3A_254 = tpu.memref_squeeze %dma_wait3A_253 : memref<1x128x32xf32, #tpu.memory_space<vmem>> -> memref<128x32xf32, #tpu.memory_space<vmem>>
      %dma_wait3A_255 = arith.constant 0 : i32
      %dma_wait3A_256 = tpu.memref_slice %arg13[%add3A_56, %dma_wait3A_255] : memref<10240x32xf32, #tpu.memory_space<vmem_shared>> -> memref<128x32xf32, #tpu.memory_space<vmem_shared>>
      %dma_wait3A_257 = arith.constant 0 : i32
      %dma_wait3A_258 = tpu.memref_slice %arg13[%add3A_56, %dma_wait3A_257] : memref<10240x32xf32, #tpu.memory_space<vmem_shared>> -> memref<128x32xf32, #tpu.memory_space<vmem_shared>>
      %dma_wait3A_259 = arith.constant 0 : i32
      %dma_wait3A_260 = arith.constant 0 : i32
      %dma_wait3A_261 = tpu.memref_slice %arg9[%run_scoped3A_57, %dma_wait3A_259, %dma_wait3A_260] : memref<4x256x32xf32, #tpu.memory_space<vmem>> -> memref<1x128x32xf32, #tpu.memory_space<vmem>>
      %dma_wait3A_262 = tpu.memref_squeeze %dma_wait3A_261 : memref<1x128x32xf32, #tpu.memory_space<vmem>> -> memref<128x32xf32, #tpu.memory_space<vmem>>
      tpu.wait_dma2 semaphore(%run_scoped3A_239 : memref<!tpu.dma_semaphore, #tpu.memory_space<semaphore_mem>>) src(%dma_wait3A_262 : memref<128x32xf32, #tpu.memory_space<vmem>>) dst(%dma_wait3A_258 : memref<128x32xf32, #tpu.memory_space<vmem_shared>>)
      tpu.yield
    }) : () -> ()
    %add3A_58 = arith.constant 512 : i32
    %add3A_59 = arith.addi %mul3A_9, %add3A_58 : i32
    %run_scoped3A_60 = arith.constant 2 : i32
    "tpu.region"() ({
      %run_scoped3A_239 = tpu.sem_alloc : memref<!tpu.dma_semaphore, #tpu.memory_space<semaphore_mem>>
      %dma_start3A_240 = arith.constant 0 : i32
      %dma_start3A_241 = arith.constant 0 : i32
      %dma_start3A_242 = tpu.memref_slice %arg9[%run_scoped3A_60, %dma_start3A_240, %dma_start3A_241] : memref<4x256x32xf32, #tpu.memory_space<vmem>> -> memref<1x128x32xf32, #tpu.memory_space<vmem>>
      %dma_start3A_243 = tpu.memref_squeeze %dma_start3A_242 : memref<1x128x32xf32, #tpu.memory_space<vmem>> -> memref<128x32xf32, #tpu.memory_space<vmem>>
      %dma_start3A_244 = arith.constant 0 : i32
      %dma_start3A_245 = tpu.memref_slice %arg12[%add3A_59, %dma_start3A_244] : memref<10240x32xf32, #tpu.memory_space<vmem_shared>> -> memref<128x32xf32, #tpu.memory_space<vmem_shared>>
      %dma_start3A_246 = arith.constant 0 : i32
      %dma_start3A_247 = tpu.memref_slice %arg12[%add3A_59, %dma_start3A_246] : memref<10240x32xf32, #tpu.memory_space<vmem_shared>> -> memref<128x32xf32, #tpu.memory_space<vmem_shared>>
      %dma_start3A_248 = arith.constant 0 : i32
      %dma_start3A_249 = arith.constant 0 : i32
      %dma_start3A_250 = tpu.memref_slice %arg9[%run_scoped3A_60, %dma_start3A_248, %dma_start3A_249] : memref<4x256x32xf32, #tpu.memory_space<vmem>> -> memref<1x128x32xf32, #tpu.memory_space<vmem>>
      %dma_start3A_251 = tpu.memref_squeeze %dma_start3A_250 : memref<1x128x32xf32, #tpu.memory_space<vmem>> -> memref<128x32xf32, #tpu.memory_space<vmem>>
      tpu.enqueue_dma source(%dma_start3A_251 : memref<128x32xf32, #tpu.memory_space<vmem>>) target(%dma_start3A_247 : memref<128x32xf32, #tpu.memory_space<vmem_shared>>) target_semaphore(%run_scoped3A_239 : memref<!tpu.dma_semaphore, #tpu.memory_space<semaphore_mem>>)
      %dma_wait3A = arith.constant 0 : i32
      %dma_wait3A_252 = arith.constant 0 : i32
      %dma_wait3A_253 = tpu.memref_slice %arg9[%run_scoped3A_60, %dma_wait3A, %dma_wait3A_252] : memref<4x256x32xf32, #tpu.memory_space<vmem>> -> memref<1x128x32xf32, #tpu.memory_space<vmem>>
      %dma_wait3A_254 = tpu.memref_squeeze %dma_wait3A_253 : memref<1x128x32xf32, #tpu.memory_space<vmem>> -> memref<128x32xf32, #tpu.memory_space<vmem>>
      %dma_wait3A_255 = arith.constant 0 : i32
      %dma_wait3A_256 = tpu.memref_slice %arg12[%add3A_59, %dma_wait3A_255] : memref<10240x32xf32, #tpu.memory_space<vmem_shared>> -> memref<128x32xf32, #tpu.memory_space<vmem_shared>>
      %dma_wait3A_257 = arith.constant 0 : i32
      %dma_wait3A_258 = tpu.memref_slice %arg12[%add3A_59, %dma_wait3A_257] : memref<10240x32xf32, #tpu.memory_space<vmem_shared>> -> memref<128x32xf32, #tpu.memory_space<vmem_shared>>
      %dma_wait3A_259 = arith.constant 0 : i32
      %dma_wait3A_260 = arith.constant 0 : i32
      %dma_wait3A_261 = tpu.memref_slice %arg9[%run_scoped3A_60, %dma_wait3A_259, %dma_wait3A_260] : memref<4x256x32xf32, #tpu.memory_space<vmem>> -> memref<1x128x32xf32, #tpu.memory_space<vmem>>
      %dma_wait3A_262 = tpu.memref_squeeze %dma_wait3A_261 : memref<1x128x32xf32, #tpu.memory_space<vmem>> -> memref<128x32xf32, #tpu.memory_space<vmem>>
      tpu.wait_dma2 semaphore(%run_scoped3A_239 : memref<!tpu.dma_semaphore, #tpu.memory_space<semaphore_mem>>) src(%dma_wait3A_262 : memref<128x32xf32, #tpu.memory_space<vmem>>) dst(%dma_wait3A_258 : memref<128x32xf32, #tpu.memory_space<vmem_shared>>)
      tpu.yield
    }) : () -> ()
    %barrier3A = arith.constant 0 : index
    tpu.barrier barrier_id(%barrier3A)
    %dma_start3A = arith.constant 0 : i32
    %dma_start3A_61 = arith.constant 0 : i32
    %dma_start3A_62 = arith.constant 0 : i32
    %dma_start3A_63 = arith.constant 0 : i32
    %dma_start3A_64 = tpu.memref_slice %arg9[%dma_start3A_61, %dma_start3A_62, %dma_start3A_63] : memref<4x256x32xf32, #tpu.memory_space<vmem>> -> memref<1x256x32xf32, #tpu.memory_space<vmem>>
    %dma_start3A_65 = tpu.memref_squeeze %dma_start3A_64 : memref<1x256x32xf32, #tpu.memory_space<vmem>> -> memref<256x32xf32, #tpu.memory_space<vmem>>
    %dma_start3A_66 = arith.constant 0 : i32
    %dma_start3A_67 = tpu.memref_slice %arg7[%dma_start3A, %dma_start3A_66] : memref<79x256xi32, #tpu.memory_space<vmem>> -> memref<1x256xi32, #tpu.memory_space<vmem>>
    %dma_start3A_68 = tpu.memref_squeeze %dma_start3A_67 : memref<1x256xi32, #tpu.memory_space<vmem>> -> memref<256xi32, #tpu.memory_space<vmem>>
    %dma_start3A_69 = arith.constant 0 : i32
    %dma_start3A_70 = arith.constant 0 : i32
    %dma_start3A_71 = tpu.memref_slice %arg13[%dma_start3A_69, %dma_start3A_70] : memref<10240x32xf32, #tpu.memory_space<vmem_shared>> -> memref<10240x32xf32, #tpu.memory_space<vmem_shared>>
    tpu.enqueue_indirect_dma source(%dma_start3A_71 : memref<10240x32xf32, #tpu.memory_space<vmem_shared>>) target(%dma_start3A_65 : memref<256x32xf32, #tpu.memory_space<vmem>>) offsets(%dma_start3A_68 : memref<256xi32, #tpu.memory_space<vmem>>) semaphore(%arg14 : memref<!tpu.dma_semaphore, #tpu.memory_space<semaphore_mem>>)
    %dma_start3A_72 = arith.constant 1 : i32
    %dma_start3A_73 = arith.constant 1 : i32
    %dma_start3A_74 = arith.constant 0 : i32
    %dma_start3A_75 = arith.constant 0 : i32
    %dma_start3A_76 = tpu.memref_slice %arg9[%dma_start3A_73, %dma_start3A_74, %dma_start3A_75] : memref<4x256x32xf32, #tpu.memory_space<vmem>> -> memref<1x256x32xf32, #tpu.memory_space<vmem>>
    %dma_start3A_77 = tpu.memref_squeeze %dma_start3A_76 : memref<1x256x32xf32, #tpu.memory_space<vmem>> -> memref<256x32xf32, #tpu.memory_space<vmem>>
    %dma_start3A_78 = arith.constant 0 : i32
    %dma_start3A_79 = tpu.memref_slice %arg7[%dma_start3A_72, %dma_start3A_78] : memref<79x256xi32, #tpu.memory_space<vmem>> -> memref<1x256xi32, #tpu.memory_space<vmem>>
    %dma_start3A_80 = tpu.memref_squeeze %dma_start3A_79 : memref<1x256xi32, #tpu.memory_space<vmem>> -> memref<256xi32, #tpu.memory_space<vmem>>
    %dma_start3A_81 = arith.constant 0 : i32
    %dma_start3A_82 = arith.constant 0 : i32
    %dma_start3A_83 = tpu.memref_slice %arg13[%dma_start3A_81, %dma_start3A_82] : memref<10240x32xf32, #tpu.memory_space<vmem_shared>> -> memref<10240x32xf32, #tpu.memory_space<vmem_shared>>
    tpu.enqueue_indirect_dma source(%dma_start3A_83 : memref<10240x32xf32, #tpu.memory_space<vmem_shared>>) target(%dma_start3A_77 : memref<256x32xf32, #tpu.memory_space<vmem>>) offsets(%dma_start3A_80 : memref<256xi32, #tpu.memory_space<vmem>>) semaphore(%arg14 : memref<!tpu.dma_semaphore, #tpu.memory_space<semaphore_mem>>)
    %dma_start3A_84 = arith.constant 2 : i32
    %dma_start3A_85 = arith.constant 2 : i32
    %dma_start3A_86 = arith.constant 0 : i32
    %dma_start3A_87 = arith.constant 0 : i32
    %dma_start3A_88 = tpu.memref_slice %arg9[%dma_start3A_85, %dma_start3A_86, %dma_start3A_87] : memref<4x256x32xf32, #tpu.memory_space<vmem>> -> memref<1x256x32xf32, #tpu.memory_space<vmem>>
    %dma_start3A_89 = tpu.memref_squeeze %dma_start3A_88 : memref<1x256x32xf32, #tpu.memory_space<vmem>> -> memref<256x32xf32, #tpu.memory_space<vmem>>
    %dma_start3A_90 = arith.constant 0 : i32
    %dma_start3A_91 = tpu.memref_slice %arg7[%dma_start3A_84, %dma_start3A_90] : memref<79x256xi32, #tpu.memory_space<vmem>> -> memref<1x256xi32, #tpu.memory_space<vmem>>
    %dma_start3A_92 = tpu.memref_squeeze %dma_start3A_91 : memref<1x256xi32, #tpu.memory_space<vmem>> -> memref<256xi32, #tpu.memory_space<vmem>>
    %dma_start3A_93 = arith.constant 0 : i32
    %dma_start3A_94 = arith.constant 0 : i32
    %dma_start3A_95 = tpu.memref_slice %arg13[%dma_start3A_93, %dma_start3A_94] : memref<10240x32xf32, #tpu.memory_space<vmem_shared>> -> memref<10240x32xf32, #tpu.memory_space<vmem_shared>>
    tpu.enqueue_indirect_dma source(%dma_start3A_95 : memref<10240x32xf32, #tpu.memory_space<vmem_shared>>) target(%dma_start3A_89 : memref<256x32xf32, #tpu.memory_space<vmem>>) offsets(%dma_start3A_92 : memref<256xi32, #tpu.memory_space<vmem>>) semaphore(%arg14 : memref<!tpu.dma_semaphore, #tpu.memory_space<semaphore_mem>>)
    %dma_start3A_96 = arith.constant 3 : i32
    %dma_start3A_97 = arith.constant 3 : i32
    %dma_start3A_98 = arith.constant 0 : i32
    %dma_start3A_99 = arith.constant 0 : i32
    %dma_start3A_100 = tpu.memref_slice %arg9[%dma_start3A_97, %dma_start3A_98, %dma_start3A_99] : memref<4x256x32xf32, #tpu.memory_space<vmem>> -> memref<1x256x32xf32, #tpu.memory_space<vmem>>
    %dma_start3A_101 = tpu.memref_squeeze %dma_start3A_100 : memref<1x256x32xf32, #tpu.memory_space<vmem>> -> memref<256x32xf32, #tpu.memory_space<vmem>>
    %dma_start3A_102 = arith.constant 0 : i32
    %dma_start3A_103 = tpu.memref_slice %arg7[%dma_start3A_96, %dma_start3A_102] : memref<79x256xi32, #tpu.memory_space<vmem>> -> memref<1x256xi32, #tpu.memory_space<vmem>>
    %dma_start3A_104 = tpu.memref_squeeze %dma_start3A_103 : memref<1x256xi32, #tpu.memory_space<vmem>> -> memref<256xi32, #tpu.memory_space<vmem>>
    %dma_start3A_105 = arith.constant 0 : i32
    %dma_start3A_106 = arith.constant 0 : i32
    %dma_start3A_107 = tpu.memref_slice %arg13[%dma_start3A_105, %dma_start3A_106] : memref<10240x32xf32, #tpu.memory_space<vmem_shared>> -> memref<10240x32xf32, #tpu.memory_space<vmem_shared>>
    tpu.enqueue_indirect_dma source(%dma_start3A_107 : memref<10240x32xf32, #tpu.memory_space<vmem_shared>>) target(%dma_start3A_101 : memref<256x32xf32, #tpu.memory_space<vmem>>) offsets(%dma_start3A_104 : memref<256xi32, #tpu.memory_space<vmem>>) semaphore(%arg14 : memref<!tpu.dma_semaphore, #tpu.memory_space<semaphore_mem>>)
    %scan3A_108 = arith.constant 0 : i32
    %scan3A_109 = arith.constant 0 : i32
    %scan3A_110 = arith.constant 20 : i32
    %scan3A_111 = arith.addi %scan3A_109, %scan3A_110 : i32
    %scan3A_112 = arith.constant 1 : i32
    %scan3A_113 = scf.for %scan3A_239 = %scan3A_109 to %scan3A_111 step %scan3A_112 iter_args(%scan3A_240 = %scan3A_108) -> (i32)  : i32 {
      %mul3A_241 = arith.constant 4 : i32
      %mul3A_242 = arith.muli %scan3A_239, %mul3A_241 : i32
      %add3A_243 = arith.constant 0 : i32
      %add3A_244 = arith.addi %mul3A_242, %add3A_243 : i32
      %lt3A_245 = arith.cmpi slt, %add3A_244, %add3A_7 : i32
      %convert_element_type3A_246 = arith.extui %lt3A_245 : i1 to i32
      %cond3A_247 = arith.constant 0 : i32
      %cond3A_248 = arith.cmpi ne, %convert_element_type3A_246, %cond3A_247 : i32
      scf.if %cond3A_248 {
        %dma_wait3A = arith.constant 0 : i32
        %dma_wait3A_316 = arith.constant 0 : i32
        %dma_wait3A_317 = arith.constant 0 : i32
        %dma_wait3A_318 = tpu.memref_slice %arg9[%dma_wait3A, %dma_wait3A_316, %dma_wait3A_317] : memref<4x256x32xf32, #tpu.memory_space<vmem>> -> memref<1x256x32xf32, #tpu.memory_space<vmem>>
        %dma_wait3A_319 = tpu.memref_squeeze %dma_wait3A_318 : memref<1x256x32xf32, #tpu.memory_space<vmem>> -> memref<256x32xf32, #tpu.memory_space<vmem>>
        %dma_wait3A_320 = arith.constant 0 : i32
        %dma_wait3A_321 = tpu.memref_slice %arg7[%add3A_244, %dma_wait3A_320] : memref<79x256xi32, #tpu.memory_space<vmem>> -> memref<1x256xi32, #tpu.memory_space<vmem>>
        %dma_wait3A_322 = tpu.memref_squeeze %dma_wait3A_321 : memref<1x256xi32, #tpu.memory_space<vmem>> -> memref<256xi32, #tpu.memory_space<vmem>>
        %dma_wait3A_323 = arith.constant 0 : i32
        %dma_wait3A_324 = arith.constant 0 : i32
        %dma_wait3A_325 = tpu.memref_slice %arg13[%dma_wait3A_323, %dma_wait3A_324] : memref<10240x32xf32, #tpu.memory_space<vmem_shared>> -> memref<10240x32xf32, #tpu.memory_space<vmem_shared>>
        tpu.wait_indirect_dma semaphore(%arg14 : memref<!tpu.dma_semaphore, #tpu.memory_space<semaphore_mem>>) src(%dma_wait3A_325 : memref<10240x32xf32, #tpu.memory_space<vmem_shared>>) dst(%dma_wait3A_319 : memref<256x32xf32, #tpu.memory_space<vmem>>)
        %dma_start3A_326 = arith.constant 0 : i32
        %dma_start3A_327 = arith.constant 0 : i32
        %dma_start3A_328 = arith.constant 0 : i32
        %dma_start3A_329 = tpu.memref_slice %arg9[%dma_start3A_326, %dma_start3A_327, %dma_start3A_328] : memref<4x256x32xf32, #tpu.memory_space<vmem>> -> memref<1x256x32xf32, #tpu.memory_space<vmem>>
        %dma_start3A_330 = tpu.memref_squeeze %dma_start3A_329 : memref<1x256x32xf32, #tpu.memory_space<vmem>> -> memref<256x32xf32, #tpu.memory_space<vmem>>
        %dma_start3A_331 = arith.constant 0 : i32
        %dma_start3A_332 = tpu.memref_slice %arg8[%add3A_244, %dma_start3A_331] : memref<79x256xi32, #tpu.memory_space<vmem>> -> memref<1x256xi32, #tpu.memory_space<vmem>>
        %dma_start3A_333 = tpu.memref_squeeze %dma_start3A_332 : memref<1x256xi32, #tpu.memory_space<vmem>> -> memref<256xi32, #tpu.memory_space<vmem>>
        %dma_start3A_334 = arith.constant 0 : i32
        %dma_start3A_335 = arith.constant 0 : i32
        %dma_start3A_336 = tpu.memref_slice %arg12[%dma_start3A_334, %dma_start3A_335] : memref<10240x32xf32, #tpu.memory_space<vmem_shared>> -> memref<10240x32xf32, #tpu.memory_space<vmem_shared>>
        tpu.enqueue_indirect_dma source(%dma_start3A_330 : memref<256x32xf32, #tpu.memory_space<vmem>>) target(%dma_start3A_336 : memref<10240x32xf32, #tpu.memory_space<vmem_shared>>) offsets(%dma_start3A_333 : memref<256xi32, #tpu.memory_space<vmem>>) semaphore(%arg15 : memref<!tpu.dma_semaphore, #tpu.memory_space<semaphore_mem>>) {add = true}
      } else {
      }
      %add3A_249 = arith.constant 1 : i32
      %add3A_250 = arith.addi %mul3A_242, %add3A_249 : i32
      %lt3A_251 = arith.cmpi slt, %add3A_250, %add3A_7 : i32
      %convert_element_type3A_252 = arith.extui %lt3A_251 : i1 to i32
      %cond3A_253 = arith.constant 0 : i32
      %cond3A_254 = arith.cmpi ne, %convert_element_type3A_252, %cond3A_253 : i32
      scf.if %cond3A_254 {
        %dma_wait3A = arith.constant 1 : i32
        %dma_wait3A_316 = arith.constant 0 : i32
        %dma_wait3A_317 = arith.constant 0 : i32
        %dma_wait3A_318 = tpu.memref_slice %arg9[%dma_wait3A, %dma_wait3A_316, %dma_wait3A_317] : memref<4x256x32xf32, #tpu.memory_space<vmem>> -> memref<1x256x32xf32, #tpu.memory_space<vmem>>
        %dma_wait3A_319 = tpu.memref_squeeze %dma_wait3A_318 : memref<1x256x32xf32, #tpu.memory_space<vmem>> -> memref<256x32xf32, #tpu.memory_space<vmem>>
        %dma_wait3A_320 = arith.constant 0 : i32
        %dma_wait3A_321 = tpu.memref_slice %arg7[%add3A_250, %dma_wait3A_320] : memref<79x256xi32, #tpu.memory_space<vmem>> -> memref<1x256xi32, #tpu.memory_space<vmem>>
        %dma_wait3A_322 = tpu.memref_squeeze %dma_wait3A_321 : memref<1x256xi32, #tpu.memory_space<vmem>> -> memref<256xi32, #tpu.memory_space<vmem>>
        %dma_wait3A_323 = arith.constant 0 : i32
        %dma_wait3A_324 = arith.constant 0 : i32
        %dma_wait3A_325 = tpu.memref_slice %arg13[%dma_wait3A_323, %dma_wait3A_324] : memref<10240x32xf32, #tpu.memory_space<vmem_shared>> -> memref<10240x32xf32, #tpu.memory_space<vmem_shared>>
        tpu.wait_indirect_dma semaphore(%arg14 : memref<!tpu.dma_semaphore, #tpu.memory_space<semaphore_mem>>) src(%dma_wait3A_325 : memref<10240x32xf32, #tpu.memory_space<vmem_shared>>) dst(%dma_wait3A_319 : memref<256x32xf32, #tpu.memory_space<vmem>>)
        %dma_start3A_326 = arith.constant 1 : i32
        %dma_start3A_327 = arith.constant 0 : i32
        %dma_start3A_328 = arith.constant 0 : i32
        %dma_start3A_329 = tpu.memref_slice %arg9[%dma_start3A_326, %dma_start3A_327, %dma_start3A_328] : memref<4x256x32xf32, #tpu.memory_space<vmem>> -> memref<1x256x32xf32, #tpu.memory_space<vmem>>
        %dma_start3A_330 = tpu.memref_squeeze %dma_start3A_329 : memref<1x256x32xf32, #tpu.memory_space<vmem>> -> memref<256x32xf32, #tpu.memory_space<vmem>>
        %dma_start3A_331 = arith.constant 0 : i32
        %dma_start3A_332 = tpu.memref_slice %arg8[%add3A_250, %dma_start3A_331] : memref<79x256xi32, #tpu.memory_space<vmem>> -> memref<1x256xi32, #tpu.memory_space<vmem>>
        %dma_start3A_333 = tpu.memref_squeeze %dma_start3A_332 : memref<1x256xi32, #tpu.memory_space<vmem>> -> memref<256xi32, #tpu.memory_space<vmem>>
        %dma_start3A_334 = arith.constant 0 : i32
        %dma_start3A_335 = arith.constant 0 : i32
        %dma_start3A_336 = tpu.memref_slice %arg12[%dma_start3A_334, %dma_start3A_335] : memref<10240x32xf32, #tpu.memory_space<vmem_shared>> -> memref<10240x32xf32, #tpu.memory_space<vmem_shared>>
        tpu.enqueue_indirect_dma source(%dma_start3A_330 : memref<256x32xf32, #tpu.memory_space<vmem>>) target(%dma_start3A_336 : memref<10240x32xf32, #tpu.memory_space<vmem_shared>>) offsets(%dma_start3A_333 : memref<256xi32, #tpu.memory_space<vmem>>) semaphore(%arg15 : memref<!tpu.dma_semaphore, #tpu.memory_space<semaphore_mem>>) {add = true}
      } else {
      }
      %add3A_255 = arith.constant 2 : i32
      %add3A_256 = arith.addi %mul3A_242, %add3A_255 : i32
      %lt3A_257 = arith.cmpi slt, %add3A_256, %add3A_7 : i32
      %convert_element_type3A_258 = arith.extui %lt3A_257 : i1 to i32
      %cond3A_259 = arith.constant 0 : i32
      %cond3A_260 = arith.cmpi ne, %convert_element_type3A_258, %cond3A_259 : i32
      scf.if %cond3A_260 {
        %dma_wait3A = arith.constant 2 : i32
        %dma_wait3A_316 = arith.constant 0 : i32
        %dma_wait3A_317 = arith.constant 0 : i32
        %dma_wait3A_318 = tpu.memref_slice %arg9[%dma_wait3A, %dma_wait3A_316, %dma_wait3A_317] : memref<4x256x32xf32, #tpu.memory_space<vmem>> -> memref<1x256x32xf32, #tpu.memory_space<vmem>>
        %dma_wait3A_319 = tpu.memref_squeeze %dma_wait3A_318 : memref<1x256x32xf32, #tpu.memory_space<vmem>> -> memref<256x32xf32, #tpu.memory_space<vmem>>
        %dma_wait3A_320 = arith.constant 0 : i32
        %dma_wait3A_321 = tpu.memref_slice %arg7[%add3A_256, %dma_wait3A_320] : memref<79x256xi32, #tpu.memory_space<vmem>> -> memref<1x256xi32, #tpu.memory_space<vmem>>
        %dma_wait3A_322 = tpu.memref_squeeze %dma_wait3A_321 : memref<1x256xi32, #tpu.memory_space<vmem>> -> memref<256xi32, #tpu.memory_space<vmem>>
        %dma_wait3A_323 = arith.constant 0 : i32
        %dma_wait3A_324 = arith.constant 0 : i32
        %dma_wait3A_325 = tpu.memref_slice %arg13[%dma_wait3A_323, %dma_wait3A_324] : memref<10240x32xf32, #tpu.memory_space<vmem_shared>> -> memref<10240x32xf32, #tpu.memory_space<vmem_shared>>
        tpu.wait_indirect_dma semaphore(%arg14 : memref<!tpu.dma_semaphore, #tpu.memory_space<semaphore_mem>>) src(%dma_wait3A_325 : memref<10240x32xf32, #tpu.memory_space<vmem_shared>>) dst(%dma_wait3A_319 : memref<256x32xf32, #tpu.memory_space<vmem>>)
        %dma_start3A_326 = arith.constant 2 : i32
        %dma_start3A_327 = arith.constant 0 : i32
        %dma_start3A_328 = arith.constant 0 : i32
        %dma_start3A_329 = tpu.memref_slice %arg9[%dma_start3A_326, %dma_start3A_327, %dma_start3A_328] : memref<4x256x32xf32, #tpu.memory_space<vmem>> -> memref<1x256x32xf32, #tpu.memory_space<vmem>>
        %dma_start3A_330 = tpu.memref_squeeze %dma_start3A_329 : memref<1x256x32xf32, #tpu.memory_space<vmem>> -> memref<256x32xf32, #tpu.memory_space<vmem>>
        %dma_start3A_331 = arith.constant 0 : i32
        %dma_start3A_332 = tpu.memref_slice %arg8[%add3A_256, %dma_start3A_331] : memref<79x256xi32, #tpu.memory_space<vmem>> -> memref<1x256xi32, #tpu.memory_space<vmem>>
        %dma_start3A_333 = tpu.memref_squeeze %dma_start3A_332 : memref<1x256xi32, #tpu.memory_space<vmem>> -> memref<256xi32, #tpu.memory_space<vmem>>
        %dma_start3A_334 = arith.constant 0 : i32
        %dma_start3A_335 = arith.constant 0 : i32
        %dma_start3A_336 = tpu.memref_slice %arg12[%dma_start3A_334, %dma_start3A_335] : memref<10240x32xf32, #tpu.memory_space<vmem_shared>> -> memref<10240x32xf32, #tpu.memory_space<vmem_shared>>
        tpu.enqueue_indirect_dma source(%dma_start3A_330 : memref<256x32xf32, #tpu.memory_space<vmem>>) target(%dma_start3A_336 : memref<10240x32xf32, #tpu.memory_space<vmem_shared>>) offsets(%dma_start3A_333 : memref<256xi32, #tpu.memory_space<vmem>>) semaphore(%arg15 : memref<!tpu.dma_semaphore, #tpu.memory_space<semaphore_mem>>) {add = true}
      } else {
      }
      %add3A_261 = arith.constant 3 : i32
      %add3A_262 = arith.addi %mul3A_242, %add3A_261 : i32
      %lt3A_263 = arith.cmpi slt, %add3A_262, %add3A_7 : i32
      %convert_element_type3A_264 = arith.extui %lt3A_263 : i1 to i32
      %cond3A_265 = arith.constant 0 : i32
      %cond3A_266 = arith.cmpi ne, %convert_element_type3A_264, %cond3A_265 : i32
      scf.if %cond3A_266 {
        %dma_wait3A = arith.constant 3 : i32
        %dma_wait3A_316 = arith.constant 0 : i32
        %dma_wait3A_317 = arith.constant 0 : i32
        %dma_wait3A_318 = tpu.memref_slice %arg9[%dma_wait3A, %dma_wait3A_316, %dma_wait3A_317] : memref<4x256x32xf32, #tpu.memory_space<vmem>> -> memref<1x256x32xf32, #tpu.memory_space<vmem>>
        %dma_wait3A_319 = tpu.memref_squeeze %dma_wait3A_318 : memref<1x256x32xf32, #tpu.memory_space<vmem>> -> memref<256x32xf32, #tpu.memory_space<vmem>>
        %dma_wait3A_320 = arith.constant 0 : i32
        %dma_wait3A_321 = tpu.memref_slice %arg7[%add3A_262, %dma_wait3A_320] : memref<79x256xi32, #tpu.memory_space<vmem>> -> memref<1x256xi32, #tpu.memory_space<vmem>>
        %dma_wait3A_322 = tpu.memref_squeeze %dma_wait3A_321 : memref<1x256xi32, #tpu.memory_space<vmem>> -> memref<256xi32, #tpu.memory_space<vmem>>
        %dma_wait3A_323 = arith.constant 0 : i32
        %dma_wait3A_324 = arith.constant 0 : i32
        %dma_wait3A_325 = tpu.memref_slice %arg13[%dma_wait3A_323, %dma_wait3A_324] : memref<10240x32xf32, #tpu.memory_space<vmem_shared>> -> memref<10240x32xf32, #tpu.memory_space<vmem_shared>>
        tpu.wait_indirect_dma semaphore(%arg14 : memref<!tpu.dma_semaphore, #tpu.memory_space<semaphore_mem>>) src(%dma_wait3A_325 : memref<10240x32xf32, #tpu.memory_space<vmem_shared>>) dst(%dma_wait3A_319 : memref<256x32xf32, #tpu.memory_space<vmem>>)
        %dma_start3A_326 = arith.constant 3 : i32
        %dma_start3A_327 = arith.constant 0 : i32
        %dma_start3A_328 = arith.constant 0 : i32
        %dma_start3A_329 = tpu.memref_slice %arg9[%dma_start3A_326, %dma_start3A_327, %dma_start3A_328] : memref<4x256x32xf32, #tpu.memory_space<vmem>> -> memref<1x256x32xf32, #tpu.memory_space<vmem>>
        %dma_start3A_330 = tpu.memref_squeeze %dma_start3A_329 : memref<1x256x32xf32, #tpu.memory_space<vmem>> -> memref<256x32xf32, #tpu.memory_space<vmem>>
        %dma_start3A_331 = arith.constant 0 : i32
        %dma_start3A_332 = tpu.memref_slice %arg8[%add3A_262, %dma_start3A_331] : memref<79x256xi32, #tpu.memory_space<vmem>> -> memref<1x256xi32, #tpu.memory_space<vmem>>
        %dma_start3A_333 = tpu.memref_squeeze %dma_start3A_332 : memref<1x256xi32, #tpu.memory_space<vmem>> -> memref<256xi32, #tpu.memory_space<vmem>>
        %dma_start3A_334 = arith.constant 0 : i32
        %dma_start3A_335 = arith.constant 0 : i32
        %dma_start3A_336 = tpu.memref_slice %arg12[%dma_start3A_334, %dma_start3A_335] : memref<10240x32xf32, #tpu.memory_space<vmem_shared>> -> memref<10240x32xf32, #tpu.memory_space<vmem_shared>>
        tpu.enqueue_indirect_dma source(%dma_start3A_330 : memref<256x32xf32, #tpu.memory_space<vmem>>) target(%dma_start3A_336 : memref<10240x32xf32, #tpu.memory_space<vmem_shared>>) offsets(%dma_start3A_333 : memref<256xi32, #tpu.memory_space<vmem>>) semaphore(%arg15 : memref<!tpu.dma_semaphore, #tpu.memory_space<semaphore_mem>>) {add = true}
      } else {
      }
      %add3A_267 = arith.constant 0 : i32
      %add3A_268 = arith.addi %mul3A_242, %add3A_267 : i32
      %add3A_269 = arith.constant 4 : i32
      %add3A_270 = arith.addi %add3A_268, %add3A_269 : i32
      %lt3A_271 = arith.cmpi slt, %add3A_268, %add3A_7 : i32
      %convert_element_type3A_272 = arith.extui %lt3A_271 : i1 to i32
      %cond3A_273 = arith.constant 0 : i32
      %cond3A_274 = arith.cmpi ne, %convert_element_type3A_272, %cond3A_273 : i32
      scf.if %cond3A_274 {
        %dma_wait3A = arith.constant 0 : i32
        %dma_wait3A_316 = arith.constant 0 : i32
        %dma_wait3A_317 = arith.constant 0 : i32
        %dma_wait3A_318 = tpu.memref_slice %arg9[%dma_wait3A, %dma_wait3A_316, %dma_wait3A_317] : memref<4x256x32xf32, #tpu.memory_space<vmem>> -> memref<1x256x32xf32, #tpu.memory_space<vmem>>
        %dma_wait3A_319 = tpu.memref_squeeze %dma_wait3A_318 : memref<1x256x32xf32, #tpu.memory_space<vmem>> -> memref<256x32xf32, #tpu.memory_space<vmem>>
        %dma_wait3A_320 = arith.constant 0 : i32
        %dma_wait3A_321 = tpu.memref_slice %arg8[%add3A_268, %dma_wait3A_320] : memref<79x256xi32, #tpu.memory_space<vmem>> -> memref<1x256xi32, #tpu.memory_space<vmem>>
        %dma_wait3A_322 = tpu.memref_squeeze %dma_wait3A_321 : memref<1x256xi32, #tpu.memory_space<vmem>> -> memref<256xi32, #tpu.memory_space<vmem>>
        %dma_wait3A_323 = arith.constant 0 : i32
        %dma_wait3A_324 = arith.constant 0 : i32
        %dma_wait3A_325 = tpu.memref_slice %arg12[%dma_wait3A_323, %dma_wait3A_324] : memref<10240x32xf32, #tpu.memory_space<vmem_shared>> -> memref<10240x32xf32, #tpu.memory_space<vmem_shared>>
        tpu.wait_indirect_dma semaphore(%arg15 : memref<!tpu.dma_semaphore, #tpu.memory_space<semaphore_mem>>) src(%dma_wait3A_319 : memref<256x32xf32, #tpu.memory_space<vmem>>) dst(%dma_wait3A_325 : memref<10240x32xf32, #tpu.memory_space<vmem_shared>>)
      } else {
      }
      %lt3A_275 = arith.cmpi slt, %add3A_270, %add3A_7 : i32
      %convert_element_type3A_276 = arith.extui %lt3A_275 : i1 to i32
      %cond3A_277 = arith.constant 0 : i32
      %cond3A_278 = arith.cmpi ne, %convert_element_type3A_276, %cond3A_277 : i32
      scf.if %cond3A_278 {
        %dma_start3A_316 = arith.constant 0 : i32
        %dma_start3A_317 = arith.constant 0 : i32
        %dma_start3A_318 = arith.constant 0 : i32
        %dma_start3A_319 = tpu.memref_slice %arg9[%dma_start3A_316, %dma_start3A_317, %dma_start3A_318] : memref<4x256x32xf32, #tpu.memory_space<vmem>> -> memref<1x256x32xf32, #tpu.memory_space<vmem>>
        %dma_start3A_320 = tpu.memref_squeeze %dma_start3A_319 : memref<1x256x32xf32, #tpu.memory_space<vmem>> -> memref<256x32xf32, #tpu.memory_space<vmem>>
        %dma_start3A_321 = arith.constant 0 : i32
        %dma_start3A_322 = tpu.memref_slice %arg7[%add3A_270, %dma_start3A_321] : memref<79x256xi32, #tpu.memory_space<vmem>> -> memref<1x256xi32, #tpu.memory_space<vmem>>
        %dma_start3A_323 = tpu.memref_squeeze %dma_start3A_322 : memref<1x256xi32, #tpu.memory_space<vmem>> -> memref<256xi32, #tpu.memory_space<vmem>>
        %dma_start3A_324 = arith.constant 0 : i32
        %dma_start3A_325 = arith.constant 0 : i32
        %dma_start3A_326 = tpu.memref_slice %arg13[%dma_start3A_324, %dma_start3A_325] : memref<10240x32xf32, #tpu.memory_space<vmem_shared>> -> memref<10240x32xf32, #tpu.memory_space<vmem_shared>>
        tpu.enqueue_indirect_dma source(%dma_start3A_326 : memref<10240x32xf32, #tpu.memory_space<vmem_shared>>) target(%dma_start3A_320 : memref<256x32xf32, #tpu.memory_space<vmem>>) offsets(%dma_start3A_323 : memref<256xi32, #tpu.memory_space<vmem>>) semaphore(%arg14 : memref<!tpu.dma_semaphore, #tpu.memory_space<semaphore_mem>>)
      } else {
      }
      %add3A_279 = arith.constant 1 : i32
      %add3A_280 = arith.addi %mul3A_242, %add3A_279 : i32
      %add3A_281 = arith.constant 4 : i32
      %add3A_282 = arith.addi %add3A_280, %add3A_281 : i32
      %lt3A_283 = arith.cmpi slt, %add3A_280, %add3A_7 : i32
      %convert_element_type3A_284 = arith.extui %lt3A_283 : i1 to i32
      %cond3A_285 = arith.constant 0 : i32
      %cond3A_286 = arith.cmpi ne, %convert_element_type3A_284, %cond3A_285 : i32
      scf.if %cond3A_286 {
        %dma_wait3A = arith.constant 1 : i32
        %dma_wait3A_316 = arith.constant 0 : i32
        %dma_wait3A_317 = arith.constant 0 : i32
        %dma_wait3A_318 = tpu.memref_slice %arg9[%dma_wait3A, %dma_wait3A_316, %dma_wait3A_317] : memref<4x256x32xf32, #tpu.memory_space<vmem>> -> memref<1x256x32xf32, #tpu.memory_space<vmem>>
        %dma_wait3A_319 = tpu.memref_squeeze %dma_wait3A_318 : memref<1x256x32xf32, #tpu.memory_space<vmem>> -> memref<256x32xf32, #tpu.memory_space<vmem>>
        %dma_wait3A_320 = arith.constant 0 : i32
        %dma_wait3A_321 = tpu.memref_slice %arg8[%add3A_280, %dma_wait3A_320] : memref<79x256xi32, #tpu.memory_space<vmem>> -> memref<1x256xi32, #tpu.memory_space<vmem>>
        %dma_wait3A_322 = tpu.memref_squeeze %dma_wait3A_321 : memref<1x256xi32, #tpu.memory_space<vmem>> -> memref<256xi32, #tpu.memory_space<vmem>>
        %dma_wait3A_323 = arith.constant 0 : i32
        %dma_wait3A_324 = arith.constant 0 : i32
        %dma_wait3A_325 = tpu.memref_slice %arg12[%dma_wait3A_323, %dma_wait3A_324] : memref<10240x32xf32, #tpu.memory_space<vmem_shared>> -> memref<10240x32xf32, #tpu.memory_space<vmem_shared>>
        tpu.wait_indirect_dma semaphore(%arg15 : memref<!tpu.dma_semaphore, #tpu.memory_space<semaphore_mem>>) src(%dma_wait3A_319 : memref<256x32xf32, #tpu.memory_space<vmem>>) dst(%dma_wait3A_325 : memref<10240x32xf32, #tpu.memory_space<vmem_shared>>)
      } else {
      }
      %lt3A_287 = arith.cmpi slt, %add3A_282, %add3A_7 : i32
      %convert_element_type3A_288 = arith.extui %lt3A_287 : i1 to i32
      %cond3A_289 = arith.constant 0 : i32
      %cond3A_290 = arith.cmpi ne, %convert_element_type3A_288, %cond3A_289 : i32
      scf.if %cond3A_290 {
        %dma_start3A_316 = arith.constant 1 : i32
        %dma_start3A_317 = arith.constant 0 : i32
        %dma_start3A_318 = arith.constant 0 : i32
        %dma_start3A_319 = tpu.memref_slice %arg9[%dma_start3A_316, %dma_start3A_317, %dma_start3A_318] : memref<4x256x32xf32, #tpu.memory_space<vmem>> -> memref<1x256x32xf32, #tpu.memory_space<vmem>>
        %dma_start3A_320 = tpu.memref_squeeze %dma_start3A_319 : memref<1x256x32xf32, #tpu.memory_space<vmem>> -> memref<256x32xf32, #tpu.memory_space<vmem>>
        %dma_start3A_321 = arith.constant 0 : i32
        %dma_start3A_322 = tpu.memref_slice %arg7[%add3A_282, %dma_start3A_321] : memref<79x256xi32, #tpu.memory_space<vmem>> -> memref<1x256xi32, #tpu.memory_space<vmem>>
        %dma_start3A_323 = tpu.memref_squeeze %dma_start3A_322 : memref<1x256xi32, #tpu.memory_space<vmem>> -> memref<256xi32, #tpu.memory_space<vmem>>
        %dma_start3A_324 = arith.constant 0 : i32
        %dma_start3A_325 = arith.constant 0 : i32
        %dma_start3A_326 = tpu.memref_slice %arg13[%dma_start3A_324, %dma_start3A_325] : memref<10240x32xf32, #tpu.memory_space<vmem_shared>> -> memref<10240x32xf32, #tpu.memory_space<vmem_shared>>
        tpu.enqueue_indirect_dma source(%dma_start3A_326 : memref<10240x32xf32, #tpu.memory_space<vmem_shared>>) target(%dma_start3A_320 : memref<256x32xf32, #tpu.memory_space<vmem>>) offsets(%dma_start3A_323 : memref<256xi32, #tpu.memory_space<vmem>>) semaphore(%arg14 : memref<!tpu.dma_semaphore, #tpu.memory_space<semaphore_mem>>)
      } else {
      }
      %add3A_291 = arith.constant 2 : i32
      %add3A_292 = arith.addi %mul3A_242, %add3A_291 : i32
      %add3A_293 = arith.constant 4 : i32
      %add3A_294 = arith.addi %add3A_292, %add3A_293 : i32
      %lt3A_295 = arith.cmpi slt, %add3A_292, %add3A_7 : i32
      %convert_element_type3A_296 = arith.extui %lt3A_295 : i1 to i32
      %cond3A_297 = arith.constant 0 : i32
      %cond3A_298 = arith.cmpi ne, %convert_element_type3A_296, %cond3A_297 : i32
      scf.if %cond3A_298 {
        %dma_wait3A = arith.constant 2 : i32
        %dma_wait3A_316 = arith.constant 0 : i32
        %dma_wait3A_317 = arith.constant 0 : i32
        %dma_wait3A_318 = tpu.memref_slice %arg9[%dma_wait3A, %dma_wait3A_316, %dma_wait3A_317] : memref<4x256x32xf32, #tpu.memory_space<vmem>> -> memref<1x256x32xf32, #tpu.memory_space<vmem>>
        %dma_wait3A_319 = tpu.memref_squeeze %dma_wait3A_318 : memref<1x256x32xf32, #tpu.memory_space<vmem>> -> memref<256x32xf32, #tpu.memory_space<vmem>>
        %dma_wait3A_320 = arith.constant 0 : i32
        %dma_wait3A_321 = tpu.memref_slice %arg8[%add3A_292, %dma_wait3A_320] : memref<79x256xi32, #tpu.memory_space<vmem>> -> memref<1x256xi32, #tpu.memory_space<vmem>>
        %dma_wait3A_322 = tpu.memref_squeeze %dma_wait3A_321 : memref<1x256xi32, #tpu.memory_space<vmem>> -> memref<256xi32, #tpu.memory_space<vmem>>
        %dma_wait3A_323 = arith.constant 0 : i32
        %dma_wait3A_324 = arith.constant 0 : i32
        %dma_wait3A_325 = tpu.memref_slice %arg12[%dma_wait3A_323, %dma_wait3A_324] : memref<10240x32xf32, #tpu.memory_space<vmem_shared>> -> memref<10240x32xf32, #tpu.memory_space<vmem_shared>>
        tpu.wait_indirect_dma semaphore(%arg15 : memref<!tpu.dma_semaphore, #tpu.memory_space<semaphore_mem>>) src(%dma_wait3A_319 : memref<256x32xf32, #tpu.memory_space<vmem>>) dst(%dma_wait3A_325 : memref<10240x32xf32, #tpu.memory_space<vmem_shared>>)
      } else {
      }
      %lt3A_299 = arith.cmpi slt, %add3A_294, %add3A_7 : i32
      %convert_element_type3A_300 = arith.extui %lt3A_299 : i1 to i32
      %cond3A_301 = arith.constant 0 : i32
      %cond3A_302 = arith.cmpi ne, %convert_element_type3A_300, %cond3A_301 : i32
      scf.if %cond3A_302 {
        %dma_start3A_316 = arith.constant 2 : i32
        %dma_start3A_317 = arith.constant 0 : i32
        %dma_start3A_318 = arith.constant 0 : i32
        %dma_start3A_319 = tpu.memref_slice %arg9[%dma_start3A_316, %dma_start3A_317, %dma_start3A_318] : memref<4x256x32xf32, #tpu.memory_space<vmem>> -> memref<1x256x32xf32, #tpu.memory_space<vmem>>
        %dma_start3A_320 = tpu.memref_squeeze %dma_start3A_319 : memref<1x256x32xf32, #tpu.memory_space<vmem>> -> memref<256x32xf32, #tpu.memory_space<vmem>>
        %dma_start3A_321 = arith.constant 0 : i32
        %dma_start3A_322 = tpu.memref_slice %arg7[%add3A_294, %dma_start3A_321] : memref<79x256xi32, #tpu.memory_space<vmem>> -> memref<1x256xi32, #tpu.memory_space<vmem>>
        %dma_start3A_323 = tpu.memref_squeeze %dma_start3A_322 : memref<1x256xi32, #tpu.memory_space<vmem>> -> memref<256xi32, #tpu.memory_space<vmem>>
        %dma_start3A_324 = arith.constant 0 : i32
        %dma_start3A_325 = arith.constant 0 : i32
        %dma_start3A_326 = tpu.memref_slice %arg13[%dma_start3A_324, %dma_start3A_325] : memref<10240x32xf32, #tpu.memory_space<vmem_shared>> -> memref<10240x32xf32, #tpu.memory_space<vmem_shared>>
        tpu.enqueue_indirect_dma source(%dma_start3A_326 : memref<10240x32xf32, #tpu.memory_space<vmem_shared>>) target(%dma_start3A_320 : memref<256x32xf32, #tpu.memory_space<vmem>>) offsets(%dma_start3A_323 : memref<256xi32, #tpu.memory_space<vmem>>) semaphore(%arg14 : memref<!tpu.dma_semaphore, #tpu.memory_space<semaphore_mem>>)
      } else {
      }
      %add3A_303 = arith.constant 3 : i32
      %add3A_304 = arith.addi %mul3A_242, %add3A_303 : i32
      %add3A_305 = arith.constant 4 : i32
      %add3A_306 = arith.addi %add3A_304, %add3A_305 : i32
      %lt3A_307 = arith.cmpi slt, %add3A_304, %add3A_7 : i32
      %convert_element_type3A_308 = arith.extui %lt3A_307 : i1 to i32
      %cond3A_309 = arith.constant 0 : i32
      %cond3A_310 = arith.cmpi ne, %convert_element_type3A_308, %cond3A_309 : i32
      scf.if %cond3A_310 {
        %dma_wait3A = arith.constant 3 : i32
        %dma_wait3A_316 = arith.constant 0 : i32
        %dma_wait3A_317 = arith.constant 0 : i32
        %dma_wait3A_318 = tpu.memref_slice %arg9[%dma_wait3A, %dma_wait3A_316, %dma_wait3A_317] : memref<4x256x32xf32, #tpu.memory_space<vmem>> -> memref<1x256x32xf32, #tpu.memory_space<vmem>>
        %dma_wait3A_319 = tpu.memref_squeeze %dma_wait3A_318 : memref<1x256x32xf32, #tpu.memory_space<vmem>> -> memref<256x32xf32, #tpu.memory_space<vmem>>
        %dma_wait3A_320 = arith.constant 0 : i32
        %dma_wait3A_321 = tpu.memref_slice %arg8[%add3A_304, %dma_wait3A_320] : memref<79x256xi32, #tpu.memory_space<vmem>> -> memref<1x256xi32, #tpu.memory_space<vmem>>
        %dma_wait3A_322 = tpu.memref_squeeze %dma_wait3A_321 : memref<1x256xi32, #tpu.memory_space<vmem>> -> memref<256xi32, #tpu.memory_space<vmem>>
        %dma_wait3A_323 = arith.constant 0 : i32
        %dma_wait3A_324 = arith.constant 0 : i32
        %dma_wait3A_325 = tpu.memref_slice %arg12[%dma_wait3A_323, %dma_wait3A_324] : memref<10240x32xf32, #tpu.memory_space<vmem_shared>> -> memref<10240x32xf32, #tpu.memory_space<vmem_shared>>
        tpu.wait_indirect_dma semaphore(%arg15 : memref<!tpu.dma_semaphore, #tpu.memory_space<semaphore_mem>>) src(%dma_wait3A_319 : memref<256x32xf32, #tpu.memory_space<vmem>>) dst(%dma_wait3A_325 : memref<10240x32xf32, #tpu.memory_space<vmem_shared>>)
      } else {
      }
      %lt3A_311 = arith.cmpi slt, %add3A_306, %add3A_7 : i32
      %convert_element_type3A_312 = arith.extui %lt3A_311 : i1 to i32
      %cond3A_313 = arith.constant 0 : i32
      %cond3A_314 = arith.cmpi ne, %convert_element_type3A_312, %cond3A_313 : i32
      scf.if %cond3A_314 {
        %dma_start3A_316 = arith.constant 3 : i32
        %dma_start3A_317 = arith.constant 0 : i32
        %dma_start3A_318 = arith.constant 0 : i32
        %dma_start3A_319 = tpu.memref_slice %arg9[%dma_start3A_316, %dma_start3A_317, %dma_start3A_318] : memref<4x256x32xf32, #tpu.memory_space<vmem>> -> memref<1x256x32xf32, #tpu.memory_space<vmem>>
        %dma_start3A_320 = tpu.memref_squeeze %dma_start3A_319 : memref<1x256x32xf32, #tpu.memory_space<vmem>> -> memref<256x32xf32, #tpu.memory_space<vmem>>
        %dma_start3A_321 = arith.constant 0 : i32
        %dma_start3A_322 = tpu.memref_slice %arg7[%add3A_306, %dma_start3A_321] : memref<79x256xi32, #tpu.memory_space<vmem>> -> memref<1x256xi32, #tpu.memory_space<vmem>>
        %dma_start3A_323 = tpu.memref_squeeze %dma_start3A_322 : memref<1x256xi32, #tpu.memory_space<vmem>> -> memref<256xi32, #tpu.memory_space<vmem>>
        %dma_start3A_324 = arith.constant 0 : i32
        %dma_start3A_325 = arith.constant 0 : i32
        %dma_start3A_326 = tpu.memref_slice %arg13[%dma_start3A_324, %dma_start3A_325] : memref<10240x32xf32, #tpu.memory_space<vmem_shared>> -> memref<10240x32xf32, #tpu.memory_space<vmem_shared>>
        tpu.enqueue_indirect_dma source(%dma_start3A_326 : memref<10240x32xf32, #tpu.memory_space<vmem_shared>>) target(%dma_start3A_320 : memref<256x32xf32, #tpu.memory_space<vmem>>) offsets(%dma_start3A_323 : memref<256xi32, #tpu.memory_space<vmem>>) semaphore(%arg14 : memref<!tpu.dma_semaphore, #tpu.memory_space<semaphore_mem>>)
      } else {
      }
      %scan3A_315 = arith.constant 0 : i32
      scf.yield %scan3A_315 : i32
    }
    %scan3A_114 = arith.constant 20 : i32
    %barrier3A_115 = arith.constant 0 : index
    tpu.barrier barrier_id(%barrier3A_115)
    %add3A_116 = arith.constant 0 : i32
    %add3A_117 = arith.addi %mul3A_9, %add3A_116 : i32
    %run_scoped3A_118 = arith.constant 0 : i32
    "tpu.region"() ({
      %run_scoped3A_239 = tpu.sem_alloc : memref<!tpu.dma_semaphore, #tpu.memory_space<semaphore_mem>>
      %dma_start3A_240 = arith.constant 0 : i32
      %dma_start3A_241 = arith.constant 0 : i32
      %dma_start3A_242 = tpu.memref_slice %arg9[%run_scoped3A_118, %dma_start3A_240, %dma_start3A_241] : memref<4x256x32xf32, #tpu.memory_space<vmem>> -> memref<1x256x32xf32, #tpu.memory_space<vmem>>
      %dma_start3A_243 = tpu.memref_squeeze %dma_start3A_242 : memref<1x256x32xf32, #tpu.memory_space<vmem>> -> memref<256x32xf32, #tpu.memory_space<vmem>>
      %dma_start3A_244 = arith.constant 0 : i32
      %dma_start3A_245 = tpu.memref_slice %arg12[%add3A_117, %dma_start3A_244] : memref<10240x32xf32, #tpu.memory_space<vmem_shared>> -> memref<256x32xf32, #tpu.memory_space<vmem_shared>>
      %dma_start3A_246 = arith.constant 0 : i32
      %dma_start3A_247 = arith.constant 0 : i32
      %dma_start3A_248 = tpu.memref_slice %arg9[%run_scoped3A_118, %dma_start3A_246, %dma_start3A_247] : memref<4x256x32xf32, #tpu.memory_space<vmem>> -> memref<1x256x32xf32, #tpu.memory_space<vmem>>
      %dma_start3A_249 = tpu.memref_squeeze %dma_start3A_248 : memref<1x256x32xf32, #tpu.memory_space<vmem>> -> memref<256x32xf32, #tpu.memory_space<vmem>>
      %dma_start3A_250 = arith.constant 0 : i32
      %dma_start3A_251 = tpu.memref_slice %arg12[%add3A_117, %dma_start3A_250] : memref<10240x32xf32, #tpu.memory_space<vmem_shared>> -> memref<256x32xf32, #tpu.memory_space<vmem_shared>>
      tpu.enqueue_dma source(%dma_start3A_251 : memref<256x32xf32, #tpu.memory_space<vmem_shared>>) target(%dma_start3A_249 : memref<256x32xf32, #tpu.memory_space<vmem>>) target_semaphore(%run_scoped3A_239 : memref<!tpu.dma_semaphore, #tpu.memory_space<semaphore_mem>>)
      %dma_wait3A = arith.constant 0 : i32
      %dma_wait3A_252 = arith.constant 0 : i32
      %dma_wait3A_253 = tpu.memref_slice %arg9[%run_scoped3A_118, %dma_wait3A, %dma_wait3A_252] : memref<4x256x32xf32, #tpu.memory_space<vmem>> -> memref<1x256x32xf32, #tpu.memory_space<vmem>>
      %dma_wait3A_254 = tpu.memref_squeeze %dma_wait3A_253 : memref<1x256x32xf32, #tpu.memory_space<vmem>> -> memref<256x32xf32, #tpu.memory_space<vmem>>
      %dma_wait3A_255 = arith.constant 0 : i32
      %dma_wait3A_256 = tpu.memref_slice %arg12[%add3A_117, %dma_wait3A_255] : memref<10240x32xf32, #tpu.memory_space<vmem_shared>> -> memref<256x32xf32, #tpu.memory_space<vmem_shared>>
      %dma_wait3A_257 = arith.constant 0 : i32
      %dma_wait3A_258 = arith.constant 0 : i32
      %dma_wait3A_259 = tpu.memref_slice %arg9[%run_scoped3A_118, %dma_wait3A_257, %dma_wait3A_258] : memref<4x256x32xf32, #tpu.memory_space<vmem>> -> memref<1x256x32xf32, #tpu.memory_space<vmem>>
      %dma_wait3A_260 = tpu.memref_squeeze %dma_wait3A_259 : memref<1x256x32xf32, #tpu.memory_space<vmem>> -> memref<256x32xf32, #tpu.memory_space<vmem>>
      %dma_wait3A_261 = arith.constant 0 : i32
      %dma_wait3A_262 = tpu.memref_slice %arg12[%add3A_117, %dma_wait3A_261] : memref<10240x32xf32, #tpu.memory_space<vmem_shared>> -> memref<256x32xf32, #tpu.memory_space<vmem_shared>>
      tpu.wait_dma2 semaphore(%run_scoped3A_239 : memref<!tpu.dma_semaphore, #tpu.memory_space<semaphore_mem>>) src(%dma_wait3A_262 : memref<256x32xf32, #tpu.memory_space<vmem_shared>>) dst(%dma_wait3A_260 : memref<256x32xf32, #tpu.memory_space<vmem>>)
      tpu.yield
    }) : () -> ()
    %scan3A_119 = arith.constant 0 : i32
    %scan3A_120 = arith.constant 0 : i32
    %scan3A_121 = arith.constant 256 : i32
    %scan3A_122 = arith.addi %scan3A_120, %scan3A_121 : i32
    %scan3A_123 = arith.constant 1 : i32
    %scan3A_124 = scf.for %scan3A_239 = %scan3A_120 to %scan3A_122 step %scan3A_123 iter_args(%scan3A_240 = %scan3A_119) -> (i32)  : i32 {
      %add3A_241 = arith.constant 0 : i32
      %add3A_242 = arith.addi %add3A_241, %scan3A_239 : i32
      %get3A = arith.index_cast %add3A_242 : i32 to index
      %get3A_243 = arith.constant 0 : index
      %get3A_244 = tpu.vector_load %arg10[%get3A, %get3A_243] {strides = array<i32>} : memref<640x16xf32, #tpu.memory_space<vmem>>, vector<1x16xf32>,
      %get3A_245 = vector.shape_cast %get3A_244 : vector<1x16xf32> to vector<16xf32>
      %get3A_246 = arith.constant 0 : i32
      %get3A_247 = arith.index_cast %get3A_246 : i32 to index
      %get3A_248 = arith.index_cast %scan3A_239 : i32 to index
      %get3A_249 = arith.constant 0 : index
      %get3A_250 = tpu.vector_load %arg9[%get3A_247, %get3A_248, %get3A_249] {strides = array<i32>} : memref<4x256x32xf32, #tpu.memory_space<vmem>>, vector<1x1x16xf32>,
      %get3A_251 = vector.shape_cast %get3A_250 : vector<1x1x16xf32> to vector<16xf32>
      %mul3A_252 = arith.mulf %get3A_251, %get3A_245 : vector<16xf32>
      %get3A_253 = arith.constant 0 : index
      %get3A_254 = tpu.vector_load %arg11[%get3A_253] {strides = array<i32>} : memref<32xf32, #tpu.memory_space<vmem>>, vector<16xf32>,
      %get3A_255 = vector.shape_cast %get3A_254 : vector<16xf32> to vector<16xf32>
      %add3A_256 = arith.addf %mul3A_252, %get3A_255 : vector<16xf32>
      %max3A = arith.constant 0.000000e+00 : f32
      %max3A_257 = vector.broadcast %max3A : f32 to vector<16xf32>
      %max3A_258 = arith.maximumf %add3A_256, %max3A_257 : vector<16xf32>
      %mul3A_259 = arith.mulf %max3A_258, %get3A_245 : vector<16xf32>
      %swap3A = arith.constant 0 : i32
      %swap3A_260 = arith.index_cast %swap3A : i32 to index
      %swap3A_261 = arith.index_cast %scan3A_239 : i32 to index
      %swap3A_262 = arith.constant 0 : index
      %swap3A_263 = tpu.vector_load %arg9[%swap3A_260, %swap3A_261, %swap3A_262] {strides = array<i32>} : memref<4x256x32xf32, #tpu.memory_space<vmem>>, vector<1x1x16xf32>,
      %swap3A_264 = vector.shape_cast %swap3A_263 : vector<1x1x16xf32> to vector<16xf32>
      %swap3A_265 = vector.shape_cast %mul3A_259 : vector<16xf32> to vector<1x1x16xf32>
      tpu.vector_store %arg9[%swap3A_260, %swap3A_261, %swap3A_262], %swap3A_265 {strides = array<i32>} : memref<4x256x32xf32, #tpu.memory_space<vmem>>, vector<1x1x16xf32>,
      %get3A_266 = arith.constant 0 : i32
      %get3A_267 = arith.index_cast %get3A_266 : i32 to index
      %get3A_268 = arith.index_cast %scan3A_239 : i32 to index
      %get3A_269 = arith.constant 16 : index
      %get3A_270 = tpu.vector_load %arg9[%get3A_267, %get3A_268, %get3A_269] {strides = array<i32>} : memref<4x256x32xf32, #tpu.memory_space<vmem>>, vector<1x1x16xf32>,
      %get3A_271 = vector.shape_cast %get3A_270 : vector<1x1x16xf32> to vector<16xf32>
      %mul3A_272 = arith.mulf %get3A_271, %get3A_245 : vector<16xf32>
      %get3A_273 = arith.constant 16 : index
      %get3A_274 = tpu.vector_load %arg11[%get3A_273] {strides = array<i32>} : memref<32xf32, #tpu.memory_space<vmem>>, vector<16xf32>,
      %get3A_275 = vector.shape_cast %get3A_274 : vector<16xf32> to vector<16xf32>
      %add3A_276 = arith.addf %mul3A_272, %get3A_275 : vector<16xf32>
      %max3A_277 = arith.constant 0.000000e+00 : f32
      %max3A_278 = vector.broadcast %max3A_277 : f32 to vector<16xf32>
      %max3A_279 = arith.maximumf %add3A_276, %max3A_278 : vector<16xf32>
      %mul3A_280 = arith.mulf %max3A_279, %get3A_245 : vector<16xf32>
      %swap3A_281 = arith.constant 0 : i32
      %swap3A_282 = arith.index_cast %swap3A_281 : i32 to index
      %swap3A_283 = arith.index_cast %scan3A_239 : i32 to index
      %swap3A_284 = arith.constant 16 : index
      %swap3A_285 = tpu.vector_load %arg9[%swap3A_282, %swap3A_283, %swap3A_284] {strides = array<i32>} : memref<4x256x32xf32, #tpu.memory_space<vmem>>, vector<1x1x16xf32>,
      %swap3A_286 = vector.shape_cast %swap3A_285 : vector<1x1x16xf32> to vector<16xf32>
      %swap3A_287 = vector.shape_cast %mul3A_280 : vector<16xf32> to vector<1x1x16xf32>
      tpu.vector_store %arg9[%swap3A_282, %swap3A_283, %swap3A_284], %swap3A_287 {strides = array<i32>} : memref<4x256x32xf32, #tpu.memory_space<vmem>>, vector<1x1x16xf32>,
      %scan3A_288 = arith.constant 0 : i32
      scf.yield %scan3A_288 : i32
    }
    %scan3A_125 = arith.constant 256 : i32
    %add3A_126 = arith.constant 0 : i32
    %add3A_127 = arith.addi %mul3A_9, %add3A_126 : i32
    %run_scoped3A_128 = arith.constant 0 : i32
    "tpu.region"() ({
      %run_scoped3A_239 = tpu.sem_alloc : memref<!tpu.dma_semaphore, #tpu.memory_space<semaphore_mem>>
      %dma_start3A_240 = arith.constant 0 : i32
      %dma_start3A_241 = arith.constant 0 : i32
      %dma_start3A_242 = tpu.memref_slice %arg9[%run_scoped3A_128, %dma_start3A_240, %dma_start3A_241] : memref<4x256x32xf32, #tpu.memory_space<vmem>> -> memref<1x256x32xf32, #tpu.memory_space<vmem>>
      %dma_start3A_243 = tpu.memref_squeeze %dma_start3A_242 : memref<1x256x32xf32, #tpu.memory_space<vmem>> -> memref<256x32xf32, #tpu.memory_space<vmem>>
      %dma_start3A_244 = arith.constant 0 : i32
      %dma_start3A_245 = tpu.memref_slice %arg13[%add3A_127, %dma_start3A_244] : memref<10240x32xf32, #tpu.memory_space<vmem_shared>> -> memref<256x32xf32, #tpu.memory_space<vmem_shared>>
      %dma_start3A_246 = arith.constant 0 : i32
      %dma_start3A_247 = tpu.memref_slice %arg13[%add3A_127, %dma_start3A_246] : memref<10240x32xf32, #tpu.memory_space<vmem_shared>> -> memref<256x32xf32, #tpu.memory_space<vmem_shared>>
      %dma_start3A_248 = arith.constant 0 : i32
      %dma_start3A_249 = arith.constant 0 : i32
      %dma_start3A_250 = tpu.memref_slice %arg9[%run_scoped3A_128, %dma_start3A_248, %dma_start3A_249] : memref<4x256x32xf32, #tpu.memory_space<vmem>> -> memref<1x256x32xf32, #tpu.memory_space<vmem>>
      %dma_start3A_251 = tpu.memref_squeeze %dma_start3A_250 : memref<1x256x32xf32, #tpu.memory_space<vmem>> -> memref<256x32xf32, #tpu.memory_space<vmem>>
      tpu.enqueue_dma source(%dma_start3A_251 : memref<256x32xf32, #tpu.memory_space<vmem>>) target(%dma_start3A_247 : memref<256x32xf32, #tpu.memory_space<vmem_shared>>) target_semaphore(%run_scoped3A_239 : memref<!tpu.dma_semaphore, #tpu.memory_space<semaphore_mem>>)
      %dma_wait3A = arith.constant 0 : i32
      %dma_wait3A_252 = arith.constant 0 : i32
      %dma_wait3A_253 = tpu.memref_slice %arg9[%run_scoped3A_128, %dma_wait3A, %dma_wait3A_252] : memref<4x256x32xf32, #tpu.memory_space<vmem>> -> memref<1x256x32xf32, #tpu.memory_space<vmem>>
      %dma_wait3A_254 = tpu.memref_squeeze %dma_wait3A_253 : memref<1x256x32xf32, #tpu.memory_space<vmem>> -> memref<256x32xf32, #tpu.memory_space<vmem>>
      %dma_wait3A_255 = arith.constant 0 : i32
      %dma_wait3A_256 = tpu.memref_slice %arg13[%add3A_127, %dma_wait3A_255] : memref<10240x32xf32, #tpu.memory_space<vmem_shared>> -> memref<256x32xf32, #tpu.memory_space<vmem_shared>>
      %dma_wait3A_257 = arith.constant 0 : i32
      %dma_wait3A_258 = tpu.memref_slice %arg13[%add3A_127, %dma_wait3A_257] : memref<10240x32xf32, #tpu.memory_space<vmem_shared>> -> memref<256x32xf32, #tpu.memory_space<vmem_shared>>
      %dma_wait3A_259 = arith.constant 0 : i32
      %dma_wait3A_260 = arith.constant 0 : i32
      %dma_wait3A_261 = tpu.memref_slice %arg9[%run_scoped3A_128, %dma_wait3A_259, %dma_wait3A_260] : memref<4x256x32xf32, #tpu.memory_space<vmem>> -> memref<1x256x32xf32, #tpu.memory_space<vmem>>
      %dma_wait3A_262 = tpu.memref_squeeze %dma_wait3A_261 : memref<1x256x32xf32, #tpu.memory_space<vmem>> -> memref<256x32xf32, #tpu.memory_space<vmem>>
      tpu.wait_dma2 semaphore(%run_scoped3A_239 : memref<!tpu.dma_semaphore, #tpu.memory_space<semaphore_mem>>) src(%dma_wait3A_262 : memref<256x32xf32, #tpu.memory_space<vmem>>) dst(%dma_wait3A_258 : memref<256x32xf32, #tpu.memory_space<vmem_shared>>)
      tpu.yield
    }) : () -> ()
    %add3A_129 = arith.constant 0 : i32
    %add3A_130 = arith.addi %mul3A_9, %add3A_129 : i32
    %run_scoped3A_131 = arith.constant 0 : i32
    "tpu.region"() ({
      %run_scoped3A_239 = tpu.sem_alloc : memref<!tpu.dma_semaphore, #tpu.memory_space<semaphore_mem>>
      %dma_start3A_240 = arith.constant 0 : i32
      %dma_start3A_241 = arith.constant 0 : i32
      %dma_start3A_242 = tpu.memref_slice %arg9[%run_scoped3A_131, %dma_start3A_240, %dma_start3A_241] : memref<4x256x32xf32, #tpu.memory_space<vmem>> -> memref<1x256x32xf32, #tpu.memory_space<vmem>>
      %dma_start3A_243 = tpu.memref_squeeze %dma_start3A_242 : memref<1x256x32xf32, #tpu.memory_space<vmem>> -> memref<256x32xf32, #tpu.memory_space<vmem>>
      %dma_start3A_244 = arith.constant 0 : i32
      %dma_start3A_245 = tpu.memref_slice %arg12[%add3A_130, %dma_start3A_244] : memref<10240x32xf32, #tpu.memory_space<vmem_shared>> -> memref<256x32xf32, #tpu.memory_space<vmem_shared>>
      %dma_start3A_246 = arith.constant 0 : i32
      %dma_start3A_247 = tpu.memref_slice %arg12[%add3A_130, %dma_start3A_246] : memref<10240x32xf32, #tpu.memory_space<vmem_shared>> -> memref<256x32xf32, #tpu.memory_space<vmem_shared>>
      %dma_start3A_248 = arith.constant 0 : i32
      %dma_start3A_249 = arith.constant 0 : i32
      %dma_start3A_250 = tpu.memref_slice %arg9[%run_scoped3A_131, %dma_start3A_248, %dma_start3A_249] : memref<4x256x32xf32, #tpu.memory_space<vmem>> -> memref<1x256x32xf32, #tpu.memory_space<vmem>>
      %dma_start3A_251 = tpu.memref_squeeze %dma_start3A_250 : memref<1x256x32xf32, #tpu.memory_space<vmem>> -> memref<256x32xf32, #tpu.memory_space<vmem>>
      tpu.enqueue_dma source(%dma_start3A_251 : memref<256x32xf32, #tpu.memory_space<vmem>>) target(%dma_start3A_247 : memref<256x32xf32, #tpu.memory_space<vmem_shared>>) target_semaphore(%run_scoped3A_239 : memref<!tpu.dma_semaphore, #tpu.memory_space<semaphore_mem>>)
      %dma_wait3A = arith.constant 0 : i32
      %dma_wait3A_252 = arith.constant 0 : i32
      %dma_wait3A_253 = tpu.memref_slice %arg9[%run_scoped3A_131, %dma_wait3A, %dma_wait3A_252] : memref<4x256x32xf32, #tpu.memory_space<vmem>> -> memref<1x256x32xf32, #tpu.memory_space<vmem>>
      %dma_wait3A_254 = tpu.memref_squeeze %dma_wait3A_253 : memref<1x256x32xf32, #tpu.memory_space<vmem>> -> memref<256x32xf32, #tpu.memory_space<vmem>>
      %dma_wait3A_255 = arith.constant 0 : i32
      %dma_wait3A_256 = tpu.memref_slice %arg12[%add3A_130, %dma_wait3A_255] : memref<10240x32xf32, #tpu.memory_space<vmem_shared>> -> memref<256x32xf32, #tpu.memory_space<vmem_shared>>
      %dma_wait3A_257 = arith.constant 0 : i32
      %dma_wait3A_258 = tpu.memref_slice %arg12[%add3A_130, %dma_wait3A_257] : memref<10240x32xf32, #tpu.memory_space<vmem_shared>> -> memref<256x32xf32, #tpu.memory_space<vmem_shared>>
      %dma_wait3A_259 = arith.constant 0 : i32
      %dma_wait3A_260 = arith.constant 0 : i32
      %dma_wait3A_261 = tpu.memref_slice %arg9[%run_scoped3A_131, %dma_wait3A_259, %dma_wait3A_260] : memref<4x256x32xf32, #tpu.memory_space<vmem>> -> memref<1x256x32xf32, #tpu.memory_space<vmem>>
      %dma_wait3A_262 = tpu.memref_squeeze %dma_wait3A_261 : memref<1x256x32xf32, #tpu.memory_space<vmem>> -> memref<256x32xf32, #tpu.memory_space<vmem>>
      tpu.wait_dma2 semaphore(%run_scoped3A_239 : memref<!tpu.dma_semaphore, #tpu.memory_space<semaphore_mem>>) src(%dma_wait3A_262 : memref<256x32xf32, #tpu.memory_space<vmem>>) dst(%dma_wait3A_258 : memref<256x32xf32, #tpu.memory_space<vmem_shared>>)
      tpu.yield
    }) : () -> ()
    %add3A_132 = arith.constant 256 : i32
    %add3A_133 = arith.addi %mul3A_9, %add3A_132 : i32
    %run_scoped3A_134 = arith.constant 1 : i32
    "tpu.region"() ({
      %run_scoped3A_239 = tpu.sem_alloc : memref<!tpu.dma_semaphore, #tpu.memory_space<semaphore_mem>>
      %dma_start3A_240 = arith.constant 0 : i32
      %dma_start3A_241 = arith.constant 0 : i32
      %dma_start3A_242 = tpu.memref_slice %arg9[%run_scoped3A_134, %dma_start3A_240, %dma_start3A_241] : memref<4x256x32xf32, #tpu.memory_space<vmem>> -> memref<1x256x32xf32, #tpu.memory_space<vmem>>
      %dma_start3A_243 = tpu.memref_squeeze %dma_start3A_242 : memref<1x256x32xf32, #tpu.memory_space<vmem>> -> memref<256x32xf32, #tpu.memory_space<vmem>>
      %dma_start3A_244 = arith.constant 0 : i32
      %dma_start3A_245 = tpu.memref_slice %arg12[%add3A_133, %dma_start3A_244] : memref<10240x32xf32, #tpu.memory_space<vmem_shared>> -> memref<256x32xf32, #tpu.memory_space<vmem_shared>>
      %dma_start3A_246 = arith.constant 0 : i32
      %dma_start3A_247 = arith.constant 0 : i32
      %dma_start3A_248 = tpu.memref_slice %arg9[%run_scoped3A_134, %dma_start3A_246, %dma_start3A_247] : memref<4x256x32xf32, #tpu.memory_space<vmem>> -> memref<1x256x32xf32, #tpu.memory_space<vmem>>
      %dma_start3A_249 = tpu.memref_squeeze %dma_start3A_248 : memref<1x256x32xf32, #tpu.memory_space<vmem>> -> memref<256x32xf32, #tpu.memory_space<vmem>>
      %dma_start3A_250 = arith.constant 0 : i32
      %dma_start3A_251 = tpu.memref_slice %arg12[%add3A_133, %dma_start3A_250] : memref<10240x32xf32, #tpu.memory_space<vmem_shared>> -> memref<256x32xf32, #tpu.memory_space<vmem_shared>>
      tpu.enqueue_dma source(%dma_start3A_251 : memref<256x32xf32, #tpu.memory_space<vmem_shared>>) target(%dma_start3A_249 : memref<256x32xf32, #tpu.memory_space<vmem>>) target_semaphore(%run_scoped3A_239 : memref<!tpu.dma_semaphore, #tpu.memory_space<semaphore_mem>>)
      %dma_wait3A = arith.constant 0 : i32
      %dma_wait3A_252 = arith.constant 0 : i32
      %dma_wait3A_253 = tpu.memref_slice %arg9[%run_scoped3A_134, %dma_wait3A, %dma_wait3A_252] : memref<4x256x32xf32, #tpu.memory_space<vmem>> -> memref<1x256x32xf32, #tpu.memory_space<vmem>>
      %dma_wait3A_254 = tpu.memref_squeeze %dma_wait3A_253 : memref<1x256x32xf32, #tpu.memory_space<vmem>> -> memref<256x32xf32, #tpu.memory_space<vmem>>
      %dma_wait3A_255 = arith.constant 0 : i32
      %dma_wait3A_256 = tpu.memref_slice %arg12[%add3A_133, %dma_wait3A_255] : memref<10240x32xf32, #tpu.memory_space<vmem_shared>> -> memref<256x32xf32, #tpu.memory_space<vmem_shared>>
      %dma_wait3A_257 = arith.constant 0 : i32
      %dma_wait3A_258 = arith.constant 0 : i32
      %dma_wait3A_259 = tpu.memref_slice %arg9[%run_scoped3A_134, %dma_wait3A_257, %dma_wait3A_258] : memref<4x256x32xf32, #tpu.memory_space<vmem>> -> memref<1x256x32xf32, #tpu.memory_space<vmem>>
      %dma_wait3A_260 = tpu.memref_squeeze %dma_wait3A_259 : memref<1x256x32xf32, #tpu.memory_space<vmem>> -> memref<256x32xf32, #tpu.memory_space<vmem>>
      %dma_wait3A_261 = arith.constant 0 : i32
      %dma_wait3A_262 = tpu.memref_slice %arg12[%add3A_133, %dma_wait3A_261] : memref<10240x32xf32, #tpu.memory_space<vmem_shared>> -> memref<256x32xf32, #tpu.memory_space<vmem_shared>>
      tpu.wait_dma2 semaphore(%run_scoped3A_239 : memref<!tpu.dma_semaphore, #tpu.memory_space<semaphore_mem>>) src(%dma_wait3A_262 : memref<256x32xf32, #tpu.memory_space<vmem_shared>>) dst(%dma_wait3A_260 : memref<256x32xf32, #tpu.memory_space<vmem>>)
      tpu.yield
    }) : () -> ()
    %scan3A_135 = arith.constant 0 : i32
    %scan3A_136 = arith.constant 0 : i32
    %scan3A_137 = arith.constant 256 : i32
    %scan3A_138 = arith.addi %scan3A_136, %scan3A_137 : i32
    %scan3A_139 = arith.constant 1 : i32
    %scan3A_140 = scf.for %scan3A_239 = %scan3A_136 to %scan3A_138 step %scan3A_139 iter_args(%scan3A_240 = %scan3A_135) -> (i32)  : i32 {
      %add3A_241 = arith.constant 256 : i32
      %add3A_242 = arith.addi %add3A_241, %scan3A_239 : i32
      %get3A = arith.index_cast %add3A_242 : i32 to index
      %get3A_243 = arith.constant 0 : index
      %get3A_244 = tpu.vector_load %arg10[%get3A, %get3A_243] {strides = array<i32>} : memref<640x16xf32, #tpu.memory_space<vmem>>, vector<1x16xf32>,
      %get3A_245 = vector.shape_cast %get3A_244 : vector<1x16xf32> to vector<16xf32>
      %get3A_246 = arith.constant 1 : i32
      %get3A_247 = arith.index_cast %get3A_246 : i32 to index
      %get3A_248 = arith.index_cast %scan3A_239 : i32 to index
      %get3A_249 = arith.constant 0 : index
      %get3A_250 = tpu.vector_load %arg9[%get3A_247, %get3A_248, %get3A_249] {strides = array<i32>} : memref<4x256x32xf32, #tpu.memory_space<vmem>>, vector<1x1x16xf32>,
      %get3A_251 = vector.shape_cast %get3A_250 : vector<1x1x16xf32> to vector<16xf32>
      %mul3A_252 = arith.mulf %get3A_251, %get3A_245 : vector<16xf32>
      %get3A_253 = arith.constant 0 : index
      %get3A_254 = tpu.vector_load %arg11[%get3A_253] {strides = array<i32>} : memref<32xf32, #tpu.memory_space<vmem>>, vector<16xf32>,
      %get3A_255 = vector.shape_cast %get3A_254 : vector<16xf32> to vector<16xf32>
      %add3A_256 = arith.addf %mul3A_252, %get3A_255 : vector<16xf32>
      %max3A = arith.constant 0.000000e+00 : f32
      %max3A_257 = vector.broadcast %max3A : f32 to vector<16xf32>
      %max3A_258 = arith.maximumf %add3A_256, %max3A_257 : vector<16xf32>
      %mul3A_259 = arith.mulf %max3A_258, %get3A_245 : vector<16xf32>
      %swap3A = arith.constant 1 : i32
      %swap3A_260 = arith.index_cast %swap3A : i32 to index
      %swap3A_261 = arith.index_cast %scan3A_239 : i32 to index
      %swap3A_262 = arith.constant 0 : index
      %swap3A_263 = tpu.vector_load %arg9[%swap3A_260, %swap3A_261, %swap3A_262] {strides = array<i32>} : memref<4x256x32xf32, #tpu.memory_space<vmem>>, vector<1x1x16xf32>,
      %swap3A_264 = vector.shape_cast %swap3A_263 : vector<1x1x16xf32> to vector<16xf32>
      %swap3A_265 = vector.shape_cast %mul3A_259 : vector<16xf32> to vector<1x1x16xf32>
      tpu.vector_store %arg9[%swap3A_260, %swap3A_261, %swap3A_262], %swap3A_265 {strides = array<i32>} : memref<4x256x32xf32, #tpu.memory_space<vmem>>, vector<1x1x16xf32>,
      %get3A_266 = arith.constant 1 : i32
      %get3A_267 = arith.index_cast %get3A_266 : i32 to index
      %get3A_268 = arith.index_cast %scan3A_239 : i32 to index
      %get3A_269 = arith.constant 16 : index
      %get3A_270 = tpu.vector_load %arg9[%get3A_267, %get3A_268, %get3A_269] {strides = array<i32>} : memref<4x256x32xf32, #tpu.memory_space<vmem>>, vector<1x1x16xf32>,
      %get3A_271 = vector.shape_cast %get3A_270 : vector<1x1x16xf32> to vector<16xf32>
      %mul3A_272 = arith.mulf %get3A_271, %get3A_245 : vector<16xf32>
      %get3A_273 = arith.constant 16 : index
      %get3A_274 = tpu.vector_load %arg11[%get3A_273] {strides = array<i32>} : memref<32xf32, #tpu.memory_space<vmem>>, vector<16xf32>,
      %get3A_275 = vector.shape_cast %get3A_274 : vector<16xf32> to vector<16xf32>
      %add3A_276 = arith.addf %mul3A_272, %get3A_275 : vector<16xf32>
      %max3A_277 = arith.constant 0.000000e+00 : f32
      %max3A_278 = vector.broadcast %max3A_277 : f32 to vector<16xf32>
      %max3A_279 = arith.maximumf %add3A_276, %max3A_278 : vector<16xf32>
      %mul3A_280 = arith.mulf %max3A_279, %get3A_245 : vector<16xf32>
      %swap3A_281 = arith.constant 1 : i32
      %swap3A_282 = arith.index_cast %swap3A_281 : i32 to index
      %swap3A_283 = arith.index_cast %scan3A_239 : i32 to index
      %swap3A_284 = arith.constant 16 : index
      %swap3A_285 = tpu.vector_load %arg9[%swap3A_282, %swap3A_283, %swap3A_284] {strides = array<i32>} : memref<4x256x32xf32, #tpu.memory_space<vmem>>, vector<1x1x16xf32>,
      %swap3A_286 = vector.shape_cast %swap3A_285 : vector<1x1x16xf32> to vector<16xf32>
      %swap3A_287 = vector.shape_cast %mul3A_280 : vector<16xf32> to vector<1x1x16xf32>
      tpu.vector_store %arg9[%swap3A_282, %swap3A_283, %swap3A_284], %swap3A_287 {strides = array<i32>} : memref<4x256x32xf32, #tpu.memory_space<vmem>>, vector<1x1x16xf32>,
      %scan3A_288 = arith.constant 0 : i32
      scf.yield %scan3A_288 : i32
    }
    %scan3A_141 = arith.constant 256 : i32
    %add3A_142 = arith.constant 256 : i32
    %add3A_143 = arith.addi %mul3A_9, %add3A_142 : i32
    %run_scoped3A_144 = arith.constant 1 : i32
    "tpu.region"() ({
      %run_scoped3A_239 = tpu.sem_alloc : memref<!tpu.dma_semaphore, #tpu.memory_space<semaphore_mem>>
      %dma_start3A_240 = arith.constant 0 : i32
      %dma_start3A_241 = arith.constant 0 : i32
      %dma_start3A_242 = tpu.memref_slice %arg9[%run_scoped3A_144, %dma_start3A_240, %dma_start3A_241] : memref<4x256x32xf32, #tpu.memory_space<vmem>> -> memref<1x256x32xf32, #tpu.memory_space<vmem>>
      %dma_start3A_243 = tpu.memref_squeeze %dma_start3A_242 : memref<1x256x32xf32, #tpu.memory_space<vmem>> -> memref<256x32xf32, #tpu.memory_space<vmem>>
      %dma_start3A_244 = arith.constant 0 : i32
      %dma_start3A_245 = tpu.memref_slice %arg13[%add3A_143, %dma_start3A_244] : memref<10240x32xf32, #tpu.memory_space<vmem_shared>> -> memref<256x32xf32, #tpu.memory_space<vmem_shared>>
      %dma_start3A_246 = arith.constant 0 : i32
      %dma_start3A_247 = tpu.memref_slice %arg13[%add3A_143, %dma_start3A_246] : memref<10240x32xf32, #tpu.memory_space<vmem_shared>> -> memref<256x32xf32, #tpu.memory_space<vmem_shared>>
      %dma_start3A_248 = arith.constant 0 : i32
      %dma_start3A_249 = arith.constant 0 : i32
      %dma_start3A_250 = tpu.memref_slice %arg9[%run_scoped3A_144, %dma_start3A_248, %dma_start3A_249] : memref<4x256x32xf32, #tpu.memory_space<vmem>> -> memref<1x256x32xf32, #tpu.memory_space<vmem>>
      %dma_start3A_251 = tpu.memref_squeeze %dma_start3A_250 : memref<1x256x32xf32, #tpu.memory_space<vmem>> -> memref<256x32xf32, #tpu.memory_space<vmem>>
      tpu.enqueue_dma source(%dma_start3A_251 : memref<256x32xf32, #tpu.memory_space<vmem>>) target(%dma_start3A_247 : memref<256x32xf32, #tpu.memory_space<vmem_shared>>) target_semaphore(%run_scoped3A_239 : memref<!tpu.dma_semaphore, #tpu.memory_space<semaphore_mem>>)
      %dma_wait3A = arith.constant 0 : i32
      %dma_wait3A_252 = arith.constant 0 : i32
      %dma_wait3A_253 = tpu.memref_slice %arg9[%run_scoped3A_144, %dma_wait3A, %dma_wait3A_252] : memref<4x256x32xf32, #tpu.memory_space<vmem>> -> memref<1x256x32xf32, #tpu.memory_space<vmem>>
      %dma_wait3A_254 = tpu.memref_squeeze %dma_wait3A_253 : memref<1x256x32xf32, #tpu.memory_space<vmem>> -> memref<256x32xf32, #tpu.memory_space<vmem>>
      %dma_wait3A_255 = arith.constant 0 : i32
      %dma_wait3A_256 = tpu.memref_slice %arg13[%add3A_143, %dma_wait3A_255] : memref<10240x32xf32, #tpu.memory_space<vmem_shared>> -> memref<256x32xf32, #tpu.memory_space<vmem_shared>>
      %dma_wait3A_257 = arith.constant 0 : i32
      %dma_wait3A_258 = tpu.memref_slice %arg13[%add3A_143, %dma_wait3A_257] : memref<10240x32xf32, #tpu.memory_space<vmem_shared>> -> memref<256x32xf32, #tpu.memory_space<vmem_shared>>
      %dma_wait3A_259 = arith.constant 0 : i32
      %dma_wait3A_260 = arith.constant 0 : i32
      %dma_wait3A_261 = tpu.memref_slice %arg9[%run_scoped3A_144, %dma_wait3A_259, %dma_wait3A_260] : memref<4x256x32xf32, #tpu.memory_space<vmem>> -> memref<1x256x32xf32, #tpu.memory_space<vmem>>
      %dma_wait3A_262 = tpu.memref_squeeze %dma_wait3A_261 : memref<1x256x32xf32, #tpu.memory_space<vmem>> -> memref<256x32xf32, #tpu.memory_space<vmem>>
      tpu.wait_dma2 semaphore(%run_scoped3A_239 : memref<!tpu.dma_semaphore, #tpu.memory_space<semaphore_mem>>) src(%dma_wait3A_262 : memref<256x32xf32, #tpu.memory_space<vmem>>) dst(%dma_wait3A_258 : memref<256x32xf32, #tpu.memory_space<vmem_shared>>)
      tpu.yield
    }) : () -> ()
    %add3A_145 = arith.constant 256 : i32
    %add3A_146 = arith.addi %mul3A_9, %add3A_145 : i32
    %run_scoped3A_147 = arith.constant 1 : i32
    "tpu.region"() ({
      %run_scoped3A_239 = tpu.sem_alloc : memref<!tpu.dma_semaphore, #tpu.memory_space<semaphore_mem>>
      %dma_start3A_240 = arith.constant 0 : i32
      %dma_start3A_241 = arith.constant 0 : i32
      %dma_start3A_242 = tpu.memref_slice %arg9[%run_scoped3A_147, %dma_start3A_240, %dma_start3A_241] : memref<4x256x32xf32, #tpu.memory_space<vmem>> -> memref<1x256x32xf32, #tpu.memory_space<vmem>>
      %dma_start3A_243 = tpu.memref_squeeze %dma_start3A_242 : memref<1x256x32xf32, #tpu.memory_space<vmem>> -> memref<256x32xf32, #tpu.memory_space<vmem>>
      %dma_start3A_244 = arith.constant 0 : i32
      %dma_start3A_245 = tpu.memref_slice %arg12[%add3A_146, %dma_start3A_244] : memref<10240x32xf32, #tpu.memory_space<vmem_shared>> -> memref<256x32xf32, #tpu.memory_space<vmem_shared>>
      %dma_start3A_246 = arith.constant 0 : i32
      %dma_start3A_247 = tpu.memref_slice %arg12[%add3A_146, %dma_start3A_246] : memref<10240x32xf32, #tpu.memory_space<vmem_shared>> -> memref<256x32xf32, #tpu.memory_space<vmem_shared>>
      %dma_start3A_248 = arith.constant 0 : i32
      %dma_start3A_249 = arith.constant 0 : i32
      %dma_start3A_250 = tpu.memref_slice %arg9[%run_scoped3A_147, %dma_start3A_248, %dma_start3A_249] : memref<4x256x32xf32, #tpu.memory_space<vmem>> -> memref<1x256x32xf32, #tpu.memory_space<vmem>>
      %dma_start3A_251 = tpu.memref_squeeze %dma_start3A_250 : memref<1x256x32xf32, #tpu.memory_space<vmem>> -> memref<256x32xf32, #tpu.memory_space<vmem>>
      tpu.enqueue_dma source(%dma_start3A_251 : memref<256x32xf32, #tpu.memory_space<vmem>>) target(%dma_start3A_247 : memref<256x32xf32, #tpu.memory_space<vmem_shared>>) target_semaphore(%run_scoped3A_239 : memref<!tpu.dma_semaphore, #tpu.memory_space<semaphore_mem>>)
      %dma_wait3A = arith.constant 0 : i32
      %dma_wait3A_252 = arith.constant 0 : i32
      %dma_wait3A_253 = tpu.memref_slice %arg9[%run_scoped3A_147, %dma_wait3A, %dma_wait3A_252] : memref<4x256x32xf32, #tpu.memory_space<vmem>> -> memref<1x256x32xf32, #tpu.memory_space<vmem>>
      %dma_wait3A_254 = tpu.memref_squeeze %dma_wait3A_253 : memref<1x256x32xf32, #tpu.memory_space<vmem>> -> memref<256x32xf32, #tpu.memory_space<vmem>>
      %dma_wait3A_255 = arith.constant 0 : i32
      %dma_wait3A_256 = tpu.memref_slice %arg12[%add3A_146, %dma_wait3A_255] : memref<10240x32xf32, #tpu.memory_space<vmem_shared>> -> memref<256x32xf32, #tpu.memory_space<vmem_shared>>
      %dma_wait3A_257 = arith.constant 0 : i32
      %dma_wait3A_258 = tpu.memref_slice %arg12[%add3A_146, %dma_wait3A_257] : memref<10240x32xf32, #tpu.memory_space<vmem_shared>> -> memref<256x32xf32, #tpu.memory_space<vmem_shared>>
      %dma_wait3A_259 = arith.constant 0 : i32
      %dma_wait3A_260 = arith.constant 0 : i32
      %dma_wait3A_261 = tpu.memref_slice %arg9[%run_scoped3A_147, %dma_wait3A_259, %dma_wait3A_260] : memref<4x256x32xf32, #tpu.memory_space<vmem>> -> memref<1x256x32xf32, #tpu.memory_space<vmem>>
      %dma_wait3A_262 = tpu.memref_squeeze %dma_wait3A_261 : memref<1x256x32xf32, #tpu.memory_space<vmem>> -> memref<256x32xf32, #tpu.memory_space<vmem>>
      tpu.wait_dma2 semaphore(%run_scoped3A_239 : memref<!tpu.dma_semaphore, #tpu.memory_space<semaphore_mem>>) src(%dma_wait3A_262 : memref<256x32xf32, #tpu.memory_space<vmem>>) dst(%dma_wait3A_258 : memref<256x32xf32, #tpu.memory_space<vmem_shared>>)
      tpu.yield
    }) : () -> ()
    %add3A_148 = arith.constant 512 : i32
    %add3A_149 = arith.addi %mul3A_9, %add3A_148 : i32
    %run_scoped3A_150 = arith.constant 2 : i32
    "tpu.region"() ({
      %run_scoped3A_239 = tpu.sem_alloc : memref<!tpu.dma_semaphore, #tpu.memory_space<semaphore_mem>>
      %dma_start3A_240 = arith.constant 0 : i32
      %dma_start3A_241 = arith.constant 0 : i32
      %dma_start3A_242 = tpu.memref_slice %arg9[%run_scoped3A_150, %dma_start3A_240, %dma_start3A_241] : memref<4x256x32xf32, #tpu.memory_space<vmem>> -> memref<1x128x32xf32, #tpu.memory_space<vmem>>
      %dma_start3A_243 = tpu.memref_squeeze %dma_start3A_242 : memref<1x128x32xf32, #tpu.memory_space<vmem>> -> memref<128x32xf32, #tpu.memory_space<vmem>>
      %dma_start3A_244 = arith.constant 0 : i32
      %dma_start3A_245 = tpu.memref_slice %arg12[%add3A_149, %dma_start3A_244] : memref<10240x32xf32, #tpu.memory_space<vmem_shared>> -> memref<128x32xf32, #tpu.memory_space<vmem_shared>>
      %dma_start3A_246 = arith.constant 0 : i32
      %dma_start3A_247 = arith.constant 0 : i32
      %dma_start3A_248 = tpu.memref_slice %arg9[%run_scoped3A_150, %dma_start3A_246, %dma_start3A_247] : memref<4x256x32xf32, #tpu.memory_space<vmem>> -> memref<1x128x32xf32, #tpu.memory_space<vmem>>
      %dma_start3A_249 = tpu.memref_squeeze %dma_start3A_248 : memref<1x128x32xf32, #tpu.memory_space<vmem>> -> memref<128x32xf32, #tpu.memory_space<vmem>>
      %dma_start3A_250 = arith.constant 0 : i32
      %dma_start3A_251 = tpu.memref_slice %arg12[%add3A_149, %dma_start3A_250] : memref<10240x32xf32, #tpu.memory_space<vmem_shared>> -> memref<128x32xf32, #tpu.memory_space<vmem_shared>>
      tpu.enqueue_dma source(%dma_start3A_251 : memref<128x32xf32, #tpu.memory_space<vmem_shared>>) target(%dma_start3A_249 : memref<128x32xf32, #tpu.memory_space<vmem>>) target_semaphore(%run_scoped3A_239 : memref<!tpu.dma_semaphore, #tpu.memory_space<semaphore_mem>>)
      %dma_wait3A = arith.constant 0 : i32
      %dma_wait3A_252 = arith.constant 0 : i32
      %dma_wait3A_253 = tpu.memref_slice %arg9[%run_scoped3A_150, %dma_wait3A, %dma_wait3A_252] : memref<4x256x32xf32, #tpu.memory_space<vmem>> -> memref<1x128x32xf32, #tpu.memory_space<vmem>>
      %dma_wait3A_254 = tpu.memref_squeeze %dma_wait3A_253 : memref<1x128x32xf32, #tpu.memory_space<vmem>> -> memref<128x32xf32, #tpu.memory_space<vmem>>
      %dma_wait3A_255 = arith.constant 0 : i32
      %dma_wait3A_256 = tpu.memref_slice %arg12[%add3A_149, %dma_wait3A_255] : memref<10240x32xf32, #tpu.memory_space<vmem_shared>> -> memref<128x32xf32, #tpu.memory_space<vmem_shared>>
      %dma_wait3A_257 = arith.constant 0 : i32
      %dma_wait3A_258 = arith.constant 0 : i32
      %dma_wait3A_259 = tpu.memref_slice %arg9[%run_scoped3A_150, %dma_wait3A_257, %dma_wait3A_258] : memref<4x256x32xf32, #tpu.memory_space<vmem>> -> memref<1x128x32xf32, #tpu.memory_space<vmem>>
      %dma_wait3A_260 = tpu.memref_squeeze %dma_wait3A_259 : memref<1x128x32xf32, #tpu.memory_space<vmem>> -> memref<128x32xf32, #tpu.memory_space<vmem>>
      %dma_wait3A_261 = arith.constant 0 : i32
      %dma_wait3A_262 = tpu.memref_slice %arg12[%add3A_149, %dma_wait3A_261] : memref<10240x32xf32, #tpu.memory_space<vmem_shared>> -> memref<128x32xf32, #tpu.memory_space<vmem_shared>>
      tpu.wait_dma2 semaphore(%run_scoped3A_239 : memref<!tpu.dma_semaphore, #tpu.memory_space<semaphore_mem>>) src(%dma_wait3A_262 : memref<128x32xf32, #tpu.memory_space<vmem_shared>>) dst(%dma_wait3A_260 : memref<128x32xf32, #tpu.memory_space<vmem>>)
      tpu.yield
    }) : () -> ()
    %scan3A_151 = arith.constant 0 : i32
    %scan3A_152 = arith.constant 0 : i32
    %scan3A_153 = arith.constant 128 : i32
    %scan3A_154 = arith.addi %scan3A_152, %scan3A_153 : i32
    %scan3A_155 = arith.constant 1 : i32
    %scan3A_156 = scf.for %scan3A_239 = %scan3A_152 to %scan3A_154 step %scan3A_155 iter_args(%scan3A_240 = %scan3A_151) -> (i32)  : i32 {
      %add3A_241 = arith.constant 512 : i32
      %add3A_242 = arith.addi %add3A_241, %scan3A_239 : i32
      %get3A = arith.index_cast %add3A_242 : i32 to index
      %get3A_243 = arith.constant 0 : index
      %get3A_244 = tpu.vector_load %arg10[%get3A, %get3A_243] {strides = array<i32>} : memref<640x16xf32, #tpu.memory_space<vmem>>, vector<1x16xf32>,
      %get3A_245 = vector.shape_cast %get3A_244 : vector<1x16xf32> to vector<16xf32>
      %get3A_246 = arith.constant 2 : i32
      %get3A_247 = arith.index_cast %get3A_246 : i32 to index
      %get3A_248 = arith.index_cast %scan3A_239 : i32 to index
      %get3A_249 = arith.constant 0 : index
      %get3A_250 = tpu.vector_load %arg9[%get3A_247, %get3A_248, %get3A_249] {strides = array<i32>} : memref<4x256x32xf32, #tpu.memory_space<vmem>>, vector<1x1x16xf32>,
      %get3A_251 = vector.shape_cast %get3A_250 : vector<1x1x16xf32> to vector<16xf32>
      %mul3A_252 = arith.mulf %get3A_251, %get3A_245 : vector<16xf32>
      %get3A_253 = arith.constant 0 : index
      %get3A_254 = tpu.vector_load %arg11[%get3A_253] {strides = array<i32>} : memref<32xf32, #tpu.memory_space<vmem>>, vector<16xf32>,
      %get3A_255 = vector.shape_cast %get3A_254 : vector<16xf32> to vector<16xf32>
      %add3A_256 = arith.addf %mul3A_252, %get3A_255 : vector<16xf32>
      %max3A = arith.constant 0.000000e+00 : f32
      %max3A_257 = vector.broadcast %max3A : f32 to vector<16xf32>
      %max3A_258 = arith.maximumf %add3A_256, %max3A_257 : vector<16xf32>
      %mul3A_259 = arith.mulf %max3A_258, %get3A_245 : vector<16xf32>
      %swap3A = arith.constant 2 : i32
      %swap3A_260 = arith.index_cast %swap3A : i32 to index
      %swap3A_261 = arith.index_cast %scan3A_239 : i32 to index
      %swap3A_262 = arith.constant 0 : index
      %swap3A_263 = tpu.vector_load %arg9[%swap3A_260, %swap3A_261, %swap3A_262] {strides = array<i32>} : memref<4x256x32xf32, #tpu.memory_space<vmem>>, vector<1x1x16xf32>,
      %swap3A_264 = vector.shape_cast %swap3A_263 : vector<1x1x16xf32> to vector<16xf32>
      %swap3A_265 = vector.shape_cast %mul3A_259 : vector<16xf32> to vector<1x1x16xf32>
      tpu.vector_store %arg9[%swap3A_260, %swap3A_261, %swap3A_262], %swap3A_265 {strides = array<i32>} : memref<4x256x32xf32, #tpu.memory_space<vmem>>, vector<1x1x16xf32>,
      %get3A_266 = arith.constant 2 : i32
      %get3A_267 = arith.index_cast %get3A_266 : i32 to index
      %get3A_268 = arith.index_cast %scan3A_239 : i32 to index
      %get3A_269 = arith.constant 16 : index
      %get3A_270 = tpu.vector_load %arg9[%get3A_267, %get3A_268, %get3A_269] {strides = array<i32>} : memref<4x256x32xf32, #tpu.memory_space<vmem>>, vector<1x1x16xf32>,
      %get3A_271 = vector.shape_cast %get3A_270 : vector<1x1x16xf32> to vector<16xf32>
      %mul3A_272 = arith.mulf %get3A_271, %get3A_245 : vector<16xf32>
      %get3A_273 = arith.constant 16 : index
      %get3A_274 = tpu.vector_load %arg11[%get3A_273] {strides = array<i32>} : memref<32xf32, #tpu.memory_space<vmem>>, vector<16xf32>,
      %get3A_275 = vector.shape_cast %get3A_274 : vector<16xf32> to vector<16xf32>
      %add3A_276 = arith.addf %mul3A_272, %get3A_275 : vector<16xf32>
      %max3A_277 = arith.constant 0.000000e+00 : f32
      %max3A_278 = vector.broadcast %max3A_277 : f32 to vector<16xf32>
      %max3A_279 = arith.maximumf %add3A_276, %max3A_278 : vector<16xf32>
      %mul3A_280 = arith.mulf %max3A_279, %get3A_245 : vector<16xf32>
      %swap3A_281 = arith.constant 2 : i32
      %swap3A_282 = arith.index_cast %swap3A_281 : i32 to index
      %swap3A_283 = arith.index_cast %scan3A_239 : i32 to index
      %swap3A_284 = arith.constant 16 : index
      %swap3A_285 = tpu.vector_load %arg9[%swap3A_282, %swap3A_283, %swap3A_284] {strides = array<i32>} : memref<4x256x32xf32, #tpu.memory_space<vmem>>, vector<1x1x16xf32>,
      %swap3A_286 = vector.shape_cast %swap3A_285 : vector<1x1x16xf32> to vector<16xf32>
      %swap3A_287 = vector.shape_cast %mul3A_280 : vector<16xf32> to vector<1x1x16xf32>
      tpu.vector_store %arg9[%swap3A_282, %swap3A_283, %swap3A_284], %swap3A_287 {strides = array<i32>} : memref<4x256x32xf32, #tpu.memory_space<vmem>>, vector<1x1x16xf32>,
      %scan3A_288 = arith.constant 0 : i32
      scf.yield %scan3A_288 : i32
    }
    %scan3A_157 = arith.constant 128 : i32
    %add3A_158 = arith.constant 512 : i32
    %add3A_159 = arith.addi %mul3A_9, %add3A_158 : i32
    %run_scoped3A_160 = arith.constant 2 : i32
    "tpu.region"() ({
      %run_scoped3A_239 = tpu.sem_alloc : memref<!tpu.dma_semaphore, #tpu.memory_space<semaphore_mem>>
      %dma_start3A_240 = arith.constant 0 : i32
      %dma_start3A_241 = arith.constant 0 : i32
      %dma_start3A_242 = tpu.memref_slice %arg9[%run_scoped3A_160, %dma_start3A_240, %dma_start3A_241] : memref<4x256x32xf32, #tpu.memory_space<vmem>> -> memref<1x128x32xf32, #tpu.memory_space<vmem>>
      %dma_start3A_243 = tpu.memref_squeeze %dma_start3A_242 : memref<1x128x32xf32, #tpu.memory_space<vmem>> -> memref<128x32xf32, #tpu.memory_space<vmem>>
      %dma_start3A_244 = arith.constant 0 : i32
      %dma_start3A_245 = tpu.memref_slice %arg13[%add3A_159, %dma_start3A_244] : memref<10240x32xf32, #tpu.memory_space<vmem_shared>> -> memref<128x32xf32, #tpu.memory_space<vmem_shared>>
      %dma_start3A_246 = arith.constant 0 : i32
      %dma_start3A_247 = tpu.memref_slice %arg13[%add3A_159, %dma_start3A_246] : memref<10240x32xf32, #tpu.memory_space<vmem_shared>> -> memref<128x32xf32, #tpu.memory_space<vmem_shared>>
      %dma_start3A_248 = arith.constant 0 : i32
      %dma_start3A_249 = arith.constant 0 : i32
      %dma_start3A_250 = tpu.memref_slice %arg9[%run_scoped3A_160, %dma_start3A_248, %dma_start3A_249] : memref<4x256x32xf32, #tpu.memory_space<vmem>> -> memref<1x128x32xf32, #tpu.memory_space<vmem>>
      %dma_start3A_251 = tpu.memref_squeeze %dma_start3A_250 : memref<1x128x32xf32, #tpu.memory_space<vmem>> -> memref<128x32xf32, #tpu.memory_space<vmem>>
      tpu.enqueue_dma source(%dma_start3A_251 : memref<128x32xf32, #tpu.memory_space<vmem>>) target(%dma_start3A_247 : memref<128x32xf32, #tpu.memory_space<vmem_shared>>) target_semaphore(%run_scoped3A_239 : memref<!tpu.dma_semaphore, #tpu.memory_space<semaphore_mem>>)
      %dma_wait3A = arith.constant 0 : i32
      %dma_wait3A_252 = arith.constant 0 : i32
      %dma_wait3A_253 = tpu.memref_slice %arg9[%run_scoped3A_160, %dma_wait3A, %dma_wait3A_252] : memref<4x256x32xf32, #tpu.memory_space<vmem>> -> memref<1x128x32xf32, #tpu.memory_space<vmem>>
      %dma_wait3A_254 = tpu.memref_squeeze %dma_wait3A_253 : memref<1x128x32xf32, #tpu.memory_space<vmem>> -> memref<128x32xf32, #tpu.memory_space<vmem>>
      %dma_wait3A_255 = arith.constant 0 : i32
      %dma_wait3A_256 = tpu.memref_slice %arg13[%add3A_159, %dma_wait3A_255] : memref<10240x32xf32, #tpu.memory_space<vmem_shared>> -> memref<128x32xf32, #tpu.memory_space<vmem_shared>>
      %dma_wait3A_257 = arith.constant 0 : i32
      %dma_wait3A_258 = tpu.memref_slice %arg13[%add3A_159, %dma_wait3A_257] : memref<10240x32xf32, #tpu.memory_space<vmem_shared>> -> memref<128x32xf32, #tpu.memory_space<vmem_shared>>
      %dma_wait3A_259 = arith.constant 0 : i32
      %dma_wait3A_260 = arith.constant 0 : i32
      %dma_wait3A_261 = tpu.memref_slice %arg9[%run_scoped3A_160, %dma_wait3A_259, %dma_wait3A_260] : memref<4x256x32xf32, #tpu.memory_space<vmem>> -> memref<1x128x32xf32, #tpu.memory_space<vmem>>
      %dma_wait3A_262 = tpu.memref_squeeze %dma_wait3A_261 : memref<1x128x32xf32, #tpu.memory_space<vmem>> -> memref<128x32xf32, #tpu.memory_space<vmem>>
      tpu.wait_dma2 semaphore(%run_scoped3A_239 : memref<!tpu.dma_semaphore, #tpu.memory_space<semaphore_mem>>) src(%dma_wait3A_262 : memref<128x32xf32, #tpu.memory_space<vmem>>) dst(%dma_wait3A_258 : memref<128x32xf32, #tpu.memory_space<vmem_shared>>)
      tpu.yield
    }) : () -> ()
    %add3A_161 = arith.constant 512 : i32
    %add3A_162 = arith.addi %mul3A_9, %add3A_161 : i32
    %run_scoped3A_163 = arith.constant 2 : i32
    "tpu.region"() ({
      %run_scoped3A_239 = tpu.sem_alloc : memref<!tpu.dma_semaphore, #tpu.memory_space<semaphore_mem>>
      %dma_start3A_240 = arith.constant 0 : i32
      %dma_start3A_241 = arith.constant 0 : i32
      %dma_start3A_242 = tpu.memref_slice %arg9[%run_scoped3A_163, %dma_start3A_240, %dma_start3A_241] : memref<4x256x32xf32, #tpu.memory_space<vmem>> -> memref<1x128x32xf32, #tpu.memory_space<vmem>>
      %dma_start3A_243 = tpu.memref_squeeze %dma_start3A_242 : memref<1x128x32xf32, #tpu.memory_space<vmem>> -> memref<128x32xf32, #tpu.memory_space<vmem>>
      %dma_start3A_244 = arith.constant 0 : i32
      %dma_start3A_245 = tpu.memref_slice %arg12[%add3A_162, %dma_start3A_244] : memref<10240x32xf32, #tpu.memory_space<vmem_shared>> -> memref<128x32xf32, #tpu.memory_space<vmem_shared>>
      %dma_start3A_246 = arith.constant 0 : i32
      %dma_start3A_247 = tpu.memref_slice %arg12[%add3A_162, %dma_start3A_246] : memref<10240x32xf32, #tpu.memory_space<vmem_shared>> -> memref<128x32xf32, #tpu.memory_space<vmem_shared>>
      %dma_start3A_248 = arith.constant 0 : i32
      %dma_start3A_249 = arith.constant 0 : i32
      %dma_start3A_250 = tpu.memref_slice %arg9[%run_scoped3A_163, %dma_start3A_248, %dma_start3A_249] : memref<4x256x32xf32, #tpu.memory_space<vmem>> -> memref<1x128x32xf32, #tpu.memory_space<vmem>>
      %dma_start3A_251 = tpu.memref_squeeze %dma_start3A_250 : memref<1x128x32xf32, #tpu.memory_space<vmem>> -> memref<128x32xf32, #tpu.memory_space<vmem>>
      tpu.enqueue_dma source(%dma_start3A_251 : memref<128x32xf32, #tpu.memory_space<vmem>>) target(%dma_start3A_247 : memref<128x32xf32, #tpu.memory_space<vmem_shared>>) target_semaphore(%run_scoped3A_239 : memref<!tpu.dma_semaphore, #tpu.memory_space<semaphore_mem>>)
      %dma_wait3A = arith.constant 0 : i32
      %dma_wait3A_252 = arith.constant 0 : i32
      %dma_wait3A_253 = tpu.memref_slice %arg9[%run_scoped3A_163, %dma_wait3A, %dma_wait3A_252] : memref<4x256x32xf32, #tpu.memory_space<vmem>> -> memref<1x128x32xf32, #tpu.memory_space<vmem>>
      %dma_wait3A_254 = tpu.memref_squeeze %dma_wait3A_253 : memref<1x128x32xf32, #tpu.memory_space<vmem>> -> memref<128x32xf32, #tpu.memory_space<vmem>>
      %dma_wait3A_255 = arith.constant 0 : i32
      %dma_wait3A_256 = tpu.memref_slice %arg12[%add3A_162, %dma_wait3A_255] : memref<10240x32xf32, #tpu.memory_space<vmem_shared>> -> memref<128x32xf32, #tpu.memory_space<vmem_shared>>
      %dma_wait3A_257 = arith.constant 0 : i32
      %dma_wait3A_258 = tpu.memref_slice %arg12[%add3A_162, %dma_wait3A_257] : memref<10240x32xf32, #tpu.memory_space<vmem_shared>> -> memref<128x32xf32, #tpu.memory_space<vmem_shared>>
      %dma_wait3A_259 = arith.constant 0 : i32
      %dma_wait3A_260 = arith.constant 0 : i32
      %dma_wait3A_261 = tpu.memref_slice %arg9[%run_scoped3A_163, %dma_wait3A_259, %dma_wait3A_260] : memref<4x256x32xf32, #tpu.memory_space<vmem>> -> memref<1x128x32xf32, #tpu.memory_space<vmem>>
      %dma_wait3A_262 = tpu.memref_squeeze %dma_wait3A_261 : memref<1x128x32xf32, #tpu.memory_space<vmem>> -> memref<128x32xf32, #tpu.memory_space<vmem>>
      tpu.wait_dma2 semaphore(%run_scoped3A_239 : memref<!tpu.dma_semaphore, #tpu.memory_space<semaphore_mem>>) src(%dma_wait3A_262 : memref<128x32xf32, #tpu.memory_space<vmem>>) dst(%dma_wait3A_258 : memref<128x32xf32, #tpu.memory_space<vmem_shared>>)
      tpu.yield
    }) : () -> ()
    %barrier3A_164 = arith.constant 0 : index
    tpu.barrier barrier_id(%barrier3A_164)
    %dma_start3A_165 = arith.constant 0 : i32
    %dma_start3A_166 = arith.constant 0 : i32
    %dma_start3A_167 = arith.constant 0 : i32
    %dma_start3A_168 = arith.constant 0 : i32
    %dma_start3A_169 = tpu.memref_slice %arg9[%dma_start3A_166, %dma_start3A_167, %dma_start3A_168] : memref<4x256x32xf32, #tpu.memory_space<vmem>> -> memref<1x256x32xf32, #tpu.memory_space<vmem>>
    %dma_start3A_170 = tpu.memref_squeeze %dma_start3A_169 : memref<1x256x32xf32, #tpu.memory_space<vmem>> -> memref<256x32xf32, #tpu.memory_space<vmem>>
    %dma_start3A_171 = arith.constant 0 : i32
    %dma_start3A_172 = tpu.memref_slice %arg7[%dma_start3A_165, %dma_start3A_171] : memref<79x256xi32, #tpu.memory_space<vmem>> -> memref<1x256xi32, #tpu.memory_space<vmem>>
    %dma_start3A_173 = tpu.memref_squeeze %dma_start3A_172 : memref<1x256xi32, #tpu.memory_space<vmem>> -> memref<256xi32, #tpu.memory_space<vmem>>
    %dma_start3A_174 = arith.constant 0 : i32
    %dma_start3A_175 = arith.constant 0 : i32
    %dma_start3A_176 = tpu.memref_slice %arg13[%dma_start3A_174, %dma_start3A_175] : memref<10240x32xf32, #tpu.memory_space<vmem_shared>> -> memref<10240x32xf32, #tpu.memory_space<vmem_shared>>
    tpu.enqueue_indirect_dma source(%dma_start3A_176 : memref<10240x32xf32, #tpu.memory_space<vmem_shared>>) target(%dma_start3A_170 : memref<256x32xf32, #tpu.memory_space<vmem>>) offsets(%dma_start3A_173 : memref<256xi32, #tpu.memory_space<vmem>>) semaphore(%arg14 : memref<!tpu.dma_semaphore, #tpu.memory_space<semaphore_mem>>)
    %dma_start3A_177 = arith.constant 1 : i32
    %dma_start3A_178 = arith.constant 1 : i32
    %dma_start3A_179 = arith.constant 0 : i32
    %dma_start3A_180 = arith.constant 0 : i32
    %dma_start3A_181 = tpu.memref_slice %arg9[%dma_start3A_178, %dma_start3A_179, %dma_start3A_180] : memref<4x256x32xf32, #tpu.memory_space<vmem>> -> memref<1x256x32xf32, #tpu.memory_space<vmem>>
    %dma_start3A_182 = tpu.memref_squeeze %dma_start3A_181 : memref<1x256x32xf32, #tpu.memory_space<vmem>> -> memref<256x32xf32, #tpu.memory_space<vmem>>
    %dma_start3A_183 = arith.constant 0 : i32
    %dma_start3A_184 = tpu.memref_slice %arg7[%dma_start3A_177, %dma_start3A_183] : memref<79x256xi32, #tpu.memory_space<vmem>> -> memref<1x256xi32, #tpu.memory_space<vmem>>
    %dma_start3A_185 = tpu.memref_squeeze %dma_start3A_184 : memref<1x256xi32, #tpu.memory_space<vmem>> -> memref<256xi32, #tpu.memory_space<vmem>>
    %dma_start3A_186 = arith.constant 0 : i32
    %dma_start3A_187 = arith.constant 0 : i32
    %dma_start3A_188 = tpu.memref_slice %arg13[%dma_start3A_186, %dma_start3A_187] : memref<10240x32xf32, #tpu.memory_space<vmem_shared>> -> memref<10240x32xf32, #tpu.memory_space<vmem_shared>>
    tpu.enqueue_indirect_dma source(%dma_start3A_188 : memref<10240x32xf32, #tpu.memory_space<vmem_shared>>) target(%dma_start3A_182 : memref<256x32xf32, #tpu.memory_space<vmem>>) offsets(%dma_start3A_185 : memref<256xi32, #tpu.memory_space<vmem>>) semaphore(%arg14 : memref<!tpu.dma_semaphore, #tpu.memory_space<semaphore_mem>>)
    %dma_start3A_189 = arith.constant 2 : i32
    %dma_start3A_190 = arith.constant 2 : i32
    %dma_start3A_191 = arith.constant 0 : i32
    %dma_start3A_192 = arith.constant 0 : i32
    %dma_start3A_193 = tpu.memref_slice %arg9[%dma_start3A_190, %dma_start3A_191, %dma_start3A_192] : memref<4x256x32xf32, #tpu.memory_space<vmem>> -> memref<1x256x32xf32, #tpu.memory_space<vmem>>
    %dma_start3A_194 = tpu.memref_squeeze %dma_start3A_193 : memref<1x256x32xf32, #tpu.memory_space<vmem>> -> memref<256x32xf32, #tpu.memory_space<vmem>>
    %dma_start3A_195 = arith.constant 0 : i32
    %dma_start3A_196 = tpu.memref_slice %arg7[%dma_start3A_189, %dma_start3A_195] : memref<79x256xi32, #tpu.memory_space<vmem>> -> memref<1x256xi32, #tpu.memory_space<vmem>>
    %dma_start3A_197 = tpu.memref_squeeze %dma_start3A_196 : memref<1x256xi32, #tpu.memory_space<vmem>> -> memref<256xi32, #tpu.memory_space<vmem>>
    %dma_start3A_198 = arith.constant 0 : i32
    %dma_start3A_199 = arith.constant 0 : i32
    %dma_start3A_200 = tpu.memref_slice %arg13[%dma_start3A_198, %dma_start3A_199] : memref<10240x32xf32, #tpu.memory_space<vmem_shared>> -> memref<10240x32xf32, #tpu.memory_space<vmem_shared>>
    tpu.enqueue_indirect_dma source(%dma_start3A_200 : memref<10240x32xf32, #tpu.memory_space<vmem_shared>>) target(%dma_start3A_194 : memref<256x32xf32, #tpu.memory_space<vmem>>) offsets(%dma_start3A_197 : memref<256xi32, #tpu.memory_space<vmem>>) semaphore(%arg14 : memref<!tpu.dma_semaphore, #tpu.memory_space<semaphore_mem>>)
    %dma_start3A_201 = arith.constant 3 : i32
    %dma_start3A_202 = arith.constant 3 : i32
    %dma_start3A_203 = arith.constant 0 : i32
    %dma_start3A_204 = arith.constant 0 : i32
    %dma_start3A_205 = tpu.memref_slice %arg9[%dma_start3A_202, %dma_start3A_203, %dma_start3A_204] : memref<4x256x32xf32, #tpu.memory_space<vmem>> -> memref<1x256x32xf32, #tpu.memory_space<vmem>>
    %dma_start3A_206 = tpu.memref_squeeze %dma_start3A_205 : memref<1x256x32xf32, #tpu.memory_space<vmem>> -> memref<256x32xf32, #tpu.memory_space<vmem>>
    %dma_start3A_207 = arith.constant 0 : i32
    %dma_start3A_208 = tpu.memref_slice %arg7[%dma_start3A_201, %dma_start3A_207] : memref<79x256xi32, #tpu.memory_space<vmem>> -> memref<1x256xi32, #tpu.memory_space<vmem>>
    %dma_start3A_209 = tpu.memref_squeeze %dma_start3A_208 : memref<1x256xi32, #tpu.memory_space<vmem>> -> memref<256xi32, #tpu.memory_space<vmem>>
    %dma_start3A_210 = arith.constant 0 : i32
    %dma_start3A_211 = arith.constant 0 : i32
    %dma_start3A_212 = tpu.memref_slice %arg13[%dma_start3A_210, %dma_start3A_211] : memref<10240x32xf32, #tpu.memory_space<vmem_shared>> -> memref<10240x32xf32, #tpu.memory_space<vmem_shared>>
    tpu.enqueue_indirect_dma source(%dma_start3A_212 : memref<10240x32xf32, #tpu.memory_space<vmem_shared>>) target(%dma_start3A_206 : memref<256x32xf32, #tpu.memory_space<vmem>>) offsets(%dma_start3A_209 : memref<256xi32, #tpu.memory_space<vmem>>) semaphore(%arg14 : memref<!tpu.dma_semaphore, #tpu.memory_space<semaphore_mem>>)
    %scan3A_213 = arith.constant 0 : i32
    %scan3A_214 = arith.constant 0 : i32
    %scan3A_215 = arith.constant 20 : i32
    %scan3A_216 = arith.addi %scan3A_214, %scan3A_215 : i32
    %scan3A_217 = arith.constant 1 : i32
    %scan3A_218 = scf.for %scan3A_239 = %scan3A_214 to %scan3A_216 step %scan3A_217 iter_args(%scan3A_240 = %scan3A_213) -> (i32)  : i32 {
      %mul3A_241 = arith.constant 4 : i32
      %mul3A_242 = arith.muli %scan3A_239, %mul3A_241 : i32
      %add3A_243 = arith.constant 0 : i32
      %add3A_244 = arith.addi %mul3A_242, %add3A_243 : i32
      %lt3A_245 = arith.cmpi slt, %add3A_244, %add3A_7 : i32
      %convert_element_type3A_246 = arith.extui %lt3A_245 : i1 to i32
      %cond3A_247 = arith.constant 0 : i32
      %cond3A_248 = arith.cmpi ne, %convert_element_type3A_246, %cond3A_247 : i32
      scf.if %cond3A_248 {
        %dma_wait3A = arith.constant 0 : i32
        %dma_wait3A_316 = arith.constant 0 : i32
        %dma_wait3A_317 = arith.constant 0 : i32
        %dma_wait3A_318 = tpu.memref_slice %arg9[%dma_wait3A, %dma_wait3A_316, %dma_wait3A_317] : memref<4x256x32xf32, #tpu.memory_space<vmem>> -> memref<1x256x32xf32, #tpu.memory_space<vmem>>
        %dma_wait3A_319 = tpu.memref_squeeze %dma_wait3A_318 : memref<1x256x32xf32, #tpu.memory_space<vmem>> -> memref<256x32xf32, #tpu.memory_space<vmem>>
        %dma_wait3A_320 = arith.constant 0 : i32
        %dma_wait3A_321 = tpu.memref_slice %arg7[%add3A_244, %dma_wait3A_320] : memref<79x256xi32, #tpu.memory_space<vmem>> -> memref<1x256xi32, #tpu.memory_space<vmem>>
        %dma_wait3A_322 = tpu.memref_squeeze %dma_wait3A_321 : memref<1x256xi32, #tpu.memory_space<vmem>> -> memref<256xi32, #tpu.memory_space<vmem>>
        %dma_wait3A_323 = arith.constant 0 : i32
        %dma_wait3A_324 = arith.constant 0 : i32
        %dma_wait3A_325 = tpu.memref_slice %arg13[%dma_wait3A_323, %dma_wait3A_324] : memref<10240x32xf32, #tpu.memory_space<vmem_shared>> -> memref<10240x32xf32, #tpu.memory_space<vmem_shared>>
        tpu.wait_indirect_dma semaphore(%arg14 : memref<!tpu.dma_semaphore, #tpu.memory_space<semaphore_mem>>) src(%dma_wait3A_325 : memref<10240x32xf32, #tpu.memory_space<vmem_shared>>) dst(%dma_wait3A_319 : memref<256x32xf32, #tpu.memory_space<vmem>>)
        %dma_start3A_326 = arith.constant 0 : i32
        %dma_start3A_327 = arith.constant 0 : i32
        %dma_start3A_328 = arith.constant 0 : i32
        %dma_start3A_329 = tpu.memref_slice %arg9[%dma_start3A_326, %dma_start3A_327, %dma_start3A_328] : memref<4x256x32xf32, #tpu.memory_space<vmem>> -> memref<1x256x32xf32, #tpu.memory_space<vmem>>
        %dma_start3A_330 = tpu.memref_squeeze %dma_start3A_329 : memref<1x256x32xf32, #tpu.memory_space<vmem>> -> memref<256x32xf32, #tpu.memory_space<vmem>>
        %dma_start3A_331 = arith.constant 0 : i32
        %dma_start3A_332 = tpu.memref_slice %arg8[%add3A_244, %dma_start3A_331] : memref<79x256xi32, #tpu.memory_space<vmem>> -> memref<1x256xi32, #tpu.memory_space<vmem>>
        %dma_start3A_333 = tpu.memref_squeeze %dma_start3A_332 : memref<1x256xi32, #tpu.memory_space<vmem>> -> memref<256xi32, #tpu.memory_space<vmem>>
        %dma_start3A_334 = arith.constant 0 : i32
        %dma_start3A_335 = arith.constant 0 : i32
        %dma_start3A_336 = tpu.memref_slice %arg12[%dma_start3A_334, %dma_start3A_335] : memref<10240x32xf32, #tpu.memory_space<vmem_shared>> -> memref<10240x32xf32, #tpu.memory_space<vmem_shared>>
        tpu.enqueue_indirect_dma source(%dma_start3A_330 : memref<256x32xf32, #tpu.memory_space<vmem>>) target(%dma_start3A_336 : memref<10240x32xf32, #tpu.memory_space<vmem_shared>>) offsets(%dma_start3A_333 : memref<256xi32, #tpu.memory_space<vmem>>) semaphore(%arg15 : memref<!tpu.dma_semaphore, #tpu.memory_space<semaphore_mem>>) {add = true}
      } else {
      }
      %add3A_249 = arith.constant 1 : i32
      %add3A_250 = arith.addi %mul3A_242, %add3A_249 : i32
      %lt3A_251 = arith.cmpi slt, %add3A_250, %add3A_7 : i32
      %convert_element_type3A_252 = arith.extui %lt3A_251 : i1 to i32
      %cond3A_253 = arith.constant 0 : i32
      %cond3A_254 = arith.cmpi ne, %convert_element_type3A_252, %cond3A_253 : i32
      scf.if %cond3A_254 {
        %dma_wait3A = arith.constant 1 : i32
        %dma_wait3A_316 = arith.constant 0 : i32
        %dma_wait3A_317 = arith.constant 0 : i32
        %dma_wait3A_318 = tpu.memref_slice %arg9[%dma_wait3A, %dma_wait3A_316, %dma_wait3A_317] : memref<4x256x32xf32, #tpu.memory_space<vmem>> -> memref<1x256x32xf32, #tpu.memory_space<vmem>>
        %dma_wait3A_319 = tpu.memref_squeeze %dma_wait3A_318 : memref<1x256x32xf32, #tpu.memory_space<vmem>> -> memref<256x32xf32, #tpu.memory_space<vmem>>
        %dma_wait3A_320 = arith.constant 0 : i32
        %dma_wait3A_321 = tpu.memref_slice %arg7[%add3A_250, %dma_wait3A_320] : memref<79x256xi32, #tpu.memory_space<vmem>> -> memref<1x256xi32, #tpu.memory_space<vmem>>
        %dma_wait3A_322 = tpu.memref_squeeze %dma_wait3A_321 : memref<1x256xi32, #tpu.memory_space<vmem>> -> memref<256xi32, #tpu.memory_space<vmem>>
        %dma_wait3A_323 = arith.constant 0 : i32
        %dma_wait3A_324 = arith.constant 0 : i32
        %dma_wait3A_325 = tpu.memref_slice %arg13[%dma_wait3A_323, %dma_wait3A_324] : memref<10240x32xf32, #tpu.memory_space<vmem_shared>> -> memref<10240x32xf32, #tpu.memory_space<vmem_shared>>
        tpu.wait_indirect_dma semaphore(%arg14 : memref<!tpu.dma_semaphore, #tpu.memory_space<semaphore_mem>>) src(%dma_wait3A_325 : memref<10240x32xf32, #tpu.memory_space<vmem_shared>>) dst(%dma_wait3A_319 : memref<256x32xf32, #tpu.memory_space<vmem>>)
        %dma_start3A_326 = arith.constant 1 : i32
        %dma_start3A_327 = arith.constant 0 : i32
        %dma_start3A_328 = arith.constant 0 : i32
        %dma_start3A_329 = tpu.memref_slice %arg9[%dma_start3A_326, %dma_start3A_327, %dma_start3A_328] : memref<4x256x32xf32, #tpu.memory_space<vmem>> -> memref<1x256x32xf32, #tpu.memory_space<vmem>>
        %dma_start3A_330 = tpu.memref_squeeze %dma_start3A_329 : memref<1x256x32xf32, #tpu.memory_space<vmem>> -> memref<256x32xf32, #tpu.memory_space<vmem>>
        %dma_start3A_331 = arith.constant 0 : i32
        %dma_start3A_332 = tpu.memref_slice %arg8[%add3A_250, %dma_start3A_331] : memref<79x256xi32, #tpu.memory_space<vmem>> -> memref<1x256xi32, #tpu.memory_space<vmem>>
        %dma_start3A_333 = tpu.memref_squeeze %dma_start3A_332 : memref<1x256xi32, #tpu.memory_space<vmem>> -> memref<256xi32, #tpu.memory_space<vmem>>
        %dma_start3A_334 = arith.constant 0 : i32
        %dma_start3A_335 = arith.constant 0 : i32
        %dma_start3A_336 = tpu.memref_slice %arg12[%dma_start3A_334, %dma_start3A_335] : memref<10240x32xf32, #tpu.memory_space<vmem_shared>> -> memref<10240x32xf32, #tpu.memory_space<vmem_shared>>
        tpu.enqueue_indirect_dma source(%dma_start3A_330 : memref<256x32xf32, #tpu.memory_space<vmem>>) target(%dma_start3A_336 : memref<10240x32xf32, #tpu.memory_space<vmem_shared>>) offsets(%dma_start3A_333 : memref<256xi32, #tpu.memory_space<vmem>>) semaphore(%arg15 : memref<!tpu.dma_semaphore, #tpu.memory_space<semaphore_mem>>) {add = true}
      } else {
      }
      %add3A_255 = arith.constant 2 : i32
      %add3A_256 = arith.addi %mul3A_242, %add3A_255 : i32
      %lt3A_257 = arith.cmpi slt, %add3A_256, %add3A_7 : i32
      %convert_element_type3A_258 = arith.extui %lt3A_257 : i1 to i32
      %cond3A_259 = arith.constant 0 : i32
      %cond3A_260 = arith.cmpi ne, %convert_element_type3A_258, %cond3A_259 : i32
      scf.if %cond3A_260 {
        %dma_wait3A = arith.constant 2 : i32
        %dma_wait3A_316 = arith.constant 0 : i32
        %dma_wait3A_317 = arith.constant 0 : i32
        %dma_wait3A_318 = tpu.memref_slice %arg9[%dma_wait3A, %dma_wait3A_316, %dma_wait3A_317] : memref<4x256x32xf32, #tpu.memory_space<vmem>> -> memref<1x256x32xf32, #tpu.memory_space<vmem>>
        %dma_wait3A_319 = tpu.memref_squeeze %dma_wait3A_318 : memref<1x256x32xf32, #tpu.memory_space<vmem>> -> memref<256x32xf32, #tpu.memory_space<vmem>>
        %dma_wait3A_320 = arith.constant 0 : i32
        %dma_wait3A_321 = tpu.memref_slice %arg7[%add3A_256, %dma_wait3A_320] : memref<79x256xi32, #tpu.memory_space<vmem>> -> memref<1x256xi32, #tpu.memory_space<vmem>>
        %dma_wait3A_322 = tpu.memref_squeeze %dma_wait3A_321 : memref<1x256xi32, #tpu.memory_space<vmem>> -> memref<256xi32, #tpu.memory_space<vmem>>
        %dma_wait3A_323 = arith.constant 0 : i32
        %dma_wait3A_324 = arith.constant 0 : i32
        %dma_wait3A_325 = tpu.memref_slice %arg13[%dma_wait3A_323, %dma_wait3A_324] : memref<10240x32xf32, #tpu.memory_space<vmem_shared>> -> memref<10240x32xf32, #tpu.memory_space<vmem_shared>>
        tpu.wait_indirect_dma semaphore(%arg14 : memref<!tpu.dma_semaphore, #tpu.memory_space<semaphore_mem>>) src(%dma_wait3A_325 : memref<10240x32xf32, #tpu.memory_space<vmem_shared>>) dst(%dma_wait3A_319 : memref<256x32xf32, #tpu.memory_space<vmem>>)
        %dma_start3A_326 = arith.constant 2 : i32
        %dma_start3A_327 = arith.constant 0 : i32
        %dma_start3A_328 = arith.constant 0 : i32
        %dma_start3A_329 = tpu.memref_slice %arg9[%dma_start3A_326, %dma_start3A_327, %dma_start3A_328] : memref<4x256x32xf32, #tpu.memory_space<vmem>> -> memref<1x256x32xf32, #tpu.memory_space<vmem>>
        %dma_start3A_330 = tpu.memref_squeeze %dma_start3A_329 : memref<1x256x32xf32, #tpu.memory_space<vmem>> -> memref<256x32xf32, #tpu.memory_space<vmem>>
        %dma_start3A_331 = arith.constant 0 : i32
        %dma_start3A_332 = tpu.memref_slice %arg8[%add3A_256, %dma_start3A_331] : memref<79x256xi32, #tpu.memory_space<vmem>> -> memref<1x256xi32, #tpu.memory_space<vmem>>
        %dma_start3A_333 = tpu.memref_squeeze %dma_start3A_332 : memref<1x256xi32, #tpu.memory_space<vmem>> -> memref<256xi32, #tpu.memory_space<vmem>>
        %dma_start3A_334 = arith.constant 0 : i32
        %dma_start3A_335 = arith.constant 0 : i32
        %dma_start3A_336 = tpu.memref_slice %arg12[%dma_start3A_334, %dma_start3A_335] : memref<10240x32xf32, #tpu.memory_space<vmem_shared>> -> memref<10240x32xf32, #tpu.memory_space<vmem_shared>>
        tpu.enqueue_indirect_dma source(%dma_start3A_330 : memref<256x32xf32, #tpu.memory_space<vmem>>) target(%dma_start3A_336 : memref<10240x32xf32, #tpu.memory_space<vmem_shared>>) offsets(%dma_start3A_333 : memref<256xi32, #tpu.memory_space<vmem>>) semaphore(%arg15 : memref<!tpu.dma_semaphore, #tpu.memory_space<semaphore_mem>>) {add = true}
      } else {
      }
      %add3A_261 = arith.constant 3 : i32
      %add3A_262 = arith.addi %mul3A_242, %add3A_261 : i32
      %lt3A_263 = arith.cmpi slt, %add3A_262, %add3A_7 : i32
      %convert_element_type3A_264 = arith.extui %lt3A_263 : i1 to i32
      %cond3A_265 = arith.constant 0 : i32
      %cond3A_266 = arith.cmpi ne, %convert_element_type3A_264, %cond3A_265 : i32
      scf.if %cond3A_266 {
        %dma_wait3A = arith.constant 3 : i32
        %dma_wait3A_316 = arith.constant 0 : i32
        %dma_wait3A_317 = arith.constant 0 : i32
        %dma_wait3A_318 = tpu.memref_slice %arg9[%dma_wait3A, %dma_wait3A_316, %dma_wait3A_317] : memref<4x256x32xf32, #tpu.memory_space<vmem>> -> memref<1x256x32xf32, #tpu.memory_space<vmem>>
        %dma_wait3A_319 = tpu.memref_squeeze %dma_wait3A_318 : memref<1x256x32xf32, #tpu.memory_space<vmem>> -> memref<256x32xf32, #tpu.memory_space<vmem>>
        %dma_wait3A_320 = arith.constant 0 : i32
        %dma_wait3A_321 = tpu.memref_slice %arg7[%add3A_262, %dma_wait3A_320] : memref<79x256xi32, #tpu.memory_space<vmem>> -> memref<1x256xi32, #tpu.memory_space<vmem>>
        %dma_wait3A_322 = tpu.memref_squeeze %dma_wait3A_321 : memref<1x256xi32, #tpu.memory_space<vmem>> -> memref<256xi32, #tpu.memory_space<vmem>>
        %dma_wait3A_323 = arith.constant 0 : i32
        %dma_wait3A_324 = arith.constant 0 : i32
        %dma_wait3A_325 = tpu.memref_slice %arg13[%dma_wait3A_323, %dma_wait3A_324] : memref<10240x32xf32, #tpu.memory_space<vmem_shared>> -> memref<10240x32xf32, #tpu.memory_space<vmem_shared>>
        tpu.wait_indirect_dma semaphore(%arg14 : memref<!tpu.dma_semaphore, #tpu.memory_space<semaphore_mem>>) src(%dma_wait3A_325 : memref<10240x32xf32, #tpu.memory_space<vmem_shared>>) dst(%dma_wait3A_319 : memref<256x32xf32, #tpu.memory_space<vmem>>)
        %dma_start3A_326 = arith.constant 3 : i32
        %dma_start3A_327 = arith.constant 0 : i32
        %dma_start3A_328 = arith.constant 0 : i32
        %dma_start3A_329 = tpu.memref_slice %arg9[%dma_start3A_326, %dma_start3A_327, %dma_start3A_328] : memref<4x256x32xf32, #tpu.memory_space<vmem>> -> memref<1x256x32xf32, #tpu.memory_space<vmem>>
        %dma_start3A_330 = tpu.memref_squeeze %dma_start3A_329 : memref<1x256x32xf32, #tpu.memory_space<vmem>> -> memref<256x32xf32, #tpu.memory_space<vmem>>
        %dma_start3A_331 = arith.constant 0 : i32
        %dma_start3A_332 = tpu.memref_slice %arg8[%add3A_262, %dma_start3A_331] : memref<79x256xi32, #tpu.memory_space<vmem>> -> memref<1x256xi32, #tpu.memory_space<vmem>>
        %dma_start3A_333 = tpu.memref_squeeze %dma_start3A_332 : memref<1x256xi32, #tpu.memory_space<vmem>> -> memref<256xi32, #tpu.memory_space<vmem>>
        %dma_start3A_334 = arith.constant 0 : i32
        %dma_start3A_335 = arith.constant 0 : i32
        %dma_start3A_336 = tpu.memref_slice %arg12[%dma_start3A_334, %dma_start3A_335] : memref<10240x32xf32, #tpu.memory_space<vmem_shared>> -> memref<10240x32xf32, #tpu.memory_space<vmem_shared>>
        tpu.enqueue_indirect_dma source(%dma_start3A_330 : memref<256x32xf32, #tpu.memory_space<vmem>>) target(%dma_start3A_336 : memref<10240x32xf32, #tpu.memory_space<vmem_shared>>) offsets(%dma_start3A_333 : memref<256xi32, #tpu.memory_space<vmem>>) semaphore(%arg15 : memref<!tpu.dma_semaphore, #tpu.memory_space<semaphore_mem>>) {add = true}
      } else {
      }
      %add3A_267 = arith.constant 0 : i32
      %add3A_268 = arith.addi %mul3A_242, %add3A_267 : i32
      %add3A_269 = arith.constant 4 : i32
      %add3A_270 = arith.addi %add3A_268, %add3A_269 : i32
      %lt3A_271 = arith.cmpi slt, %add3A_268, %add3A_7 : i32
      %convert_element_type3A_272 = arith.extui %lt3A_271 : i1 to i32
      %cond3A_273 = arith.constant 0 : i32
      %cond3A_274 = arith.cmpi ne, %convert_element_type3A_272, %cond3A_273 : i32
      scf.if %cond3A_274 {
        %dma_wait3A = arith.constant 0 : i32
        %dma_wait3A_316 = arith.constant 0 : i32
        %dma_wait3A_317 = arith.constant 0 : i32
        %dma_wait3A_318 = tpu.memref_slice %arg9[%dma_wait3A, %dma_wait3A_316, %dma_wait3A_317] : memref<4x256x32xf32, #tpu.memory_space<vmem>> -> memref<1x256x32xf32, #tpu.memory_space<vmem>>
        %dma_wait3A_319 = tpu.memref_squeeze %dma_wait3A_318 : memref<1x256x32xf32, #tpu.memory_space<vmem>> -> memref<256x32xf32, #tpu.memory_space<vmem>>
        %dma_wait3A_320 = arith.constant 0 : i32
        %dma_wait3A_321 = tpu.memref_slice %arg8[%add3A_268, %dma_wait3A_320] : memref<79x256xi32, #tpu.memory_space<vmem>> -> memref<1x256xi32, #tpu.memory_space<vmem>>
        %dma_wait3A_322 = tpu.memref_squeeze %dma_wait3A_321 : memref<1x256xi32, #tpu.memory_space<vmem>> -> memref<256xi32, #tpu.memory_space<vmem>>
        %dma_wait3A_323 = arith.constant 0 : i32
        %dma_wait3A_324 = arith.constant 0 : i32
        %dma_wait3A_325 = tpu.memref_slice %arg12[%dma_wait3A_323, %dma_wait3A_324] : memref<10240x32xf32, #tpu.memory_space<vmem_shared>> -> memref<10240x32xf32, #tpu.memory_space<vmem_shared>>
        tpu.wait_indirect_dma semaphore(%arg15 : memref<!tpu.dma_semaphore, #tpu.memory_space<semaphore_mem>>) src(%dma_wait3A_319 : memref<256x32xf32, #tpu.memory_space<vmem>>) dst(%dma_wait3A_325 : memref<10240x32xf32, #tpu.memory_space<vmem_shared>>)
      } else {
      }
      %lt3A_275 = arith.cmpi slt, %add3A_270, %add3A_7 : i32
      %convert_element_type3A_276 = arith.extui %lt3A_275 : i1 to i32
      %cond3A_277 = arith.constant 0 : i32
      %cond3A_278 = arith.cmpi ne, %convert_element_type3A_276, %cond3A_277 : i32
      scf.if %cond3A_278 {
        %dma_start3A_316 = arith.constant 0 : i32
        %dma_start3A_317 = arith.constant 0 : i32
        %dma_start3A_318 = arith.constant 0 : i32
        %dma_start3A_319 = tpu.memref_slice %arg9[%dma_start3A_316, %dma_start3A_317, %dma_start3A_318] : memref<4x256x32xf32, #tpu.memory_space<vmem>> -> memref<1x256x32xf32, #tpu.memory_space<vmem>>
        %dma_start3A_320 = tpu.memref_squeeze %dma_start3A_319 : memref<1x256x32xf32, #tpu.memory_space<vmem>> -> memref<256x32xf32, #tpu.memory_space<vmem>>
        %dma_start3A_321 = arith.constant 0 : i32
        %dma_start3A_322 = tpu.memref_slice %arg7[%add3A_270, %dma_start3A_321] : memref<79x256xi32, #tpu.memory_space<vmem>> -> memref<1x256xi32, #tpu.memory_space<vmem>>
        %dma_start3A_323 = tpu.memref_squeeze %dma_start3A_322 : memref<1x256xi32, #tpu.memory_space<vmem>> -> memref<256xi32, #tpu.memory_space<vmem>>
        %dma_start3A_324 = arith.constant 0 : i32
        %dma_start3A_325 = arith.constant 0 : i32
        %dma_start3A_326 = tpu.memref_slice %arg13[%dma_start3A_324, %dma_start3A_325] : memref<10240x32xf32, #tpu.memory_space<vmem_shared>> -> memref<10240x32xf32, #tpu.memory_space<vmem_shared>>
        tpu.enqueue_indirect_dma source(%dma_start3A_326 : memref<10240x32xf32, #tpu.memory_space<vmem_shared>>) target(%dma_start3A_320 : memref<256x32xf32, #tpu.memory_space<vmem>>) offsets(%dma_start3A_323 : memref<256xi32, #tpu.memory_space<vmem>>) semaphore(%arg14 : memref<!tpu.dma_semaphore, #tpu.memory_space<semaphore_mem>>)
      } else {
      }
      %add3A_279 = arith.constant 1 : i32
      %add3A_280 = arith.addi %mul3A_242, %add3A_279 : i32
      %add3A_281 = arith.constant 4 : i32
      %add3A_282 = arith.addi %add3A_280, %add3A_281 : i32
      %lt3A_283 = arith.cmpi slt, %add3A_280, %add3A_7 : i32
      %convert_element_type3A_284 = arith.extui %lt3A_283 : i1 to i32
      %cond3A_285 = arith.constant 0 : i32
      %cond3A_286 = arith.cmpi ne, %convert_element_type3A_284, %cond3A_285 : i32
      scf.if %cond3A_286 {
        %dma_wait3A = arith.constant 1 : i32
        %dma_wait3A_316 = arith.constant 0 : i32
        %dma_wait3A_317 = arith.constant 0 : i32
        %dma_wait3A_318 = tpu.memref_slice %arg9[%dma_wait3A, %dma_wait3A_316, %dma_wait3A_317] : memref<4x256x32xf32, #tpu.memory_space<vmem>> -> memref<1x256x32xf32, #tpu.memory_space<vmem>>
        %dma_wait3A_319 = tpu.memref_squeeze %dma_wait3A_318 : memref<1x256x32xf32, #tpu.memory_space<vmem>> -> memref<256x32xf32, #tpu.memory_space<vmem>>
        %dma_wait3A_320 = arith.constant 0 : i32
        %dma_wait3A_321 = tpu.memref_slice %arg8[%add3A_280, %dma_wait3A_320] : memref<79x256xi32, #tpu.memory_space<vmem>> -> memref<1x256xi32, #tpu.memory_space<vmem>>
        %dma_wait3A_322 = tpu.memref_squeeze %dma_wait3A_321 : memref<1x256xi32, #tpu.memory_space<vmem>> -> memref<256xi32, #tpu.memory_space<vmem>>
        %dma_wait3A_323 = arith.constant 0 : i32
        %dma_wait3A_324 = arith.constant 0 : i32
        %dma_wait3A_325 = tpu.memref_slice %arg12[%dma_wait3A_323, %dma_wait3A_324] : memref<10240x32xf32, #tpu.memory_space<vmem_shared>> -> memref<10240x32xf32, #tpu.memory_space<vmem_shared>>
        tpu.wait_indirect_dma semaphore(%arg15 : memref<!tpu.dma_semaphore, #tpu.memory_space<semaphore_mem>>) src(%dma_wait3A_319 : memref<256x32xf32, #tpu.memory_space<vmem>>) dst(%dma_wait3A_325 : memref<10240x32xf32, #tpu.memory_space<vmem_shared>>)
      } else {
      }
      %lt3A_287 = arith.cmpi slt, %add3A_282, %add3A_7 : i32
      %convert_element_type3A_288 = arith.extui %lt3A_287 : i1 to i32
      %cond3A_289 = arith.constant 0 : i32
      %cond3A_290 = arith.cmpi ne, %convert_element_type3A_288, %cond3A_289 : i32
      scf.if %cond3A_290 {
        %dma_start3A_316 = arith.constant 1 : i32
        %dma_start3A_317 = arith.constant 0 : i32
        %dma_start3A_318 = arith.constant 0 : i32
        %dma_start3A_319 = tpu.memref_slice %arg9[%dma_start3A_316, %dma_start3A_317, %dma_start3A_318] : memref<4x256x32xf32, #tpu.memory_space<vmem>> -> memref<1x256x32xf32, #tpu.memory_space<vmem>>
        %dma_start3A_320 = tpu.memref_squeeze %dma_start3A_319 : memref<1x256x32xf32, #tpu.memory_space<vmem>> -> memref<256x32xf32, #tpu.memory_space<vmem>>
        %dma_start3A_321 = arith.constant 0 : i32
        %dma_start3A_322 = tpu.memref_slice %arg7[%add3A_282, %dma_start3A_321] : memref<79x256xi32, #tpu.memory_space<vmem>> -> memref<1x256xi32, #tpu.memory_space<vmem>>
        %dma_start3A_323 = tpu.memref_squeeze %dma_start3A_322 : memref<1x256xi32, #tpu.memory_space<vmem>> -> memref<256xi32, #tpu.memory_space<vmem>>
        %dma_start3A_324 = arith.constant 0 : i32
        %dma_start3A_325 = arith.constant 0 : i32
        %dma_start3A_326 = tpu.memref_slice %arg13[%dma_start3A_324, %dma_start3A_325] : memref<10240x32xf32, #tpu.memory_space<vmem_shared>> -> memref<10240x32xf32, #tpu.memory_space<vmem_shared>>
        tpu.enqueue_indirect_dma source(%dma_start3A_326 : memref<10240x32xf32, #tpu.memory_space<vmem_shared>>) target(%dma_start3A_320 : memref<256x32xf32, #tpu.memory_space<vmem>>) offsets(%dma_start3A_323 : memref<256xi32, #tpu.memory_space<vmem>>) semaphore(%arg14 : memref<!tpu.dma_semaphore, #tpu.memory_space<semaphore_mem>>)
      } else {
      }
      %add3A_291 = arith.constant 2 : i32
      %add3A_292 = arith.addi %mul3A_242, %add3A_291 : i32
      %add3A_293 = arith.constant 4 : i32
      %add3A_294 = arith.addi %add3A_292, %add3A_293 : i32
      %lt3A_295 = arith.cmpi slt, %add3A_292, %add3A_7 : i32
      %convert_element_type3A_296 = arith.extui %lt3A_295 : i1 to i32
      %cond3A_297 = arith.constant 0 : i32
      %cond3A_298 = arith.cmpi ne, %convert_element_type3A_296, %cond3A_297 : i32
      scf.if %cond3A_298 {
        %dma_wait3A = arith.constant 2 : i32
        %dma_wait3A_316 = arith.constant 0 : i32
        %dma_wait3A_317 = arith.constant 0 : i32
        %dma_wait3A_318 = tpu.memref_slice %arg9[%dma_wait3A, %dma_wait3A_316, %dma_wait3A_317] : memref<4x256x32xf32, #tpu.memory_space<vmem>> -> memref<1x256x32xf32, #tpu.memory_space<vmem>>
        %dma_wait3A_319 = tpu.memref_squeeze %dma_wait3A_318 : memref<1x256x32xf32, #tpu.memory_space<vmem>> -> memref<256x32xf32, #tpu.memory_space<vmem>>
        %dma_wait3A_320 = arith.constant 0 : i32
        %dma_wait3A_321 = tpu.memref_slice %arg8[%add3A_292, %dma_wait3A_320] : memref<79x256xi32, #tpu.memory_space<vmem>> -> memref<1x256xi32, #tpu.memory_space<vmem>>
        %dma_wait3A_322 = tpu.memref_squeeze %dma_wait3A_321 : memref<1x256xi32, #tpu.memory_space<vmem>> -> memref<256xi32, #tpu.memory_space<vmem>>
        %dma_wait3A_323 = arith.constant 0 : i32
        %dma_wait3A_324 = arith.constant 0 : i32
        %dma_wait3A_325 = tpu.memref_slice %arg12[%dma_wait3A_323, %dma_wait3A_324] : memref<10240x32xf32, #tpu.memory_space<vmem_shared>> -> memref<10240x32xf32, #tpu.memory_space<vmem_shared>>
        tpu.wait_indirect_dma semaphore(%arg15 : memref<!tpu.dma_semaphore, #tpu.memory_space<semaphore_mem>>) src(%dma_wait3A_319 : memref<256x32xf32, #tpu.memory_space<vmem>>) dst(%dma_wait3A_325 : memref<10240x32xf32, #tpu.memory_space<vmem_shared>>)
      } else {
      }
      %lt3A_299 = arith.cmpi slt, %add3A_294, %add3A_7 : i32
      %convert_element_type3A_300 = arith.extui %lt3A_299 : i1 to i32
      %cond3A_301 = arith.constant 0 : i32
      %cond3A_302 = arith.cmpi ne, %convert_element_type3A_300, %cond3A_301 : i32
      scf.if %cond3A_302 {
        %dma_start3A_316 = arith.constant 2 : i32
        %dma_start3A_317 = arith.constant 0 : i32
        %dma_start3A_318 = arith.constant 0 : i32
        %dma_start3A_319 = tpu.memref_slice %arg9[%dma_start3A_316, %dma_start3A_317, %dma_start3A_318] : memref<4x256x32xf32, #tpu.memory_space<vmem>> -> memref<1x256x32xf32, #tpu.memory_space<vmem>>
        %dma_start3A_320 = tpu.memref_squeeze %dma_start3A_319 : memref<1x256x32xf32, #tpu.memory_space<vmem>> -> memref<256x32xf32, #tpu.memory_space<vmem>>
        %dma_start3A_321 = arith.constant 0 : i32
        %dma_start3A_322 = tpu.memref_slice %arg7[%add3A_294, %dma_start3A_321] : memref<79x256xi32, #tpu.memory_space<vmem>> -> memref<1x256xi32, #tpu.memory_space<vmem>>
        %dma_start3A_323 = tpu.memref_squeeze %dma_start3A_322 : memref<1x256xi32, #tpu.memory_space<vmem>> -> memref<256xi32, #tpu.memory_space<vmem>>
        %dma_start3A_324 = arith.constant 0 : i32
        %dma_start3A_325 = arith.constant 0 : i32
        %dma_start3A_326 = tpu.memref_slice %arg13[%dma_start3A_324, %dma_start3A_325] : memref<10240x32xf32, #tpu.memory_space<vmem_shared>> -> memref<10240x32xf32, #tpu.memory_space<vmem_shared>>
        tpu.enqueue_indirect_dma source(%dma_start3A_326 : memref<10240x32xf32, #tpu.memory_space<vmem_shared>>) target(%dma_start3A_320 : memref<256x32xf32, #tpu.memory_space<vmem>>) offsets(%dma_start3A_323 : memref<256xi32, #tpu.memory_space<vmem>>) semaphore(%arg14 : memref<!tpu.dma_semaphore, #tpu.memory_space<semaphore_mem>>)
      } else {
      }
      %add3A_303 = arith.constant 3 : i32
      %add3A_304 = arith.addi %mul3A_242, %add3A_303 : i32
      %add3A_305 = arith.constant 4 : i32
      %add3A_306 = arith.addi %add3A_304, %add3A_305 : i32
      %lt3A_307 = arith.cmpi slt, %add3A_304, %add3A_7 : i32
      %convert_element_type3A_308 = arith.extui %lt3A_307 : i1 to i32
      %cond3A_309 = arith.constant 0 : i32
      %cond3A_310 = arith.cmpi ne, %convert_element_type3A_308, %cond3A_309 : i32
      scf.if %cond3A_310 {
        %dma_wait3A = arith.constant 3 : i32
        %dma_wait3A_316 = arith.constant 0 : i32
        %dma_wait3A_317 = arith.constant 0 : i32
        %dma_wait3A_318 = tpu.memref_slice %arg9[%dma_wait3A, %dma_wait3A_316, %dma_wait3A_317] : memref<4x256x32xf32, #tpu.memory_space<vmem>> -> memref<1x256x32xf32, #tpu.memory_space<vmem>>
        %dma_wait3A_319 = tpu.memref_squeeze %dma_wait3A_318 : memref<1x256x32xf32, #tpu.memory_space<vmem>> -> memref<256x32xf32, #tpu.memory_space<vmem>>
        %dma_wait3A_320 = arith.constant 0 : i32
        %dma_wait3A_321 = tpu.memref_slice %arg8[%add3A_304, %dma_wait3A_320] : memref<79x256xi32, #tpu.memory_space<vmem>> -> memref<1x256xi32, #tpu.memory_space<vmem>>
        %dma_wait3A_322 = tpu.memref_squeeze %dma_wait3A_321 : memref<1x256xi32, #tpu.memory_space<vmem>> -> memref<256xi32, #tpu.memory_space<vmem>>
        %dma_wait3A_323 = arith.constant 0 : i32
        %dma_wait3A_324 = arith.constant 0 : i32
        %dma_wait3A_325 = tpu.memref_slice %arg12[%dma_wait3A_323, %dma_wait3A_324] : memref<10240x32xf32, #tpu.memory_space<vmem_shared>> -> memref<10240x32xf32, #tpu.memory_space<vmem_shared>>
        tpu.wait_indirect_dma semaphore(%arg15 : memref<!tpu.dma_semaphore, #tpu.memory_space<semaphore_mem>>) src(%dma_wait3A_319 : memref<256x32xf32, #tpu.memory_space<vmem>>) dst(%dma_wait3A_325 : memref<10240x32xf32, #tpu.memory_space<vmem_shared>>)
      } else {
      }
      %lt3A_311 = arith.cmpi slt, %add3A_306, %add3A_7 : i32
      %convert_element_type3A_312 = arith.extui %lt3A_311 : i1 to i32
      %cond3A_313 = arith.constant 0 : i32
      %cond3A_314 = arith.cmpi ne, %convert_element_type3A_312, %cond3A_313 : i32
      scf.if %cond3A_314 {
        %dma_start3A_316 = arith.constant 3 : i32
        %dma_start3A_317 = arith.constant 0 : i32
        %dma_start3A_318 = arith.constant 0 : i32
        %dma_start3A_319 = tpu.memref_slice %arg9[%dma_start3A_316, %dma_start3A_317, %dma_start3A_318] : memref<4x256x32xf32, #tpu.memory_space<vmem>> -> memref<1x256x32xf32, #tpu.memory_space<vmem>>
        %dma_start3A_320 = tpu.memref_squeeze %dma_start3A_319 : memref<1x256x32xf32, #tpu.memory_space<vmem>> -> memref<256x32xf32, #tpu.memory_space<vmem>>
        %dma_start3A_321 = arith.constant 0 : i32
        %dma_start3A_322 = tpu.memref_slice %arg7[%add3A_306, %dma_start3A_321] : memref<79x256xi32, #tpu.memory_space<vmem>> -> memref<1x256xi32, #tpu.memory_space<vmem>>
        %dma_start3A_323 = tpu.memref_squeeze %dma_start3A_322 : memref<1x256xi32, #tpu.memory_space<vmem>> -> memref<256xi32, #tpu.memory_space<vmem>>
        %dma_start3A_324 = arith.constant 0 : i32
        %dma_start3A_325 = arith.constant 0 : i32
        %dma_start3A_326 = tpu.memref_slice %arg13[%dma_start3A_324, %dma_start3A_325] : memref<10240x32xf32, #tpu.memory_space<vmem_shared>> -> memref<10240x32xf32, #tpu.memory_space<vmem_shared>>
        tpu.enqueue_indirect_dma source(%dma_start3A_326 : memref<10240x32xf32, #tpu.memory_space<vmem_shared>>) target(%dma_start3A_320 : memref<256x32xf32, #tpu.memory_space<vmem>>) offsets(%dma_start3A_323 : memref<256xi32, #tpu.memory_space<vmem>>) semaphore(%arg14 : memref<!tpu.dma_semaphore, #tpu.memory_space<semaphore_mem>>)
      } else {
      }
      %scan3A_315 = arith.constant 0 : i32
      scf.yield %scan3A_315 : i32
    }
    %scan3A_219 = arith.constant 20 : i32
    %barrier3A_220 = arith.constant 0 : index
    tpu.barrier barrier_id(%barrier3A_220)
    %add3A_221 = arith.constant 0 : i32
    %add3A_222 = arith.addi %mul3A_9, %add3A_221 : i32
    %run_scoped3A_223 = arith.constant 0 : i32
    "tpu.region"() ({
      %run_scoped3A_239 = tpu.sem_alloc : memref<!tpu.dma_semaphore, #tpu.memory_space<semaphore_mem>>
      %dma_start3A_240 = arith.constant 0 : i32
      %dma_start3A_241 = arith.constant 0 : i32
      %dma_start3A_242 = tpu.memref_slice %arg9[%run_scoped3A_223, %dma_start3A_240, %dma_start3A_241] : memref<4x256x32xf32, #tpu.memory_space<vmem>> -> memref<1x256x32xf32, #tpu.memory_space<vmem>>
      %dma_start3A_243 = tpu.memref_squeeze %dma_start3A_242 : memref<1x256x32xf32, #tpu.memory_space<vmem>> -> memref<256x32xf32, #tpu.memory_space<vmem>>
      %dma_start3A_244 = arith.constant 0 : i32
      %dma_start3A_245 = tpu.memref_slice %arg12[%add3A_222, %dma_start3A_244] : memref<10240x32xf32, #tpu.memory_space<vmem_shared>> -> memref<256x32xf32, #tpu.memory_space<vmem_shared>>
      %dma_start3A_246 = arith.constant 0 : i32
      %dma_start3A_247 = arith.constant 0 : i32
      %dma_start3A_248 = tpu.memref_slice %arg9[%run_scoped3A_223, %dma_start3A_246, %dma_start3A_247] : memref<4x256x32xf32, #tpu.memory_space<vmem>> -> memref<1x256x32xf32, #tpu.memory_space<vmem>>
      %dma_start3A_249 = tpu.memref_squeeze %dma_start3A_248 : memref<1x256x32xf32, #tpu.memory_space<vmem>> -> memref<256x32xf32, #tpu.memory_space<vmem>>
      %dma_start3A_250 = arith.constant 0 : i32
      %dma_start3A_251 = tpu.memref_slice %arg12[%add3A_222, %dma_start3A_250] : memref<10240x32xf32, #tpu.memory_space<vmem_shared>> -> memref<256x32xf32, #tpu.memory_space<vmem_shared>>
      tpu.enqueue_dma source(%dma_start3A_251 : memref<256x32xf32, #tpu.memory_space<vmem_shared>>) target(%dma_start3A_249 : memref<256x32xf32, #tpu.memory_space<vmem>>) target_semaphore(%run_scoped3A_239 : memref<!tpu.dma_semaphore, #tpu.memory_space<semaphore_mem>>)
      %dma_wait3A = arith.constant 0 : i32
      %dma_wait3A_252 = arith.constant 0 : i32
      %dma_wait3A_253 = tpu.memref_slice %arg9[%run_scoped3A_223, %dma_wait3A, %dma_wait3A_252] : memref<4x256x32xf32, #tpu.memory_space<vmem>> -> memref<1x256x32xf32, #tpu.memory_space<vmem>>
      %dma_wait3A_254 = tpu.memref_squeeze %dma_wait3A_253 : memref<1x256x32xf32, #tpu.memory_space<vmem>> -> memref<256x32xf32, #tpu.memory_space<vmem>>
      %dma_wait3A_255 = arith.constant 0 : i32
      %dma_wait3A_256 = tpu.memref_slice %arg12[%add3A_222, %dma_wait3A_255] : memref<10240x32xf32, #tpu.memory_space<vmem_shared>> -> memref<256x32xf32, #tpu.memory_space<vmem_shared>>
      %dma_wait3A_257 = arith.constant 0 : i32
      %dma_wait3A_258 = arith.constant 0 : i32
      %dma_wait3A_259 = tpu.memref_slice %arg9[%run_scoped3A_223, %dma_wait3A_257, %dma_wait3A_258] : memref<4x256x32xf32, #tpu.memory_space<vmem>> -> memref<1x256x32xf32, #tpu.memory_space<vmem>>
      %dma_wait3A_260 = tpu.memref_squeeze %dma_wait3A_259 : memref<1x256x32xf32, #tpu.memory_space<vmem>> -> memref<256x32xf32, #tpu.memory_space<vmem>>
      %dma_wait3A_261 = arith.constant 0 : i32
      %dma_wait3A_262 = tpu.memref_slice %arg12[%add3A_222, %dma_wait3A_261] : memref<10240x32xf32, #tpu.memory_space<vmem_shared>> -> memref<256x32xf32, #tpu.memory_space<vmem_shared>>
      tpu.wait_dma2 semaphore(%run_scoped3A_239 : memref<!tpu.dma_semaphore, #tpu.memory_space<semaphore_mem>>) src(%dma_wait3A_262 : memref<256x32xf32, #tpu.memory_space<vmem_shared>>) dst(%dma_wait3A_260 : memref<256x32xf32, #tpu.memory_space<vmem>>)
      tpu.yield
    }) : () -> ()
    %add3A_224 = arith.constant 0 : i32
    %add3A_225 = arith.addi %mul3A_9, %add3A_224 : i32
    %run_scoped3A_226 = arith.constant 0 : i32
    "tpu.region"() ({
      %run_scoped3A_239 = tpu.sem_alloc : memref<!tpu.dma_semaphore, #tpu.memory_space<semaphore_mem>>
      %dma_start3A_240 = arith.constant 0 : i32
      %dma_start3A_241 = arith.constant 0 : i32
      %dma_start3A_242 = tpu.memref_slice %arg9[%run_scoped3A_226, %dma_start3A_240, %dma_start3A_241] : memref<4x256x32xf32, #tpu.memory_space<vmem>> -> memref<1x256x32xf32, #tpu.memory_space<vmem>>
      %dma_start3A_243 = tpu.memref_squeeze %dma_start3A_242 : memref<1x256x32xf32, #tpu.memory_space<vmem>> -> memref<256x32xf32, #tpu.memory_space<vmem>>
      %dma_start3A_244 = tpu.memref_slice %arg6[%add3A_225, %mul3A_0] : memref<10240x64xf32, #tpu.memory_space<hbm>> -> memref<256x32xf32, #tpu.memory_space<hbm>>
      %dma_start3A_245 = tpu.memref_slice %arg6[%add3A_225, %mul3A_0] : memref<10240x64xf32, #tpu.memory_space<hbm>> -> memref<256x32xf32, #tpu.memory_space<hbm>>
      %dma_start3A_246 = arith.constant 0 : i32
      %dma_start3A_247 = arith.constant 0 : i32
      %dma_start3A_248 = tpu.memref_slice %arg9[%run_scoped3A_226, %dma_start3A_246, %dma_start3A_247] : memref<4x256x32xf32, #tpu.memory_space<vmem>> -> memref<1x256x32xf32, #tpu.memory_space<vmem>>
      %dma_start3A_249 = tpu.memref_squeeze %dma_start3A_248 : memref<1x256x32xf32, #tpu.memory_space<vmem>> -> memref<256x32xf32, #tpu.memory_space<vmem>>
      tpu.enqueue_dma source(%dma_start3A_249 : memref<256x32xf32, #tpu.memory_space<vmem>>) target(%dma_start3A_245 : memref<256x32xf32, #tpu.memory_space<hbm>>) target_semaphore(%run_scoped3A_239 : memref<!tpu.dma_semaphore, #tpu.memory_space<semaphore_mem>>)
      %dma_wait3A = arith.constant 0 : i32
      %dma_wait3A_250 = arith.constant 0 : i32
      %dma_wait3A_251 = tpu.memref_slice %arg9[%run_scoped3A_226, %dma_wait3A, %dma_wait3A_250] : memref<4x256x32xf32, #tpu.memory_space<vmem>> -> memref<1x256x32xf32, #tpu.memory_space<vmem>>
      %dma_wait3A_252 = tpu.memref_squeeze %dma_wait3A_251 : memref<1x256x32xf32, #tpu.memory_space<vmem>> -> memref<256x32xf32, #tpu.memory_space<vmem>>
      %dma_wait3A_253 = tpu.memref_slice %arg6[%add3A_225, %mul3A_0] : memref<10240x64xf32, #tpu.memory_space<hbm>> -> memref<256x32xf32, #tpu.memory_space<hbm>>
      %dma_wait3A_254 = tpu.memref_slice %arg6[%add3A_225, %mul3A_0] : memref<10240x64xf32, #tpu.memory_space<hbm>> -> memref<256x32xf32, #tpu.memory_space<hbm>>
      %dma_wait3A_255 = arith.constant 0 : i32
      %dma_wait3A_256 = arith.constant 0 : i32
      %dma_wait3A_257 = tpu.memref_slice %arg9[%run_scoped3A_226, %dma_wait3A_255, %dma_wait3A_256] : memref<4x256x32xf32, #tpu.memory_space<vmem>> -> memref<1x256x32xf32, #tpu.memory_space<vmem>>
      %dma_wait3A_258 = tpu.memref_squeeze %dma_wait3A_257 : memref<1x256x32xf32, #tpu.memory_space<vmem>> -> memref<256x32xf32, #tpu.memory_space<vmem>>
      tpu.wait_dma2 semaphore(%run_scoped3A_239 : memref<!tpu.dma_semaphore, #tpu.memory_space<semaphore_mem>>) src(%dma_wait3A_258 : memref<256x32xf32, #tpu.memory_space<vmem>>) dst(%dma_wait3A_254 : memref<256x32xf32, #tpu.memory_space<hbm>>)
      tpu.yield
    }) : () -> ()
    %add3A_227 = arith.constant 256 : i32
    %add3A_228 = arith.addi %mul3A_9, %add3A_227 : i32
    %run_scoped3A_229 = arith.constant 1 : i32
    "tpu.region"() ({
      %run_scoped3A_239 = tpu.sem_alloc : memref<!tpu.dma_semaphore, #tpu.memory_space<semaphore_mem>>
      %dma_start3A_240 = arith.constant 0 : i32
      %dma_start3A_241 = arith.constant 0 : i32
      %dma_start3A_242 = tpu.memref_slice %arg9[%run_scoped3A_229, %dma_start3A_240, %dma_start3A_241] : memref<4x256x32xf32, #tpu.memory_space<vmem>> -> memref<1x256x32xf32, #tpu.memory_space<vmem>>
      %dma_start3A_243 = tpu.memref_squeeze %dma_start3A_242 : memref<1x256x32xf32, #tpu.memory_space<vmem>> -> memref<256x32xf32, #tpu.memory_space<vmem>>
      %dma_start3A_244 = arith.constant 0 : i32
      %dma_start3A_245 = tpu.memref_slice %arg12[%add3A_228, %dma_start3A_244] : memref<10240x32xf32, #tpu.memory_space<vmem_shared>> -> memref<256x32xf32, #tpu.memory_space<vmem_shared>>
      %dma_start3A_246 = arith.constant 0 : i32
      %dma_start3A_247 = arith.constant 0 : i32
      %dma_start3A_248 = tpu.memref_slice %arg9[%run_scoped3A_229, %dma_start3A_246, %dma_start3A_247] : memref<4x256x32xf32, #tpu.memory_space<vmem>> -> memref<1x256x32xf32, #tpu.memory_space<vmem>>
      %dma_start3A_249 = tpu.memref_squeeze %dma_start3A_248 : memref<1x256x32xf32, #tpu.memory_space<vmem>> -> memref<256x32xf32, #tpu.memory_space<vmem>>
      %dma_start3A_250 = arith.constant 0 : i32
      %dma_start3A_251 = tpu.memref_slice %arg12[%add3A_228, %dma_start3A_250] : memref<10240x32xf32, #tpu.memory_space<vmem_shared>> -> memref<256x32xf32, #tpu.memory_space<vmem_shared>>
      tpu.enqueue_dma source(%dma_start3A_251 : memref<256x32xf32, #tpu.memory_space<vmem_shared>>) target(%dma_start3A_249 : memref<256x32xf32, #tpu.memory_space<vmem>>) target_semaphore(%run_scoped3A_239 : memref<!tpu.dma_semaphore, #tpu.memory_space<semaphore_mem>>)
      %dma_wait3A = arith.constant 0 : i32
      %dma_wait3A_252 = arith.constant 0 : i32
      %dma_wait3A_253 = tpu.memref_slice %arg9[%run_scoped3A_229, %dma_wait3A, %dma_wait3A_252] : memref<4x256x32xf32, #tpu.memory_space<vmem>> -> memref<1x256x32xf32, #tpu.memory_space<vmem>>
      %dma_wait3A_254 = tpu.memref_squeeze %dma_wait3A_253 : memref<1x256x32xf32, #tpu.memory_space<vmem>> -> memref<256x32xf32, #tpu.memory_space<vmem>>
      %dma_wait3A_255 = arith.constant 0 : i32
      %dma_wait3A_256 = tpu.memref_slice %arg12[%add3A_228, %dma_wait3A_255] : memref<10240x32xf32, #tpu.memory_space<vmem_shared>> -> memref<256x32xf32, #tpu.memory_space<vmem_shared>>
      %dma_wait3A_257 = arith.constant 0 : i32
      %dma_wait3A_258 = arith.constant 0 : i32
      %dma_wait3A_259 = tpu.memref_slice %arg9[%run_scoped3A_229, %dma_wait3A_257, %dma_wait3A_258] : memref<4x256x32xf32, #tpu.memory_space<vmem>> -> memref<1x256x32xf32, #tpu.memory_space<vmem>>
      %dma_wait3A_260 = tpu.memref_squeeze %dma_wait3A_259 : memref<1x256x32xf32, #tpu.memory_space<vmem>> -> memref<256x32xf32, #tpu.memory_space<vmem>>
      %dma_wait3A_261 = arith.constant 0 : i32
      %dma_wait3A_262 = tpu.memref_slice %arg12[%add3A_228, %dma_wait3A_261] : memref<10240x32xf32, #tpu.memory_space<vmem_shared>> -> memref<256x32xf32, #tpu.memory_space<vmem_shared>>
      tpu.wait_dma2 semaphore(%run_scoped3A_239 : memref<!tpu.dma_semaphore, #tpu.memory_space<semaphore_mem>>) src(%dma_wait3A_262 : memref<256x32xf32, #tpu.memory_space<vmem_shared>>) dst(%dma_wait3A_260 : memref<256x32xf32, #tpu.memory_space<vmem>>)
      tpu.yield
    }) : () -> ()
    %add3A_230 = arith.constant 256 : i32
    %add3A_231 = arith.addi %mul3A_9, %add3A_230 : i32
    %run_scoped3A_232 = arith.constant 1 : i32
    "tpu.region"() ({
      %run_scoped3A_239 = tpu.sem_alloc : memref<!tpu.dma_semaphore, #tpu.memory_space<semaphore_mem>>
      %dma_start3A_240 = arith.constant 0 : i32
      %dma_start3A_241 = arith.constant 0 : i32
      %dma_start3A_242 = tpu.memref_slice %arg9[%run_scoped3A_232, %dma_start3A_240, %dma_start3A_241] : memref<4x256x32xf32, #tpu.memory_space<vmem>> -> memref<1x256x32xf32, #tpu.memory_space<vmem>>
      %dma_start3A_243 = tpu.memref_squeeze %dma_start3A_242 : memref<1x256x32xf32, #tpu.memory_space<vmem>> -> memref<256x32xf32, #tpu.memory_space<vmem>>
      %dma_start3A_244 = tpu.memref_slice %arg6[%add3A_231, %mul3A_0] : memref<10240x64xf32, #tpu.memory_space<hbm>> -> memref<256x32xf32, #tpu.memory_space<hbm>>
      %dma_start3A_245 = tpu.memref_slice %arg6[%add3A_231, %mul3A_0] : memref<10240x64xf32, #tpu.memory_space<hbm>> -> memref<256x32xf32, #tpu.memory_space<hbm>>
      %dma_start3A_246 = arith.constant 0 : i32
      %dma_start3A_247 = arith.constant 0 : i32
      %dma_start3A_248 = tpu.memref_slice %arg9[%run_scoped3A_232, %dma_start3A_246, %dma_start3A_247] : memref<4x256x32xf32, #tpu.memory_space<vmem>> -> memref<1x256x32xf32, #tpu.memory_space<vmem>>
      %dma_start3A_249 = tpu.memref_squeeze %dma_start3A_248 : memref<1x256x32xf32, #tpu.memory_space<vmem>> -> memref<256x32xf32, #tpu.memory_space<vmem>>
      tpu.enqueue_dma source(%dma_start3A_249 : memref<256x32xf32, #tpu.memory_space<vmem>>) target(%dma_start3A_245 : memref<256x32xf32, #tpu.memory_space<hbm>>) target_semaphore(%run_scoped3A_239 : memref<!tpu.dma_semaphore, #tpu.memory_space<semaphore_mem>>)
      %dma_wait3A = arith.constant 0 : i32
      %dma_wait3A_250 = arith.constant 0 : i32
      %dma_wait3A_251 = tpu.memref_slice %arg9[%run_scoped3A_232, %dma_wait3A, %dma_wait3A_250] : memref<4x256x32xf32, #tpu.memory_space<vmem>> -> memref<1x256x32xf32, #tpu.memory_space<vmem>>
      %dma_wait3A_252 = tpu.memref_squeeze %dma_wait3A_251 : memref<1x256x32xf32, #tpu.memory_space<vmem>> -> memref<256x32xf32, #tpu.memory_space<vmem>>
      %dma_wait3A_253 = tpu.memref_slice %arg6[%add3A_231, %mul3A_0] : memref<10240x64xf32, #tpu.memory_space<hbm>> -> memref<256x32xf32, #tpu.memory_space<hbm>>
      %dma_wait3A_254 = tpu.memref_slice %arg6[%add3A_231, %mul3A_0] : memref<10240x64xf32, #tpu.memory_space<hbm>> -> memref<256x32xf32, #tpu.memory_space<hbm>>
      %dma_wait3A_255 = arith.constant 0 : i32
      %dma_wait3A_256 = arith.constant 0 : i32
      %dma_wait3A_257 = tpu.memref_slice %arg9[%run_scoped3A_232, %dma_wait3A_255, %dma_wait3A_256] : memref<4x256x32xf32, #tpu.memory_space<vmem>> -> memref<1x256x32xf32, #tpu.memory_space<vmem>>
      %dma_wait3A_258 = tpu.memref_squeeze %dma_wait3A_257 : memref<1x256x32xf32, #tpu.memory_space<vmem>> -> memref<256x32xf32, #tpu.memory_space<vmem>>
      tpu.wait_dma2 semaphore(%run_scoped3A_239 : memref<!tpu.dma_semaphore, #tpu.memory_space<semaphore_mem>>) src(%dma_wait3A_258 : memref<256x32xf32, #tpu.memory_space<vmem>>) dst(%dma_wait3A_254 : memref<256x32xf32, #tpu.memory_space<hbm>>)
      tpu.yield
    }) : () -> ()
    %add3A_233 = arith.constant 512 : i32
    %add3A_234 = arith.addi %mul3A_9, %add3A_233 : i32
    %run_scoped3A_235 = arith.constant 2 : i32
    "tpu.region"() ({
      %run_scoped3A_239 = tpu.sem_alloc : memref<!tpu.dma_semaphore, #tpu.memory_space<semaphore_mem>>
      %dma_start3A_240 = arith.constant 0 : i32
      %dma_start3A_241 = arith.constant 0 : i32
      %dma_start3A_242 = tpu.memref_slice %arg9[%run_scoped3A_235, %dma_start3A_240, %dma_start3A_241] : memref<4x256x32xf32, #tpu.memory_space<vmem>> -> memref<1x128x32xf32, #tpu.memory_space<vmem>>
      %dma_start3A_243 = tpu.memref_squeeze %dma_start3A_242 : memref<1x128x32xf32, #tpu.memory_space<vmem>> -> memref<128x32xf32, #tpu.memory_space<vmem>>
      %dma_start3A_244 = arith.constant 0 : i32
      %dma_start3A_245 = tpu.memref_slice %arg12[%add3A_234, %dma_start3A_244] : memref<10240x32xf32, #tpu.memory_space<vmem_shared>> -> memref<128x32xf32, #tpu.memory_space<vmem_shared>>
      %dma_start3A_246 = arith.constant 0 : i32
      %dma_start3A_247 = arith.constant 0 : i32
      %dma_start3A_248 = tpu.memref_slice %arg9[%run_scoped3A_235, %dma_start3A_246, %dma_start3A_247] : memref<4x256x32xf32, #tpu.memory_space<vmem>> -> memref<1x128x32xf32, #tpu.memory_space<vmem>>
      %dma_start3A_249 = tpu.memref_squeeze %dma_start3A_248 : memref<1x128x32xf32, #tpu.memory_space<vmem>> -> memref<128x32xf32, #tpu.memory_space<vmem>>
      %dma_start3A_250 = arith.constant 0 : i32
      %dma_start3A_251 = tpu.memref_slice %arg12[%add3A_234, %dma_start3A_250] : memref<10240x32xf32, #tpu.memory_space<vmem_shared>> -> memref<128x32xf32, #tpu.memory_space<vmem_shared>>
      tpu.enqueue_dma source(%dma_start3A_251 : memref<128x32xf32, #tpu.memory_space<vmem_shared>>) target(%dma_start3A_249 : memref<128x32xf32, #tpu.memory_space<vmem>>) target_semaphore(%run_scoped3A_239 : memref<!tpu.dma_semaphore, #tpu.memory_space<semaphore_mem>>)
      %dma_wait3A = arith.constant 0 : i32
      %dma_wait3A_252 = arith.constant 0 : i32
      %dma_wait3A_253 = tpu.memref_slice %arg9[%run_scoped3A_235, %dma_wait3A, %dma_wait3A_252] : memref<4x256x32xf32, #tpu.memory_space<vmem>> -> memref<1x128x32xf32, #tpu.memory_space<vmem>>
      %dma_wait3A_254 = tpu.memref_squeeze %dma_wait3A_253 : memref<1x128x32xf32, #tpu.memory_space<vmem>> -> memref<128x32xf32, #tpu.memory_space<vmem>>
      %dma_wait3A_255 = arith.constant 0 : i32
      %dma_wait3A_256 = tpu.memref_slice %arg12[%add3A_234, %dma_wait3A_255] : memref<10240x32xf32, #tpu.memory_space<vmem_shared>> -> memref<128x32xf32, #tpu.memory_space<vmem_shared>>
      %dma_wait3A_257 = arith.constant 0 : i32
      %dma_wait3A_258 = arith.constant 0 : i32
      %dma_wait3A_259 = tpu.memref_slice %arg9[%run_scoped3A_235, %dma_wait3A_257, %dma_wait3A_258] : memref<4x256x32xf32, #tpu.memory_space<vmem>> -> memref<1x128x32xf32, #tpu.memory_space<vmem>>
      %dma_wait3A_260 = tpu.memref_squeeze %dma_wait3A_259 : memref<1x128x32xf32, #tpu.memory_space<vmem>> -> memref<128x32xf32, #tpu.memory_space<vmem>>
      %dma_wait3A_261 = arith.constant 0 : i32
      %dma_wait3A_262 = tpu.memref_slice %arg12[%add3A_234, %dma_wait3A_261] : memref<10240x32xf32, #tpu.memory_space<vmem_shared>> -> memref<128x32xf32, #tpu.memory_space<vmem_shared>>
      tpu.wait_dma2 semaphore(%run_scoped3A_239 : memref<!tpu.dma_semaphore, #tpu.memory_space<semaphore_mem>>) src(%dma_wait3A_262 : memref<128x32xf32, #tpu.memory_space<vmem_shared>>) dst(%dma_wait3A_260 : memref<128x32xf32, #tpu.memory_space<vmem>>)
      tpu.yield
    }) : () -> ()
    %add3A_236 = arith.constant 512 : i32
    %add3A_237 = arith.addi %mul3A_9, %add3A_236 : i32
    %run_scoped3A_238 = arith.constant 2 : i32
    "tpu.region"() ({
      %run_scoped3A_239 = tpu.sem_alloc : memref<!tpu.dma_semaphore, #tpu.memory_space<semaphore_mem>>
      %dma_start3A_240 = arith.constant 0 : i32
      %dma_start3A_241 = arith.constant 0 : i32
      %dma_start3A_242 = tpu.memref_slice %arg9[%run_scoped3A_238, %dma_start3A_240, %dma_start3A_241] : memref<4x256x32xf32, #tpu.memory_space<vmem>> -> memref<1x128x32xf32, #tpu.memory_space<vmem>>
      %dma_start3A_243 = tpu.memref_squeeze %dma_start3A_242 : memref<1x128x32xf32, #tpu.memory_space<vmem>> -> memref<128x32xf32, #tpu.memory_space<vmem>>
      %dma_start3A_244 = tpu.memref_slice %arg6[%add3A_237, %mul3A_0] : memref<10240x64xf32, #tpu.memory_space<hbm>> -> memref<128x32xf32, #tpu.memory_space<hbm>>
      %dma_start3A_245 = tpu.memref_slice %arg6[%add3A_237, %mul3A_0] : memref<10240x64xf32, #tpu.memory_space<hbm>> -> memref<128x32xf32, #tpu.memory_space<hbm>>
      %dma_start3A_246 = arith.constant 0 : i32
      %dma_start3A_247 = arith.constant 0 : i32
      %dma_start3A_248 = tpu.memref_slice %arg9[%run_scoped3A_238, %dma_start3A_246, %dma_start3A_247] : memref<4x256x32xf32, #tpu.memory_space<vmem>> -> memref<1x128x32xf32, #tpu.memory_space<vmem>>
      %dma_start3A_249 = tpu.memref_squeeze %dma_start3A_248 : memref<1x128x32xf32, #tpu.memory_space<vmem>> -> memref<128x32xf32, #tpu.memory_space<vmem>>
      tpu.enqueue_dma source(%dma_start3A_249 : memref<128x32xf32, #tpu.memory_space<vmem>>) target(%dma_start3A_245 : memref<128x32xf32, #tpu.memory_space<hbm>>) target_semaphore(%run_scoped3A_239 : memref<!tpu.dma_semaphore, #tpu.memory_space<semaphore_mem>>)
      %dma_wait3A = arith.constant 0 : i32
      %dma_wait3A_250 = arith.constant 0 : i32
      %dma_wait3A_251 = tpu.memref_slice %arg9[%run_scoped3A_238, %dma_wait3A, %dma_wait3A_250] : memref<4x256x32xf32, #tpu.memory_space<vmem>> -> memref<1x128x32xf32, #tpu.memory_space<vmem>>
      %dma_wait3A_252 = tpu.memref_squeeze %dma_wait3A_251 : memref<1x128x32xf32, #tpu.memory_space<vmem>> -> memref<128x32xf32, #tpu.memory_space<vmem>>
      %dma_wait3A_253 = tpu.memref_slice %arg6[%add3A_237, %mul3A_0] : memref<10240x64xf32, #tpu.memory_space<hbm>> -> memref<128x32xf32, #tpu.memory_space<hbm>>
      %dma_wait3A_254 = tpu.memref_slice %arg6[%add3A_237, %mul3A_0] : memref<10240x64xf32, #tpu.memory_space<hbm>> -> memref<128x32xf32, #tpu.memory_space<hbm>>
      %dma_wait3A_255 = arith.constant 0 : i32
      %dma_wait3A_256 = arith.constant 0 : i32
      %dma_wait3A_257 = tpu.memref_slice %arg9[%run_scoped3A_238, %dma_wait3A_255, %dma_wait3A_256] : memref<4x256x32xf32, #tpu.memory_space<vmem>> -> memref<1x128x32xf32, #tpu.memory_space<vmem>>
      %dma_wait3A_258 = tpu.memref_squeeze %dma_wait3A_257 : memref<1x128x32xf32, #tpu.memory_space<vmem>> -> memref<128x32xf32, #tpu.memory_space<vmem>>
      tpu.wait_dma2 semaphore(%run_scoped3A_239 : memref<!tpu.dma_semaphore, #tpu.memory_space<semaphore_mem>>) src(%dma_wait3A_258 : memref<128x32xf32, #tpu.memory_space<vmem>>) dst(%dma_wait3A_254 : memref<128x32xf32, #tpu.memory_space<hbm>>)
      tpu.yield
    }) : () -> ()
    return
  }
}

module attributes {stable_mosaic.version = 14 : i64} {
  func.func @_mm_body(%arg0: i32, %arg1: memref<1000x128xf32, #tpu.memory_space<vmem>>, %arg2: memref<128x64xf32, #tpu.memory_space<vmem>>, %arg3: memref<1000x64xf32, #tpu.memory_space<vmem>>) attributes {dimension_semantics = [#tpu.dimension_semantics<arbitrary>], iteration_bounds = array<i64: 10>, scalar_prefetch = 0 : i64, scratch_operands = 0 : i64, tpu.core_type = #tpu.core_type<tc>, window_params = [{transform_indices = @transform_0, window_bounds = array<i64: 1000, 128>}, {pipeline_mode = #tpu.pipeline_mode<synchronous>, transform_indices = @transform_1, window_bounds = array<i64: 128, 64>}, {transform_indices = @transform_2, window_bounds = array<i64: 1000, 64>}]} {
    %get3A = arith.constant 0 : index
    %get3A_0 = arith.constant 0 : index
    %get3A_1 = vector.load %arg1[%get3A, %get3A_0] : memref<1000x128xf32, #tpu.memory_space<vmem>>, vector<1000x128xf32>
    %get3A_2 = arith.constant 0 : index
    %get3A_3 = arith.constant 0 : index
    %get3A_4 = vector.load %arg2[%get3A_2, %get3A_3] : memref<128x64xf32, #tpu.memory_space<vmem>>, vector<128x64xf32>
    %dot_general3A = arith.constant dense<0.000000e+00> : vector<1000x64xf32>
    %dot_general3A_5 = tpu.matmul %get3A_1, %get3A_4, %dot_general3A {dimension_numbers = #tpu.dot_dimension_numbers<[1], [0], [0], [1], [0, 0, 1, 1], [], []>, transpose_lhs_hint = false} : vector<1000x128xf32>, vector<128x64xf32>, vector<1000x64xf32> -> vector<1000x64xf32>
    %swap3A = arith.constant 0 : index
    %swap3A_6 = arith.constant 0 : index
    %swap3A_7 = vector.load %arg3[%swap3A, %swap3A_6] : memref<1000x64xf32, #tpu.memory_space<vmem>>, vector<1000x64xf32>
    tpu.vector_store %arg3[%swap3A, %swap3A_6], %dot_general3A_5 {strides = array<i32>} : memref<1000x64xf32, #tpu.memory_space<vmem>>, vector<1000x64xf32>,
    return
  }
  func.func @transform_0(%arg0: i32) -> (i32, i32) {
    %c0_i32 = arith.constant 0 : i32
    %c0_i32_0 = arith.constant 0 : i32
    return %arg0, %c0_i32 : i32, i32
  }
  func.func @transform_1(%arg0: i32) -> (i32, i32) {
    %c0_i32 = arith.constant 0 : i32
    %c0_i32_0 = arith.constant 0 : i32
    %c0_i32_1 = arith.constant 0 : i32
    return %c0_i32, %c0_i32_0 : i32, i32
  }
  func.func @transform_2(%arg0: i32) -> (i32, i32) {
    %c0_i32 = arith.constant 0 : i32
    %c0_i32_0 = arith.constant 0 : i32
    return %arg0, %c0_i32 : i32, i32
  }
}

module attributes {stable_mosaic.version = 14 : i64} {
  func.func @_disk_body(%arg0: memref<10240x1xf32, #tpu.memory_space<vmem>>, %arg1: memref<10240x1xf32, #tpu.memory_space<vmem>>, %arg2: memref<10240x1xf32, #tpu.memory_space<vmem>>, %arg3: memref<10240x16xf32, #tpu.memory_space<vmem>>) attributes {dimension_semantics = [], scalar_prefetch = 0 : i64, scratch_operands = 0 : i64, tpu.core_type = #tpu.core_type<tc>} {
    %get3A = arith.constant 0 : index
    %get3A_0 = arith.constant 0 : index
    %get3A_1 = vector.load %arg0[%get3A, %get3A_0] : memref<10240x1xf32, #tpu.memory_space<vmem>>, vector<10240x1xf32>
    %get3A_2 = arith.constant 0 : index
    %get3A_3 = arith.constant 0 : index
    %get3A_4 = vector.load %arg1[%get3A_2, %get3A_3] : memref<10240x1xf32, #tpu.memory_space<vmem>>, vector<10240x1xf32>
    %add3A = arith.addf %get3A_1, %get3A_4 : vector<10240x1xf32>
    %add3A_5 = arith.constant 1.000000e+00 : f32
    %add3A_6 = vector.broadcast %add3A_5 : f32 to vector<10240x1xf32>
    %add3A_7 = arith.addf %add3A, %add3A_6 : vector<10240x1xf32>
    %rsqrt3A = math.rsqrt %add3A_7 : vector<10240x1xf32>
    %swap3A = arith.constant 0 : index
    %swap3A_8 = arith.constant 0 : index
    %swap3A_9 = vector.load %arg2[%swap3A, %swap3A_8] : memref<10240x1xf32, #tpu.memory_space<vmem>>, vector<10240x1xf32>
    tpu.vector_store %arg2[%swap3A, %swap3A_8], %rsqrt3A {strides = array<i32>} : memref<10240x1xf32, #tpu.memory_space<vmem>>, vector<10240x1xf32>,
    %broadcast_in_dim3A = vector.shape_cast %rsqrt3A : vector<10240x1xf32> to vector<10240x1xf32>
    %broadcast_in_dim3A_10 = vector.broadcast %broadcast_in_dim3A : vector<10240x1xf32> to vector<10240x16xf32>
    %swap3A_11 = arith.constant 0 : index
    %swap3A_12 = arith.constant 0 : index
    %swap3A_13 = vector.load %arg3[%swap3A_11, %swap3A_12] : memref<10240x16xf32, #tpu.memory_space<vmem>>, vector<10240x16xf32>
    tpu.vector_store %arg3[%swap3A_11, %swap3A_12], %broadcast_in_dim3A_10 {strides = array<i32>} : memref<10240x16xf32, #tpu.memory_space<vmem>>, vector<10240x16xf32>,
    return
  }
}

module attributes {stable_mosaic.version = 14 : i64} {
  func.func @_final_body(%arg0: i32, %arg1: memref<1000x64xf32, #tpu.memory_space<vmem>>, %arg2: memref<1000x1xf32, #tpu.memory_space<vmem>>, %arg3: memref<64x64xf32, #tpu.memory_space<vmem>>, %arg4: memref<1x64xf32, #tpu.memory_space<vmem>>, %arg5: memref<64x64xf32, #tpu.memory_space<vmem>>, %arg6: memref<1x64xf32, #tpu.memory_space<vmem>>, %arg7: memref<1000x64xf32, #tpu.memory_space<vmem>>, %arg8: memref<1000x64xf32, #tpu.memory_space<vmem>>) attributes {dimension_semantics = [#tpu.dimension_semantics<arbitrary>], iteration_bounds = array<i64: 10>, scalar_prefetch = 0 : i64, scratch_operands = 0 : i64, tpu.core_type = #tpu.core_type<tc>, window_params = [{transform_indices = @transform_0, window_bounds = array<i64: 1000, 64>}, {transform_indices = @transform_1, window_bounds = array<i64: 1000, 1>}, {pipeline_mode = #tpu.pipeline_mode<synchronous>, transform_indices = @transform_2, window_bounds = array<i64: 64, 64>}, {pipeline_mode = #tpu.pipeline_mode<synchronous>, transform_indices = @transform_3, window_bounds = array<i64: 1, 64>}, {pipeline_mode = #tpu.pipeline_mode<synchronous>, transform_indices = @transform_4, window_bounds = array<i64: 64, 64>}, {pipeline_mode = #tpu.pipeline_mode<synchronous>, transform_indices = @transform_5, window_bounds = array<i64: 1, 64>}, {transform_indices = @transform_6, window_bounds = array<i64: 1000, 64>}, {transform_indices = @transform_7, window_bounds = array<i64: 1000, 64>}]} {
    %get3A = arith.constant 0 : index
    %get3A_0 = arith.constant 0 : index
    %get3A_1 = vector.load %arg1[%get3A, %get3A_0] : memref<1000x64xf32, #tpu.memory_space<vmem>>, vector<1000x64xf32>
    %get3A_2 = arith.constant 0 : index
    %get3A_3 = arith.constant 0 : index
    %get3A_4 = vector.load %arg2[%get3A_2, %get3A_3] : memref<1000x1xf32, #tpu.memory_space<vmem>>, vector<1000x1xf32>
    %mul3A = vector.broadcast %get3A_4 : vector<1000x1xf32> to vector<1000x64xf32>
    %mul3A_5 = arith.mulf %get3A_1, %mul3A : vector<1000x64xf32>
    %get3A_6 = arith.constant 0 : index
    %get3A_7 = arith.constant 0 : index
    %get3A_8 = vector.load %arg3[%get3A_6, %get3A_7] : memref<64x64xf32, #tpu.memory_space<vmem>>, vector<64x64xf32>
    %dot_general3A = arith.constant dense<0.000000e+00> : vector<1000x64xf32>
    %dot_general3A_9 = tpu.matmul %mul3A_5, %get3A_8, %dot_general3A {dimension_numbers = #tpu.dot_dimension_numbers<[1], [0], [0], [1], [0, 0, 1, 1], [], []>, transpose_lhs_hint = false} : vector<1000x64xf32>, vector<64x64xf32>, vector<1000x64xf32> -> vector<1000x64xf32>
    %get3A_10 = arith.constant 0 : index
    %get3A_11 = arith.constant 0 : index
    %get3A_12 = vector.load %arg4[%get3A_10, %get3A_11] : memref<1x64xf32, #tpu.memory_space<vmem>>, vector<1x64xf32>
    %add3A = vector.broadcast %get3A_12 : vector<1x64xf32> to vector<1000x64xf32>
    %add3A_13 = arith.addf %dot_general3A_9, %add3A : vector<1000x64xf32>
    %swap3A = arith.constant 0 : index
    %swap3A_14 = arith.constant 0 : index
    %swap3A_15 = vector.load %arg7[%swap3A, %swap3A_14] : memref<1000x64xf32, #tpu.memory_space<vmem>>, vector<1000x64xf32>
    tpu.vector_store %arg7[%swap3A, %swap3A_14], %add3A_13 {strides = array<i32>} : memref<1000x64xf32, #tpu.memory_space<vmem>>, vector<1000x64xf32>,
    %get3A_16 = arith.constant 0 : index
    %get3A_17 = arith.constant 0 : index
    %get3A_18 = vector.load %arg5[%get3A_16, %get3A_17] : memref<64x64xf32, #tpu.memory_space<vmem>>, vector<64x64xf32>
    %dot_general3A_19 = arith.constant dense<0.000000e+00> : vector<1000x64xf32>
    %dot_general3A_20 = tpu.matmul %mul3A_5, %get3A_18, %dot_general3A_19 {dimension_numbers = #tpu.dot_dimension_numbers<[1], [0], [0], [1], [0, 0, 1, 1], [], []>, transpose_lhs_hint = false} : vector<1000x64xf32>, vector<64x64xf32>, vector<1000x64xf32> -> vector<1000x64xf32>
    %get3A_21 = arith.constant 0 : index
    %get3A_22 = arith.constant 0 : index
    %get3A_23 = vector.load %arg6[%get3A_21, %get3A_22] : memref<1x64xf32, #tpu.memory_space<vmem>>, vector<1x64xf32>
    %add3A_24 = vector.broadcast %get3A_23 : vector<1x64xf32> to vector<1000x64xf32>
    %add3A_25 = arith.addf %dot_general3A_20, %add3A_24 : vector<1000x64xf32>
    %swap3A_26 = arith.constant 0 : index
    %swap3A_27 = arith.constant 0 : index
    %swap3A_28 = vector.load %arg8[%swap3A_26, %swap3A_27] : memref<1000x64xf32, #tpu.memory_space<vmem>>, vector<1000x64xf32>
    tpu.vector_store %arg8[%swap3A_26, %swap3A_27], %add3A_25 {strides = array<i32>} : memref<1000x64xf32, #tpu.memory_space<vmem>>, vector<1000x64xf32>,
    return
  }
  func.func @transform_0(%arg0: i32) -> (i32, i32) {
    %c0_i32 = arith.constant 0 : i32
    %c0_i32_0 = arith.constant 0 : i32
    return %arg0, %c0_i32 : i32, i32
  }
  func.func @transform_1(%arg0: i32) -> (i32, i32) {
    %c0_i32 = arith.constant 0 : i32
    %c0_i32_0 = arith.constant 0 : i32
    return %arg0, %c0_i32 : i32, i32
  }
  func.func @transform_2(%arg0: i32) -> (i32, i32) {
    %c0_i32 = arith.constant 0 : i32
    %c0_i32_0 = arith.constant 0 : i32
    %c0_i32_1 = arith.constant 0 : i32
    return %c0_i32, %c0_i32_0 : i32, i32
  }
  func.func @transform_3(%arg0: i32) -> (i32, i32) {
    %c0_i32 = arith.constant 0 : i32
    %c0_i32_0 = arith.constant 0 : i32
    %c0_i32_1 = arith.constant 0 : i32
    return %c0_i32, %c0_i32_0 : i32, i32
  }
  func.func @transform_4(%arg0: i32) -> (i32, i32) {
    %c0_i32 = arith.constant 0 : i32
    %c0_i32_0 = arith.constant 0 : i32
    %c0_i32_1 = arith.constant 0 : i32
    return %c0_i32, %c0_i32_0 : i32, i32
  }
  func.func @transform_5(%arg0: i32) -> (i32, i32) {
    %c0_i32 = arith.constant 0 : i32
    %c0_i32_0 = arith.constant 0 : i32
    %c0_i32_1 = arith.constant 0 : i32
    return %c0_i32, %c0_i32_0 : i32, i32
  }
  func.func @transform_6(%arg0: i32) -> (i32, i32) {
    %c0_i32 = arith.constant 0 : i32
    %c0_i32_0 = arith.constant 0 : i32
    return %arg0, %c0_i32 : i32, i32
  }
  func.func @transform_7(%arg0: i32) -> (i32, i32) {
    %c0_i32 = arith.constant 0 : i32
    %c0_i32_0 = arith.constant 0 : i32
    return %arg0, %c0_i32 : i32, i32
  }
}

</mosaic_0001>

<sc_bundles>
// kernel: kernel.10.cloned.1.call-start
scs
__scs_entry_jumppad:
0x0: {  	(pc) =	sbr.rel $0x88, $3  }
0x1: {  	(tag) =	ssettag $0x0;
	lr =	simm.s32 $0x1  }
0x2: {  	[smem:$0x3F99] =	sst lr;
	_ =	strace $0xD0000000  }
0x3: {  	_ = 	snop  }
0x4: {  	_ = 	snop  }
0x5: {  	_ = 	snop  }
0x6: {  	_ = 	snop  }
0x7: {  	_ = 	snop  }
__scs_overlays_trampoline_lowered:
0x8: {  	[smem:$0x3FA8] =	sst s0  }
0x9: {  	[smem:$0x3FA9] =	sst s1  }
0xa: {  	[smem:$0x3FAA] =	sst s2  }
0xb: {  	[smem:$0x3FAB] =	sst s3  }
0xc: {  	[smem:$0x3FAC] =	sst s4  }
0xd: {  	[smem:$0x3FAD] =	sst s5  }
0xe: {  	[smem:$0x3FAE] =	sst s6  }
0xf: {  	[smem:$0x3FAF] =	sst s7  }
0x10: {  	[smem:$0x3FB0] =	sst s8  }
0x11: {  	[smem:$0x3FB1] =	sst s9;
	s0 =	simm.s32 @!p0 $0x0  }
0x12: {  	s1 =	sld [smem:$0x3F97];
	s0 =	simm.s32 @p0 $0x1  }
0x13: {  	[smem:$0x3FB2] =	sst s0;
	s0 =	simm.s32 @!p1 $0x0  }
0x14: {  	s2 =	sld [smem:$0x3F96];
	s0 =	simm.s32 @p1 $0x1  }
0x15: {  	[smem:$0x3FB3] =	sst s0;
	s0 =	simm.s32 @!p2 $0x0  }
0x16: {  	s3 =	sld [smem:$0x3FDB];
	s0 =	simm.s32 @p2 $0x1  }
0x17: {  	s4 =	simm.s32 $0x1BF5;
	[smem:$0x3FB5] =	sst s0  }
0x18: {  	s0 =	sld [smem:$0x3F98];
	_ =	swait.ge [sflag:s4], $0x0  }
0x19: {  	s7 =	sld [smem:$0x3F99]  }
0x1a: {  	s8 =	sadd.s32 $0xFFFFE003, lr  }
0x1b: {  	s9 =	sadd.s32 $0xFFFFFEF7, lr;
	s5 =	simm.s32 $0xFFFFFFFF;
	p2 =	slt.u32 s8, $0xFFFFF086  }
0x1c: {  	p1 =	slt.u32 s9, $0xF7A;
	s5 =	simm.s32 @!p2 $0x0  }
0x1d: {  	s5 =	simm.s32 @p1 $0x1;
	p0 =	seq.s32 s7, s2  }
0x1e: {  	s7 =	smul.u32 @!p0 $0xF7A, s2;
	p2 =	seq.s32 @!p0 s5, $0x0  }
0x1f: {  	s9 =	smul.u32 $0xF7A, s1;
	s8 =	simm.s32 @!p0 $0x1BF5;
	p2 =	por !p2, p0  }
0x20: {  	[sflag:s8] =	ssyncset.s32 @!p0 $0xFFFFF086;
	s6 =	sadd.s32 @!p0 s3, s7;
	s7 =	simm.s32 @!p0 $0x108  }
0x21: {  	s3 =	sadd.s32 s3, s9;
	s6 =	sadd.s32 @!p0 $0x88, s6;
	s7 =	simm.s32 @p2 $0x1082  }
0x22: {  	[simem:s7], [sflag:s8] =	dma.local @!p0 [hbm:s6], $0xF7A  }
0x23: {  	s9 =	sor.u32 $0xD0000000, s2;
	s6 =	simm.s32 $0x108;
	_ =	swait.ge @!p0 [sflag:s8], $0x0  }
0x24: {  	s3 =	sadd.s32 $0x88, s3;
	s6 =	simm.s32 @!p1 $0x1082;
	[sflag:s4] =	ssyncset.s32 $0xFFFFF086  }
0x25: {  	[simem:s6], [sflag:s4] =	dma.local [hbm:s3], $0xF7A  }
0x26: {  	[smem:$0x3F99] =	sst s1;
	(tag) =	ssettag s2;
	_ =	strace s9  }
0x27: {  	s1 =	sld [smem:$0x3FA9]  }
0x28: {  	s2 =	sld [smem:$0x3FAA]  }
0x29: {  	s4 =	sld [smem:$0x3FAC]  }
0x2a: {  	p0 =	seq.s32 s5, $0x0;
	s5 =	sld [smem:$0x3FAD]  }
0x2b: {  	s6 =	sld [smem:$0x3FAE]  }
0x2c: {  	s7 =	sld [smem:$0x3FAF]  }
0x2d: {  	s3 =	simm.s32 $0x108;
	s8 =	sld [smem:$0x3FB0]  }
0x2e: {  	s3 =	simm.s32 @!p0 $0x1082;
	s9 =	sld [smem:$0x3FB1]  }
0x2f: {  	lr =	sadd.s32 s0, s3;
	s0 =	sld [smem:$0x3FA8]  }
0x30: {  	s3 =	sld [smem:$0x3FAB]  }
0x31: {  	[smem:$0x3FB4] =	sst s10  }
0x32: {  	s10 =	sld [smem:$0x3FB2];
	_ =	sdelay $0x3  }
0x33: {  	p0 =	seq.s32 s10, $0x1;
	s10 =	sld [smem:$0x3FB4];
	_ =	sdelay $0x3  }
0x34: {  	[smem:$0x3FB4] =	sst s10  }
0x35: {  	s10 =	sld [smem:$0x3FB3];
	_ =	sdelay $0x3  }
0x36: {  	p1 =	seq.s32 s10, $0x1;
	s10 =	sld [smem:$0x3FB4];
	_ =	sdelay $0x3  }
0x37: {  	[smem:$0x3FB4] =	sst s10  }
0x38: {  	s10 =	sld [smem:$0x3FB5]  }
0x39: {  	_ = 	snop;
	(pc) =	sbr.ind lr, $3  }
0x3a: {  	_ = 	snop  }
0x3b: {  	_ = 	snop  }
0x3c: {  	p2 =	seq.s32 s10, $0x1;
	s10 =	sld [smem:$0x3FB4]  }
0x3d: {  	_ =	shalt  }
0x3e: {  	_ =	shalt  }
0x3f: {  	_ =	shalt  }
0x40: {  	_ =	shalt  }
0x41: {  	_ =	shalt  }
0x42: {  	_ =	shalt  }
0x43: {  	_ =	shalt  }
0x44: {  	_ =	shalt  }
0x45: {  	_ =	shalt  }
0x46: {  	_ =	shalt  }
0x47: {  	_ =	shalt  }
0x48: {  	_ =	shalt  }
0x49: {  	_ =	shalt  }
0x4a: {  	_ =	shalt  }
0x4b: {  	_ =	shalt  }
0x4c: {  	_ =	shalt  }
0x4d: {  	_ =	shalt  }
0x4e: {  	_ =	shalt  }
0x4f: {  	_ =	shalt  }
0x50: {  	_ =	shalt  }
0x51: {  	_ =	shalt  }
0x52: {  	_ =	shalt  }
0x53: {  	_ =	shalt  }
0x54: {  	_ =	shalt  }
0x55: {  	_ =	shalt  }
0x56: {  	_ =	shalt  }
0x57: {  	_ =	shalt  }
0x58: {  	_ =	shalt  }
0x59: {  	_ =	shalt  }
0x5a: {  	_ =	shalt  }
0x5b: {  	_ =	shalt  }
0x5c: {  	_ =	shalt  }
0x5d: {  	_ =	shalt  }
0x5e: {  	_ =	shalt  }
0x5f: {  	_ =	shalt  }
0x60: {  	_ =	shalt  }
0x61: {  	_ =	shalt  }
0x62: {  	_ =	shalt  }
0x63: {  	_ =	shalt  }
0x64: {  	_ =	shalt  }
0x65: {  	_ =	shalt  }
0x66: {  	_ =	shalt  }
0x67: {  	_ =	shalt  }
0x68: {  	_ =	shalt  }
0x69: {  	_ =	shalt  }
0x6a: {  	_ =	shalt  }
0x6b: {  	_ =	shalt  }
0x6c: {  	_ =	shalt  }
0x6d: {  	_ =	shalt  }
0x6e: {  	_ =	shalt  }
0x6f: {  	_ =	shalt  }
0x70: {  	_ =	shalt  }
0x71: {  	_ =	shalt  }
0x72: {  	_ =	shalt  }
0x73: {  	_ =	shalt  }
0x74: {  	_ =	shalt  }
0x75: {  	_ =	shalt  }
0x76: {  	_ =	shalt  }
0x77: {  	_ =	shalt  }
0x78: {  	_ =	shalt  }
0x79: {  	_ =	shalt  }
0x7a: {  	_ =	shalt  }
0x7b: {  	_ =	shalt  }
0x7c: {  	_ =	shalt  }
0x7d: {  	_ =	shalt  }
0x7e: {  	_ =	shalt  }
0x7f: {  	_ =	shalt  }
0x80: {  	_ =	shalt  }
0x81: {  	_ =	shalt  }
0x82: {  	_ =	shalt  }
0x83: {  	_ =	shalt  }
0x84: {  	_ =	shalt  }
0x85: {  	_ =	shalt  }
0x86: {  	_ =	shalt  }
0x87: {  	_ =	shalt  }
.Lfunc_end0:
.L_simem_size_0:
called_computation.1_lowered:
.L_overlay_start_0:
0x88: {  	s2 =	sld [smem:$0x3FD9]  }
0x89: {  	s3 =	sld [smem:$0x3FFE];
	_ =	sdelay $0x1  }
0x8a: {  	s1 =	srdreg.scid  }
0x8b: {  	s0 =	sand.u32 $0x1, s1  }
0x8c: {  	s14 =	sshll.u32 s0, $0xA;
	s2 =	sadd.s32 s3, s2  }
0x8d: {  	s2 =	sadd.s32 s2, s14  }
0x8e: {  	[smem:$0x3FC0] =	sst s2  }
0x8f: {  	_ = 	snop  }
0x90: {  	s2 =	sld [smem:$0x3FD0];
	_ =	sdelay $0x2  }
0x91: {  	s4 =	simm.s32 $0xA;
	s5 =	simm.s32 $0x10;
	s15 =	sld [smem:$0x3FC6]  }
0x92: {  	[smem:s5], [sflag:s4] =	dma.local [hbm:s2], $0x1  }
0x93: {  	_ =	swait.eq [sflag:s4], $0x1  }
0x94: {  	[sflag:s4] =	ssyncset.done $0x0  }
0x95: {  	s16 =	sld [smem:$0x10];
	[sflag:s4] =	ssyncadd.s32 $0xFFFFFFFF  }
0x96: {  	s17 =	sld [smem:$0x11];
	(tm) =	ssettm $0x1  }
0x97: {  	s18 =	sld [smem:$0x3FFB];
	_ =	sdelay $0x3  }
0x98: {  	_ =	strace s18  }
0x99: {  	s5 =	sld [smem:$0x3FFC];
	_ =	sdelay $0x3  }
0x9a: {  	_ =	strace s5  }
0x9b: {  	s5 =	sld [smem:$0x3FFD];
	_ =	sdelay $0x3  }
0x9c: {  	_ =	strace s5  }
0x9d: {  	_ =	strace $0x8FFFFFFF  }
0x9e: {  	s19 =	sld [smem:$0x3FDB];
	_ =	sdelay $0x1  }
0x9f: {  	s6 =	simm.s32 $_scs_section_size  }
0xa0: {  	s7 =	simm.s32 $_size__tile_overlayer_lowered;
	s8 =	simm.s32 $_tile_overlayer_lowered  }
0xa1: {  	s22 =	simm.s32 $0x1BFF;
	s21 =	sshll.u32 s8, $0x1;
	s5 =	sadd.s32 s6, s19  }
0xa2: {  	s9 =	simm.s32 $0x0;
	s20 =	sshll.u32 s7, $0x1;
	s7 =	sadd.s32 s21, s5  }
0xa3: {  	[timem:s9], [sflag:s22] =	dma.local [hbm:s7], s20  }
0xa4: {  	_ =	swait.ge [sflag:s22], s20  }
0xa5: {  	s6 =	ssub.s32 $0x0, s20;
	[sflag:s22] =	ssyncset.done $0x0  }
0xa6: {  	[sflag:s22] =	ssyncadd.s32 s6;
	_ =	sdelay $0x1  }
0xa7: {  	s23 =	simm.s32 $0x1B8B  }
0xa8: {  	_ =	swait.ge [sflag:s23], $0x1  }
0xa9: {  	[sflag:s23] =	ssyncset.done $0x0  }
0xaa: {  	s25 =	simm.s32 $0x1B8E;
	s24 =	sld [smem:$0x3FFE];
	[sflag:s23] =	ssyncadd.s32 $0xFFFFFFFF  }
0xab: {  	s26 =	simm.s32 $execute0_lowered;
	[smem:$0x3FD2] =	sst s25  }
0xac: {  	s7 =	sshll.u32 s26, $0x1;
	_ =	strace $0x80000049;
	[dreg:$0x1] =	wrdreg $0xFFFFFFFF  }
0xad: {  	s28 =	simm.s32 $_size_execute0_lowered;
	s5 =	sadd.s32 s5, s7;
	[dreg:$0x0] =	wrdreg $0x0  }
0xae: {  	s7 =	sshll.u32 s28, $0x1;
	[dreg:$0x2] =	wrdreg s5  }
0xaf: {  	[dreg:$0x3] =	wrdreg s7  }
0xb0: {  	[dreg:$0x4] =	wrdreg $0xC0  }
0xb1: {  	_ =	task [dreg:s9], $0x5FFFF  }
0xb2: {  	[dreg:$0x1] =	wrdreg $0xFFFFFFFF  }
0xb3: {  	[dreg:$0x0] =	wrdreg $0x60  }
0xb4: {  	[dreg:$0x2] =	wrdreg s24  }
0xb5: {  	[dreg:$0x3] =	wrdreg s16  }
0xb6: {  	[dreg:$0x4] =	wrdreg s17  }
0xb7: {  	[dreg:$0x5] =	wrdreg s15  }
0xb8: {  	[dreg:$0x6] =	wrdreg $0x196200  }
0xb9: {  	[dreg:$0x7] =	wrdreg $0x146200  }
0xba: {  	[dreg:$0x8] =	wrdreg $0x9  }
0xbb: {  	_ =	task.clear_ibuf [dreg:s9], $0x9FFFF;
	_ =	strace $0x90000049  }
0xbc: {  	s29 =	simm.s32 $0x9;
	_ =	strace $0x8000004B  }
0xbd: {  	_ =	swait.ge [sflag:s29], $0x1  }
0xbe: {  	[sflag:s29] =	ssyncadd.s32 $0xFFFFFFFF  }
0xbf: {  	_ =	strace $0x9000004B  }
0xc0: {  	_ =	sfence  }
0xc1: {  	s30 =	sld [smem:$0x0];
	_ =	sdelay $0x2  }
0xc2: {  	s31 =	sshll.u32 s1, $0xD;
	s1 =	sshrl.u32 s1, $0x2  }
0xc3: {  	s3 =	sand.u32 $0x4000, s31;
	s1 =	sadd.s32 s1, s30  }
0xc4: {  	s0 =	sor.u32 s3, s0;
	s1 =	sshll.u32 s1, $0x11  }
0xc5: {  	s0 =	sor.u32 s1, s0  }
0xc6: {  	s0 =	sadd.s32 $0x8F2B, s0  }
0xc7: {  	[sflag:s0] =	ssyncadd.remote.s32 $0x1  }
0xc8: {  	_ =	sfence.sel $0xFFFF  }
0xc9: {  	[dreg:$0x0] =	wrdreg $0xFFFFFFFF;
	(pc) =	sbr.abs _section_cstart, $3  }
0xca: {  	[dreg:$0x1] =	wrdreg $0xFFFFFFFF  }
0xcb: {  	_ =	task.clear_ibuf [dreg:s9], $0x2FFFF;
	_ =	strace $0x9FFFFFFF  }
0xcc: {  	(tm) =	ssettm $0x7FFFFFFF  }
0xcd: {  	_ =	shalt  }
tec
execute0_lowered:
.L_overlay_start_1:
0x0: {  	(tag) =	ssettag $0x1  }
0x1: {  	s0 =	rddreg [dreg:$0x0]  }
0x2: {  	s3 =	rddreg [dreg:$0x1]  }
0x3: {  	s6 =	rddreg [dreg:$0x2]  }
0x4: {  	s7 =	rddreg [dreg:$0x3]  }
0x5: {  	s1 =	rddreg [dreg:$0x4]  }
0x6: {  	s2 =	rddreg [dreg:$0x5];
	s4 =	simm.s32 $0x0;
	s18 =	stileid.u32  }
0x7: {  	s5 =	srdreg.scid;
	s30 =	simm.s32 $0x20;
	s9 =	smul.u32 $0x4E, s18  }
0x8: {  	s31 =	simm.s32 $0x40;
	s28 =	simm.s32 $0x100;
	s26 =	smul.u32 $0x280, s18  }
0x9: {  	[smem:$0x7FF] =	sst s4;
	s8 =	sand.u32 $0x1, s5;
	s29 =	smul.u32 $0x500, s18  }
0xa: {  	s10 =	sadd.s32 $0x2000, s0;
	s12 =	smin.u32 s18, $0x2;
	s16 =	smul.u32 $0xA000, s18  }
0xb: {  	s0 =	sadd.s32 $0x16000, s0;
	p0 =	slt.u32 s18, $0x2;
	s21 =	smul.u32 $0x5000, s18  }
0xc: {  	_ =	strace $0x8000004A;
	s5 =	ssub.s32 $0x2, s8;
	s15 =	sshll.u32 s8, $0x5  }
0xd: {  	s19 =	sshll.u32 s8, $0x2;
	s11 =	sshrl.u32 s5, $0x1;
	s25 =	sadd.s32 s12, s9  }
0xe: {  	s3 =	sadd.s32 s3, s29;
	s20 =	sor.u32 s15, s16;
	s16 =	sadd.s32 $0x100, s26  }
0xf: {  	s24 =	sadd.s32 $0x200, s26;
	s11 =	ssub.s32 s5, s11;
	s12 =	sshll.u32 s25, $0x5  }
0x10: {  	s5 =	simm.s32 $0x4F;
	[dreg:$0xa] =	wrdreg s3;
	s8 =	sshrl.u32 s20, $0x3  }
0x11: {  	s3 =	sadd.s32 s7, s19;
	s23 =	sshll.u32 s16, $0x6;
	s9 =	sshll.u32 s24, $0x6  }
0x12: {  	s26 =	sshll.u32 s16, $0x5;
	s7 =	sshll.u32 s24, $0x5;
	s6 =	sadd.s32 s6, s12  }
0x13: {  	s5 =	simm.s32 @!p0 $0x4E;
	[dreg:$0xb] =	wrdreg s3;
	s22 =	sadd.s32 s10, s8  }
0x14: {  	s3 =	sor.u32 s15, s23;
	s9 =	sor.u32 s15, s9;
	s16 =	sadd.s32 s26, s1  }
0x15: {  	s19 =	sadd.s32 s7, s1;
	s20 =	sadd.s32 s7, s2;
	s29 =	sadd.s32 s0, s8  }
0x16: {  	s24 =	smax.u32 s11, $0x1;
	p0 =	sgt.u32 s18, $0x1;
	s8 =	simm.s32 $0xFE00  }
0x17: {  	s11 =	simm.s32 $0x9B00;
	s12 =	simm.s32 $0x9C00;
	[dreg:$0xc] =	wrdreg s22  }
0x18: {  	s15 =	simm.s32 $0x0;
	s13 =	sadd.s32 $0x9C40, s6;
	[dreg:$0xf] =	wrdreg s29  }
0x19: {  	s14 =	sadd.s32 $0x9C0, s6;
	s17 =	sadd.s32 $0xA600, s6;
	[dreg:$0x7] =	wrdreg s13  }
0x1a: {  	s3 =	sshrl.u32 s3, $0x3;
	s9 =	sshrl.u32 s9, $0x3;
	[dreg:$0x8] =	wrdreg s14  }
0x1b: {  	[dreg:$0x9] =	wrdreg s17;
	s13 =	sadd.s32 s21, s1;
	s25 =	sadd.s32 s10, s3  }
0x1c: {  	s14 =	sadd.s32 s21, s2;
	s10 =	sadd.s32 s10, s9;
	[dreg:$0xd] =	wrdreg s25  }
0x1d: {  	s17 =	sadd.s32 s26, s2;
	s3 =	sadd.s32 s0, s3;
	[dreg:$0xe] =	wrdreg s10  }
0x1e: {  	s0 =	sadd.s32 s0, s9;
	s26 =	simm.s32 $0xDE00;
	[dreg:$0x10] =	wrdreg s3  }
0x1f: {  	s9 =	simm.s32 $0x1;
	[dreg:$0x11] =	wrdreg s0;
	s25 =	simm.s32 $0x3  }
0x20: {  	s0 =	simm.s32 $0x9E00;
	s3 =	simm.s32 $0xBE00;
	s10 =	simm.s32 $0x2  }
.LBB2_1:
0x21: {  	[tilespmem:s4], [sflag:$0x3] =	stream.linear.gather [hbm4b:s6+s4], $0x4E00, $0x38;
	[tilespmem:$0x1E620] =	vst v63  }
0x22: {  	_ =	swait.ge [sflag:s25], $0x4E00  }
0x23: {  	[sflag:s25] =	ssyncset.done $0x0  }
0x24: {  	s18 =	simm.s32 $0x4F00;
	s7 =	rddreg [dreg:$0x7];
	[sflag:s25] =	ssyncadd.s32 $0xFFFFB200  }
0x25: {  	[tilespmem:s18], [sflag:$0x3] =	stream.linear.gather [hbm4b:s7+s4], $0x4E00, $0x38;
	[tilespmem:$0x1E620] =	vst v63  }
0x26: {  	_ =	swait.ge [sflag:s25], $0x4E00  }
0x27: {  	s21 =	simm.s32 @!p0 $0x4E00;
	[sflag:s25] =	ssyncset.done $0x0  }
0x28: {  	s18 =	simm.s32 @!p0 $0x0;
	s7 =	rddreg [dreg:$0x8];
	[sflag:s25] =	ssyncadd.s32 $0xFFFFB200  }
0x29: {  	[tilespmem:s21], [sflag:$0x3] =	stream.linear.gather @!p0 [hbm4b:s7+s18], $0x100, $0x38;
	[tilespmem:$0x1E620] =	vst v63  }
0x2a: {  	s21 =	simm.s32 @!p0 $0x3  }
0x2b: {  	_ =	swait.ge @!p0 [sflag:s21], $0x100  }
0x2c: {  	[sflag:s21] =	ssyncset.done @!p0 $0x0  }
0x2d: {  	s22 =	simm.s32 @!p0 $0x9D00;
	s7 =	rddreg [dreg:$0x9];
	[sflag:s21] =	ssyncadd.s32 @!p0 $0xFFFFFF00  }
0x2e: {  	[tilespmem:s22], [sflag:$0x3] =	stream.linear.gather @!p0 [hbm4b:s7+s18], $0x100, $0x38;
	[tilespmem:$0x1E620] =	vst v63  }
0x2f: {  	_ =	swait.ge @!p0 [sflag:s21], $0x100  }
0x30: {  	[sflag:s21] =	ssyncset.done @!p0 $0x0  }
0x31: {  	s29 =	simm.s32 $0x11E00;
	s23 =	rddreg [dreg:$0xa];
	[sflag:s21] =	ssyncadd.s32 @!p0 $0xFFFFFF00  }
0x32: {  	[tilespmem:s29], [sflag:$0x3] =	stream.linear.gather [hbm4b:s23+s4], $0x2800, $0x38;
	[tilespmem:$0x1E620] =	vst v63  }
0x33: {  	_ =	swait.ge [sflag:s25], $0x2800  }
0x34: {  	[sflag:s25] =	ssyncset.done $0x0  }
0x35: {  	s22 =	simm.s32 $0x14600;
	s21 =	rddreg [dreg:$0xb];
	[sflag:s25] =	ssyncadd.s32 $0xFFFFD800  }
0x36: {  	[tilespmem:s22], [sflag:$0x3] =	stream.linear.gather [hbm4b:s21+s4], $0x20, $0x38;
	[tilespmem:$0x1E620] =	vst v63  }
0x37: {  	_ =	swait.ge [sflag:s25], $0x20  }
0x38: {  	[sflag:s25] =	ssyncset.done $0x0  }
0x39: {  	s23 =	rddreg [dreg:$0xc];
	[sflag:s25] =	ssyncadd.s32 $0xFFFFFFE0  }
0x3a: {  	[tilespmem:s0], [sflag:$0x3] =	stream.strided.gather [hbm4b:s23+s30], $0x2000, s31, s30, $0x38;
	[tilespmem:$0x1E620] =	vst v63  }
0x3b: {  	_ =	swait.ge [sflag:s25], $0x2000  }
0x3c: {  	[sflag:s25] =	ssyncset.done $0x0  }
0x3d: {  	s18 =	simm.s32 $0x9E10;
	[sflag:s25] =	ssyncadd.s32 $0xFFFFE000  }
0x3e: {  	s29 =	simm.s32 $0x0;
	v0 =	vld [tilespmem:s18+$0xFFFFFFF0]  }
0x3f: {  	v2 =	vld [tilespmem:s29+$0x11E00]  }
0x40: {  	v3 =	vld [tilespmem:s18+$0x0];
	_ =	sdelay $0x4  }
0x41: {  	s21 =	simm.s32 $0x40;
	s22 =	simm.s32 $0x9E10;
	v1 =	vmul.f32 v0, v2;
	v0 =	vmul.f32 v3, v2  }
.LBB2_2:
0x42: {  	p1 =	sne.s32 s21, $0x3FC0  }
0x43: {  	[tilespmem:s18+$0xFFFFFFF0] =	vst v1;
	s22 =	sadd.s32 $0x20, s22;
	s23 =	smov.u32 s21;
	s21 =	sadd.s32 $0x40, s21  }
0x44: {  	s23 =	sshra.s32 s23, $0x2;
	v1 =	vld [tilespmem:s22+$0xFFFFFFF0];
	[tilespmem:s18+$0x0] =	vst v0;
	s18 =	smov.u32 s22  }
0x45: {  	v0 =	vld [tilespmem:s23+$0x11E00]  }
0x46: {  	v2 =	vld [tilespmem:s22+$0x0]  }
.Ltmp0:
0x47: {  	(pc) =	sbr.rel @p1 .LBB2_2-.Ltmp0, $3  }
0x48: {  	_ =	sdelay $0x1  }
0x49: {  	v1 =	vmul.f32 v1, v0  }
0x4a: {  	v0 =	vmul.f32 v2, v0  }
0x4b: {  	[tilespmem:s18+$0xFFFFFFF0] =	vst v1  }
0x4c: {  	[tilespmem:s18+$0x0] =	vst v0  }
0x4d: {  	[spmem:s13] =	stream.linear.scatter [tilespmem:s0], [sflag:$0x3], $0x2000, $0x38;
	[tilespmem:$0x1E620] =	vst v63  }
0x4e: {  	_ =	swait.ge [sflag:s25], $0x2000  }
0x4f: {  	[sflag:s25] =	ssyncset.done $0x0  }
0x50: {  	[sflag:s25] =	ssyncadd.s32 $0xFFFFE000  }
0x51: {  	[spmem:s14] =	stream.linear.scatter [tilespmem:s0], [sflag:$0x3], $0x2000, $0x38;
	[tilespmem:$0x1E620] =	vst v63  }
0x52: {  	_ =	swait.ge [sflag:s25], $0x2000  }
0x53: {  	[sflag:s25] =	ssyncset.done $0x0  }
0x54: {  	s7 =	rddreg [dreg:$0xd];
	[sflag:s25] =	ssyncadd.s32 $0xFFFFE000  }
0x55: {  	[tilespmem:s3], [sflag:$0x3] =	stream.strided.gather [hbm4b:s7+s30], $0x2000, s31, s30, $0x38;
	[tilespmem:$0x1E620] =	vst v63  }
0x56: {  	_ =	swait.ge [sflag:s25], $0x2000  }
0x57: {  	[sflag:s25] =	ssyncset.done $0x0  }
0x58: {  	s18 =	simm.s32 $0xBE10;
	[sflag:s25] =	ssyncadd.s32 $0xFFFFE000  }
0x59: {  	s21 =	simm.s32 $0x0;
	v0 =	vld [tilespmem:s18+$0xFFFFFFF0]  }
0x5a: {  	v2 =	vld [tilespmem:s21+$0x12E00]  }
0x5b: {  	v3 =	vld [tilespmem:s18+$0x0];
	_ =	sdelay $0x4  }
0x5c: {  	s22 =	simm.s32 $0xBE10;
	s21 =	simm.s32 $0x40;
	v1 =	vmul.f32 v0, v2;
	v0 =	vmul.f32 v3, v2  }
.LBB2_4:
0x5d: {  	p1 =	sne.s32 s21, $0x3FC0  }
0x5e: {  	[tilespmem:s18+$0xFFFFFFF0] =	vst v1;
	s22 =	sadd.s32 $0x20, s22;
	s23 =	smov.u32 s21;
	s21 =	sadd.s32 $0x40, s21  }
0x5f: {  	s23 =	sshra.s32 s23, $0x2;
	v1 =	vld [tilespmem:s22+$0xFFFFFFF0];
	[tilespmem:s18+$0x0] =	vst v0;
	s18 =	smov.u32 s22  }
0x60: {  	v0 =	vld [tilespmem:s23+$0x12E00]  }
0x61: {  	v2 =	vld [tilespmem:s22+$0x0]  }
.Ltmp1:
0x62: {  	(pc) =	sbr.rel @p1 .LBB2_4-.Ltmp1, $3  }
0x63: {  	_ =	sdelay $0x1  }
0x64: {  	v1 =	vmul.f32 v1, v0  }
0x65: {  	v0 =	vmul.f32 v2, v0  }
0x66: {  	[tilespmem:s18+$0xFFFFFFF0] =	vst v1  }
0x67: {  	[tilespmem:s18+$0x0] =	vst v0  }
0x68: {  	[spmem:s16] =	stream.linear.scatter [tilespmem:s3], [sflag:$0x3], $0x2000, $0x38;
	[tilespmem:$0x1E620] =	vst v63  }
0x69: {  	_ =	swait.ge [sflag:s25], $0x2000  }
0x6a: {  	[sflag:s25] =	ssyncset.done $0x0  }
0x6b: {  	[sflag:s25] =	ssyncadd.s32 $0xFFFFE000  }
0x6c: {  	[spmem:s17] =	stream.linear.scatter [tilespmem:s3], [sflag:$0x3], $0x2000, $0x38;
	[tilespmem:$0x1E620] =	vst v63  }
0x6d: {  	_ =	swait.ge [sflag:s25], $0x2000  }
0x6e: {  	[sflag:s25] =	ssyncset.done $0x0  }
0x6f: {  	s18 =	simm.s32 $0xDE00;
	s7 =	rddreg [dreg:$0xe];
	[sflag:s25] =	ssyncadd.s32 $0xFFFFE000  }
0x70: {  	[tilespmem:s18], [sflag:$0x3] =	stream.strided.gather [hbm4b:s7+s30], $0x1000, s31, s30, $0x38;
	[tilespmem:$0x1E620] =	vst v63  }
0x71: {  	_ =	swait.ge [sflag:s25], $0x1000  }
0x72: {  	[sflag:s25] =	ssyncset.done $0x0  }
0x73: {  	[sflag:s25] =	ssyncadd.s32 $0xFFFFF000  }
0x74: {  	s21 =	simm.s32 $0x0;
	v0 =	vld [tilespmem:s18+$0x0]  }
0x75: {  	v2 =	vld [tilespmem:s21+$0x13E00]  }
0x76: {  	v3 =	vld [tilespmem:s18+$0x10];
	_ =	sdelay $0x4  }
0x77: {  	s22 =	simm.s32 $0xDE00;
	s21 =	simm.s32 $0x40;
	v1 =	vmul.f32 v0, v2;
	v0 =	vmul.f32 v3, v2  }
.LBB2_6:
0x78: {  	p1 =	sne.s32 s21, $0x1FC0  }
0x79: {  	[tilespmem:s18+$0x0] =	vst v1;
	s22 =	sadd.s32 $0x20, s22;
	s23 =	smov.u32 s21;
	s21 =	sadd.s32 $0x40, s21  }
0x7a: {  	s23 =	sshra.s32 s23, $0x2;
	v1 =	vld [tilespmem:s22+$0x0];
	[tilespmem:s18+$0x10] =	vst v0;
	s18 =	smov.u32 s22  }
0x7b: {  	v0 =	vld [tilespmem:s23+$0x13E00]  }
0x7c: {  	v2 =	vld [tilespmem:s22+$0x10]  }
.Ltmp2:
0x7d: {  	(pc) =	sbr.rel @p1 .LBB2_6-.Ltmp2, $3  }
0x7e: {  	_ =	sdelay $0x1  }
0x7f: {  	v1 =	vmul.f32 v1, v0  }
0x80: {  	v0 =	vmul.f32 v2, v0  }
0x81: {  	[tilespmem:s18+$0x0] =	vst v1  }
0x82: {  	[tilespmem:s18+$0x10] =	vst v0  }
0x83: {  	[spmem:s19] =	stream.linear.scatter [tilespmem:s26], [sflag:$0x3], $0x1000, $0x38;
	[tilespmem:$0x1E620] =	vst v63  }
0x84: {  	_ =	swait.ge [sflag:s25], $0x1000  }
0x85: {  	[sflag:s25] =	ssyncset.done $0x0  }
0x86: {  	[sflag:s25] =	ssyncadd.s32 $0xFFFFF000  }
0x87: {  	[spmem:s20] =	stream.linear.scatter [tilespmem:s26], [sflag:$0x3], $0x1000, $0x38;
	[tilespmem:$0x1E620] =	vst v63  }
0x88: {  	_ =	swait.ge [sflag:s25], $0x1000  }
0x89: {  	[sflag:s25] =	ssyncset.done $0x0  }
0x8a: {  	[sflag:s25] =	ssyncadd.s32 $0xFFFFF000  }
0x8b: {  	s7 =	simm.s32 $0x0;
	[bflag:$0x0] =	sbarrier.arrive $0xFFFF  }
0x8c: {  	[tilespmem:s0], [sflag:$0x1] =	stream.indirect.gather [spmem:s1], $0x20, s7, s28, $0xb8;
	[tilespmem:$0x1E620] =	vst v63  }
0x8d: {  	_ = 	snop  }
0x8e: {  	[tilespmem:s3], [sflag:$0x1] =	stream.indirect.gather [spmem:s1], $0x20, s28, s28, $0xb8;
	[tilespmem:$0x1E620] =	vst v63  }
0x8f: {  	s7 =	simm.s32 $0x200  }
0x90: {  	[tilespmem:s26], [sflag:$0x1] =	stream.indirect.gather [spmem:s1], $0x20, s7, s28, $0xb8;
	[tilespmem:$0x1E620] =	vst v63  }
0x91: {  	s21 =	simm.s32 $0x300  }
0x92: {  	[tilespmem:s8], [sflag:$0x1] =	stream.indirect.gather [spmem:s1], $0x20, s21, s28, $0xb8;
	[tilespmem:$0x1E620] =	vst v63  }
0x93: {  	_ =	swait.ge [sflag:s9], $0x2000  }
0x94: {  	[sflag:s9] =	ssyncset.done $0x0  }
0x95: {  	s22 =	simm.s32 $0x4F00;
	[sflag:s9] =	ssyncadd.s32 $0xFFFFE000  }
0x96: {  	[spmem:s2] =	stream.indirect.scatter.add.f32 [tilespmem:s0], [sflag:$0x2], $0x20, s22, s28, $0xb8;
	[tilespmem:$0x1E620] =	vst v63  }
0x97: {  	_ =	swait.ge [sflag:s9], $0x2000  }
0x98: {  	[sflag:s9] =	ssyncset.done $0x0  }
0x99: {  	s23 =	simm.s32 $0x5000;
	[sflag:s9] =	ssyncadd.s32 $0xFFFFE000  }
0x9a: {  	[spmem:s2] =	stream.indirect.scatter.add.f32 [tilespmem:s3], [sflag:$0x2], $0x20, s23, s28, $0xb8;
	[tilespmem:$0x1E620] =	vst v63  }
0x9b: {  	_ =	swait.ge [sflag:s9], $0x2000  }
0x9c: {  	[sflag:s9] =	ssyncset.done $0x0  }
0x9d: {  	s7 =	simm.s32 $0x5100;
	[sflag:s9] =	ssyncadd.s32 $0xFFFFE000  }
0x9e: {  	[spmem:s2] =	stream.indirect.scatter.add.f32 [tilespmem:s26], [sflag:$0x2], $0x20, s7, s28, $0xb8;
	[tilespmem:$0x1E620] =	vst v63  }
0x9f: {  	_ =	swait.ge [sflag:s9], $0x2000  }
0xa0: {  	[sflag:s9] =	ssyncset.done $0x0  }
0xa1: {  	s21 =	simm.s32 $0x5200;
	[sflag:s9] =	ssyncadd.s32 $0xFFFFE000  }
0xa2: {  	[spmem:s2] =	stream.indirect.scatter.add.f32 [tilespmem:s8], [sflag:$0x2], $0x20, s21, s28, $0xb8;
	[tilespmem:$0x1E620] =	vst v63  }
0xa3: {  	_ =	swait.ge [sflag:s10], $0x2000  }
0xa4: {  	[sflag:s10] =	ssyncset.done $0x0  }
0xa5: {  	s22 =	simm.s32 $0x400;
	[sflag:s10] =	ssyncadd.s32 $0xFFFFE000  }
0xa6: {  	[tilespmem:s0], [sflag:$0x1] =	stream.indirect.gather [spmem:s1], $0x20, s22, s28, $0xb8;
	[tilespmem:$0x1E620] =	vst v63  }
0xa7: {  	_ =	swait.ge [sflag:s10], $0x2000  }
0xa8: {  	[sflag:s10] =	ssyncset.done $0x0  }
0xa9: {  	s23 =	simm.s32 $0x500;
	[sflag:s10] =	ssyncadd.s32 $0xFFFFE000  }
0xaa: {  	[tilespmem:s3], [sflag:$0x1] =	stream.indirect.gather [spmem:s1], $0x20, s23, s28, $0xb8;
	[tilespmem:$0x1E620] =	vst v63  }
0xab: {  	p1 =	sle.u32 s5, $0x6;
	_ =	swait.ge [sflag:s10], $0x2000  }
0xac: {  	p2 =	sle.u32 s5, $0x7;
	s18 =	simm.s32 @!p1 $0xDE00;
	[sflag:s10] =	ssyncset.done $0x0  }
0xad: {  	s21 =	simm.s32 @!p1 $0x600;
	s22 =	simm.s32 @!p1 $0x100;
	[sflag:s10] =	ssyncadd.s32 $0xFFFFE000  }
0xae: {  	[tilespmem:s18], [sflag:$0x1] =	stream.indirect.gather @!p1 [spmem:s1], $0x20, s21, s22, $0xb8;
	[tilespmem:$0x1E620] =	vst v63  }
0xaf: {  	s29 =	simm.s32 @!p2 $0x700;
	_ =	swait.ge [sflag:s10], $0x2000  }
0xb0: {  	s23 =	simm.s32 @!p2 $0x100;
	s18 =	simm.s32 $0x1000;
	[sflag:s10] =	ssyncset.done $0x0  }
0xb1: {  	s21 =	simm.s32 $0xB;
	s22 =	simm.s32 @!p2 $0xFE00;
	[sflag:s10] =	ssyncadd.s32 $0xFFFFE000  }
.LBB2_8:
0xb2: {  	[tilespmem:s22], [sflag:$0x1] =	stream.indirect.gather @!p2 [spmem:s1], $0x20, s29, s23, $0xb8;
	[tilespmem:$0x1E620] =	vst v63  }
0xb3: {  	s22 =	smov.u32 s18;
	s18 =	sadd.s32 $0x1000, s18  }
0xb4: {  	p1 =	sne.s32 s18, $0x13000;
	_ =	swait.ge [sflag:s9], $0x2000  }
0xb5: {  	s23 =	sshra.s32 s22, $0x2;
	[sflag:s9] =	ssyncset.done $0x0  }
0xb6: {  	s29 =	sadd.s32 $0x4F00, s23;
	[sflag:s9] =	ssyncadd.s32 $0xFFFFE000  }
0xb7: {  	[spmem:s2] =	stream.indirect.scatter.add.f32 [tilespmem:s0], [sflag:$0x2], $0x20, s29, s28, $0xb8;
	[tilespmem:$0x1E620] =	vst v63  }
0xb8: {  	_ =	swait.ge [sflag:s9], $0x2000  }
0xb9: {  	[sflag:s9] =	ssyncset.done $0x0  }
0xba: {  	s29 =	sadd.s32 $0x5000, s23;
	[sflag:s9] =	ssyncadd.s32 $0xFFFFE000  }
0xbb: {  	[spmem:s2] =	stream.indirect.scatter.add.f32 [tilespmem:s3], [sflag:$0x2], $0x20, s29, s28, $0xb8;
	[tilespmem:$0x1E620] =	vst v63  }
0xbc: {  	_ =	swait.ge [sflag:s9], $0x2000  }
0xbd: {  	[sflag:s9] =	ssyncset.done $0x0  }
0xbe: {  	s29 =	sadd.s32 $0x5100, s23;
	[sflag:s9] =	ssyncadd.s32 $0xFFFFE000  }
0xbf: {  	[spmem:s2] =	stream.indirect.scatter.add.f32 [tilespmem:s26], [sflag:$0x2], $0x20, s29, s28, $0xb8;
	[tilespmem:$0x1E620] =	vst v63  }
0xc0: {  	_ =	swait.ge [sflag:s9], $0x2000  }
0xc1: {  	[sflag:s9] =	ssyncset.done $0x0  }
0xc2: {  	s29 =	sadd.s32 $0x5200, s23;
	[sflag:s9] =	ssyncadd.s32 $0xFFFFE000  }
0xc3: {  	[spmem:s2] =	stream.indirect.scatter.add.f32 [tilespmem:s8], [sflag:$0x2], $0x20, s29, s28, $0xb8;
	[tilespmem:$0x1E620] =	vst v63  }
0xc4: {  	_ =	swait.ge [sflag:s10], $0x2000  }
0xc5: {  	[sflag:s10] =	ssyncset.done $0x0  }
0xc6: {  	s29 =	sadd.s32 $0x400, s23;
	[sflag:s10] =	ssyncadd.s32 $0xFFFFE000  }
0xc7: {  	[tilespmem:s0], [sflag:$0x1] =	stream.indirect.gather [spmem:s1], $0x20, s29, s28, $0xb8;
	[tilespmem:$0x1E620] =	vst v63  }
0xc8: {  	_ =	swait.ge [sflag:s10], $0x2000  }
0xc9: {  	s29 =	sadd.s32 $0xFFFFFFFF, s21;
	[sflag:s10] =	ssyncset.done $0x0  }
0xca: {  	s23 =	sadd.s32 $0x500, s23;
	p2 =	sge.u32 s29, s5;
	[sflag:s10] =	ssyncadd.s32 $0xFFFFE000  }
0xcb: {  	[tilespmem:s3], [sflag:$0x1] =	stream.indirect.gather [spmem:s1], $0x20, s23, s28, $0xb8;
	[tilespmem:$0x1E620] =	vst v63  }
0xcc: {  	s29 =	simm.s32 @!p2 $0xDE00;
	_ =	swait.ge [sflag:s10], $0x2000  }
0xcd: {  	s7 =	simm.s32 @!p2 $0x100;
	s23 =	sshra.s32 @!p2 s22, $0x2;
	[sflag:s10] =	ssyncset.done $0x0  }
.Ltmp3:
0xce: {  	s23 =	sadd.s32 @!p2 $0x600, s23;
	[sflag:s10] =	ssyncadd.s32 $0xFFFFE000;
	(pc) =	sbr.rel @p1 .LBB2_8-.Ltmp3, $4  }
0xcf: {  	[tilespmem:s29], [sflag:$0x1] =	stream.indirect.gather @!p2 [spmem:s1], $0x20, s23, s7, $0xb8;
	[tilespmem:$0x1E620] =	vst v63  }
0xd0: {  	p2 =	sge.u32 s21, s5;
	s21 =	sadd.s32 $0x4, s21;
	_ =	swait.ge [sflag:s10], $0x2000  }
0xd1: {  	s7 =	sshra.s32 @!p2 s22, $0x2;
	s22 =	simm.s32 @!p2 $0xFE00;
	[sflag:s10] =	ssyncset.done $0x0  }
0xd2: {  	s23 =	simm.s32 @!p2 $0x100;
	s29 =	sadd.s32 @!p2 $0x700, s7;
	[sflag:s10] =	ssyncadd.s32 $0xFFFFE000  }
0xd3: {  	[tilespmem:s22], [sflag:$0x1] =	stream.indirect.gather @!p2 [spmem:s1], $0x20, s29, s23, $0xb8;
	[tilespmem:$0x1E620] =	vst v63  }
0xd4: {  	_ =	swait.ge [sflag:s9], $0x2000  }
0xd5: {  	[sflag:s9] =	ssyncset.done $0x0  }
0xd6: {  	[sflag:s9] =	ssyncadd.s32 $0xFFFFE000  }
0xd7: {  	[spmem:s2] =	stream.indirect.scatter.add.f32 [tilespmem:s0], [sflag:$0x2], $0x20, s11, s28, $0xb8;
	[tilespmem:$0x1E620] =	vst v63  }
0xd8: {  	_ =	swait.ge [sflag:s9], $0x2000  }
0xd9: {  	[sflag:s9] =	ssyncset.done $0x0  }
0xda: {  	s7 =	simm.s32 @p0 $0x2;
	[sflag:s9] =	ssyncadd.s32 $0xFFFFE000  }
0xdb: {  	[spmem:s2] =	stream.indirect.scatter.add.f32 [tilespmem:s3], [sflag:$0x2], $0x20, s12, s28, $0xb8;
	[tilespmem:$0x1E620] =	vst v63  }
0xdc: {  	_ =	swait.ge @p0 [sflag:s7], $0x2000  }
0xdd: {  	[sflag:s7] =	ssyncset.done @p0 $0x0  }
0xde: {  	[sflag:s7] =	ssyncadd.s32 @p0 $0xFFFFE000  }
0xdf: {  	_ =	swait.ge @p0 [sflag:s7], $0x2000  }
0xe0: {  	[sflag:s7] =	ssyncset.done @p0 $0x0  }
0xe1: {  	[sflag:s7] =	ssyncadd.s32 @p0 $0xFFFFE000;
	s7 =	simm.s32 @!p0 $0x1  }
0xe2: {  	_ =	swait.ge @!p0 [sflag:s7], $0x2000  }
0xe3: {  	s18 =	simm.s32 @!p0 $0x9D00;
	[sflag:s7] =	ssyncset.done @!p0 $0x0  }
0xe4: {  	s21 =	simm.s32 @!p0 $0xDE00;
	[sflag:s7] =	ssyncadd.s32 @!p0 $0xFFFFE000;
	s7 =	simm.s32 @!p0 $0x100  }
0xe5: {  	[spmem:s2] =	stream.indirect.scatter.add.f32 @!p0 [tilespmem:s21], [sflag:$0x2], $0x20, s18, s7, $0xb8;
	[tilespmem:$0x1E620] =	vst v63  }
0xe6: {  	s7 =	simm.s32 @!p0 $0x2  }
0xe7: {  	_ =	swait.ge @!p0 [sflag:s7], $0x2000  }
0xe8: {  	[sflag:s7] =	ssyncset.done @!p0 $0x0  }
0xe9: {  	[sflag:s7] =	ssyncadd.s32 @!p0 $0xFFFFE000  }
0xea: {  	_ =	swait.ge @!p0 [sflag:s7], $0x2000  }
0xeb: {  	[sflag:s7] =	ssyncset.done @!p0 $0x0  }
0xec: {  	[sflag:s7] =	ssyncadd.s32 @!p0 $0xFFFFE000  }
0xed: {  	_ =	swait.ge @!p0 [sflag:s7], $0x2000  }
0xee: {  	[sflag:s7] =	ssyncset.done @!p0 $0x0  }
0xef: {  	[sflag:s7] =	ssyncadd.s32 @!p0 $0xFFFFE000  }
0xf0: {  	[bflag:$0x0] =	sbarrier.arrive $0xFFFF  }
0xf1: {  	[tilespmem:s0], [sflag:$0x3] =	stream.linear.gather [spmem:s14], $0x2000, $0x38;
	[tilespmem:$0x1E620] =	vst v63  }
0xf2: {  	_ =	swait.ge [sflag:s25], $0x2000  }
0xf3: {  	[sflag:s25] =	ssyncset.done $0x0  }
0xf4: {  	s18 =	simm.s32 $0x9E10;
	[sflag:s25] =	ssyncadd.s32 $0xFFFFE000  }
0xf5: {  	s23 =	simm.s32 $0x0;
	v0 =	vld [tilespmem:s18+$0xFFFFFFF0]  }
0xf6: {  	v1 =	vld [tilespmem:s23+$0x11E00];
	_ =	sdelay $0x1  }
0xf7: {  	v2 =	vld [tilespmem:$0x14600];
	_ =	sdelay $0x2  }
0xf8: {  	v0 =	vmul.f32 v0, v1;
	_ =	sdelay $0x1  }
0xf9: {  	v0 =	vadd.f32 v2, v0;
	_ =	sdelay $0x1  }
0xfa: {  	v0 =	vmax.f32 v0, $0.0e+00  }
0xfb: {  	v0 =	vmul.f32 v0, v1  }
0xfc: {  	v2 =	vld [tilespmem:s18+$0x0]  }
0xfd: {  	[tilespmem:s18+$0xFFFFFFF0] =	vst v0  }
0xfe: {  	v0 =	vld [tilespmem:$0x14610];
	_ =	sdelay $0x2  }
0xff: {  	v2 =	vmul.f32 v2, v1;
	_ =	sdelay $0x1  }
0x100: {  	v0 =	vadd.f32 v0, v2;
	_ =	sdelay $0x1  }
0x101: {  	v0 =	vmax.f32 v0, $0.0e+00  }
0x102: {  	s22 =	simm.s32 $0x40;
	s29 =	simm.s32 $0x80;
	s21 =	simm.s32 $0x9E30;
	v0 =	vmul.f32 v0, v1  }
.LBB2_10:
0x103: {  	p1 =	sne.s32 s29, $0x3FC0;
	s7 =	sshra.s32 s22, $0x2  }
0x104: {  	v1 =	vld [tilespmem:s21+$0xFFFFFFF0];
	[tilespmem:s18+$0x0] =	vst v0;
	s22 =	smov.u32 s29;
	s29 =	sadd.s32 $0x40, s29;
	s18 =	smov.u32 s21  }
0x105: {  	v0 =	vld [tilespmem:s7+$0x11E00];
	_ =	sdelay $0x1  }
0x106: {  	v2 =	vld [tilespmem:$0x14600];
	_ =	sdelay $0x2  }
0x107: {  	v1 =	vmul.f32 v1, v0;
	_ =	sdelay $0x1  }
0x108: {  	v1 =	vadd.f32 v2, v1;
	_ =	sdelay $0x1  }
0x109: {  	v1 =	vmax.f32 v1, $0.0e+00  }
0x10a: {  	v1 =	vmul.f32 v1, v0  }
0x10b: {  	v2 =	vld [tilespmem:s21+$0x0]  }
0x10c: {  	[tilespmem:s21+$0xFFFFFFF0] =	vst v1  }
0x10d: {  	v1 =	vld [tilespmem:$0x14610];
	_ =	sdelay $0x2  }
0x10e: {  	v2 =	vmul.f32 v2, v0;
	_ =	sdelay $0x1  }
.Ltmp4:
0x10f: {  	v1 =	vadd.f32 v1, v2;
	(pc) =	sbr.rel @p1 .LBB2_10-.Ltmp4, $4  }
0x110: {  	_ = 	snop  }
0x111: {  	v1 =	vmax.f32 v1, $0.0e+00  }
0x112: {  	v0 =	vmul.f32 v1, v0  }
0x113: {  	s21 =	sadd.s32 $0x20, s21  }
0x114: {  	v1 =	vld [tilespmem:s21+$0xFFFFFFF0];
	s7 =	sshra.s32 s22, $0x2;
	[tilespmem:s18+$0x0] =	vst v0  }
0x115: {  	v0 =	vld [tilespmem:s7+$0x11E00];
	_ =	sdelay $0x1  }
0x116: {  	v2 =	vld [tilespmem:$0x14600];
	_ =	sdelay $0x2  }
0x117: {  	v1 =	vmul.f32 v1, v0;
	_ =	sdelay $0x1  }
0x118: {  	v1 =	vadd.f32 v2, v1;
	_ =	sdelay $0x1  }
0x119: {  	v1 =	vmax.f32 v1, $0.0e+00  }
0x11a: {  	v1 =	vmul.f32 v1, v0  }
0x11b: {  	v2 =	vld [tilespmem:s21+$0x0]  }
0x11c: {  	[tilespmem:s21+$0xFFFFFFF0] =	vst v1  }
0x11d: {  	v1 =	vld [tilespmem:$0x14610];
	_ =	sdelay $0x2  }
0x11e: {  	v2 =	vmul.f32 v2, v0;
	_ =	sdelay $0x1  }
0x11f: {  	v1 =	vadd.f32 v1, v2;
	_ =	sdelay $0x1  }
0x120: {  	v1 =	vmax.f32 v1, $0.0e+00  }
0x121: {  	v0 =	vmul.f32 v1, v0;
	_ =	sdelay $0x1  }
0x122: {  	[tilespmem:s21+$0x0] =	vst v0  }
0x123: {  	[spmem:s13] =	stream.linear.scatter [tilespmem:s0], [sflag:$0x3], $0x2000, $0x38;
	[tilespmem:$0x1E620] =	vst v63  }
0x124: {  	_ =	swait.ge [sflag:s25], $0x2000  }
0x125: {  	[sflag:s25] =	ssyncset.done $0x0  }
0x126: {  	[sflag:s25] =	ssyncadd.s32 $0xFFFFE000  }
0x127: {  	[spmem:s14] =	stream.linear.scatter [tilespmem:s0], [sflag:$0x3], $0x2000, $0x38;
	[tilespmem:$0x1E620] =	vst v63  }
0x128: {  	_ =	swait.ge [sflag:s25], $0x2000  }
0x129: {  	[sflag:s25] =	ssyncset.done $0x0  }
0x12a: {  	[sflag:s25] =	ssyncadd.s32 $0xFFFFE000  }
0x12b: {  	[tilespmem:s3], [sflag:$0x3] =	stream.linear.gather [spmem:s17], $0x2000, $0x38;
	[tilespmem:$0x1E620] =	vst v63  }
0x12c: {  	_ =	swait.ge [sflag:s25], $0x2000  }
0x12d: {  	[sflag:s25] =	ssyncset.done $0x0  }
0x12e: {  	s18 =	simm.s32 $0xBE10;
	[sflag:s25] =	ssyncadd.s32 $0xFFFFE000  }
0x12f: {  	s23 =	simm.s32 $0x0;
	v0 =	vld [tilespmem:s18+$0xFFFFFFF0]  }
0x130: {  	v1 =	vld [tilespmem:s23+$0x12E00];
	_ =	sdelay $0x1  }
0x131: {  	v2 =	vld [tilespmem:$0x14600];
	_ =	sdelay $0x2  }
0x132: {  	v0 =	vmul.f32 v0, v1;
	_ =	sdelay $0x1  }
0x133: {  	v0 =	vadd.f32 v2, v0;
	_ =	sdelay $0x1  }
0x134: {  	v0 =	vmax.f32 v0, $0.0e+00  }
0x135: {  	v0 =	vmul.f32 v0, v1  }
0x136: {  	v2 =	vld [tilespmem:s18+$0x0]  }
0x137: {  	[tilespmem:s18+$0xFFFFFFF0] =	vst v0  }
0x138: {  	v0 =	vld [tilespmem:$0x14610];
	_ =	sdelay $0x2  }
0x139: {  	v2 =	vmul.f32 v2, v1;
	_ =	sdelay $0x1  }
0x13a: {  	v0 =	vadd.f32 v0, v2;
	_ =	sdelay $0x1  }
0x13b: {  	v0 =	vmax.f32 v0, $0.0e+00  }
0x13c: {  	s22 =	simm.s32 $0x40;
	s29 =	simm.s32 $0x80;
	s21 =	simm.s32 $0xBE30;
	v0 =	vmul.f32 v0, v1  }
.LBB2_12:
0x13d: {  	p1 =	sne.s32 s29, $0x3FC0;
	s7 =	sshra.s32 s22, $0x2  }
0x13e: {  	v1 =	vld [tilespmem:s21+$0xFFFFFFF0];
	[tilespmem:s18+$0x0] =	vst v0;
	s22 =	smov.u32 s29;
	s29 =	sadd.s32 $0x40, s29;
	s18 =	smov.u32 s21  }
0x13f: {  	v0 =	vld [tilespmem:s7+$0x12E00];
	_ =	sdelay $0x1  }
0x140: {  	v2 =	vld [tilespmem:$0x14600];
	_ =	sdelay $0x2  }
0x141: {  	v1 =	vmul.f32 v1, v0;
	_ =	sdelay $0x1  }
0x142: {  	v1 =	vadd.f32 v2, v1;
	_ =	sdelay $0x1  }
0x143: {  	v1 =	vmax.f32 v1, $0.0e+00  }
0x144: {  	v1 =	vmul.f32 v1, v0  }
0x145: {  	v2 =	vld [tilespmem:s21+$0x0]  }
0x146: {  	[tilespmem:s21+$0xFFFFFFF0] =	vst v1  }
0x147: {  	v1 =	vld [tilespmem:$0x14610];
	_ =	sdelay $0x2  }
0x148: {  	v2 =	vmul.f32 v2, v0;
	_ =	sdelay $0x1  }
.Ltmp5:
0x149: {  	v1 =	vadd.f32 v1, v2;
	(pc) =	sbr.rel @p1 .LBB2_12-.Ltmp5, $4  }
0x14a: {  	_ = 	snop  }
0x14b: {  	v1 =	vmax.f32 v1, $0.0e+00  }
0x14c: {  	v0 =	vmul.f32 v1, v0  }
0x14d: {  	s21 =	sadd.s32 $0x20, s21  }
0x14e: {  	v1 =	vld [tilespmem:s21+$0xFFFFFFF0];
	s7 =	sshra.s32 s22, $0x2;
	[tilespmem:s18+$0x0] =	vst v0  }
0x14f: {  	v0 =	vld [tilespmem:s7+$0x12E00];
	_ =	sdelay $0x1  }
0x150: {  	v2 =	vld [tilespmem:$0x14600];
	_ =	sdelay $0x2  }
0x151: {  	v1 =	vmul.f32 v1, v0;
	_ =	sdelay $0x1  }
0x152: {  	v1 =	vadd.f32 v2, v1;
	_ =	sdelay $0x1  }
0x153: {  	v1 =	vmax.f32 v1, $0.0e+00  }
0x154: {  	v1 =	vmul.f32 v1, v0  }
0x155: {  	v2 =	vld [tilespmem:s21+$0x0]  }
0x156: {  	[tilespmem:s21+$0xFFFFFFF0] =	vst v1  }
0x157: {  	v1 =	vld [tilespmem:$0x14610];
	_ =	sdelay $0x2  }
0x158: {  	v2 =	vmul.f32 v2, v0;
	_ =	sdelay $0x1  }
0x159: {  	v1 =	vadd.f32 v1, v2;
	_ =	sdelay $0x1  }
0x15a: {  	v1 =	vmax.f32 v1, $0.0e+00  }
0x15b: {  	v0 =	vmul.f32 v1, v0;
	_ =	sdelay $0x1  }
0x15c: {  	[tilespmem:s21+$0x0] =	vst v0  }
0x15d: {  	[spmem:s16] =	stream.linear.scatter [tilespmem:s3], [sflag:$0x3], $0x2000, $0x38;
	[tilespmem:$0x1E620] =	vst v63  }
0x15e: {  	_ =	swait.ge [sflag:s25], $0x2000  }
0x15f: {  	[sflag:s25] =	ssyncset.done $0x0  }
0x160: {  	[sflag:s25] =	ssyncadd.s32 $0xFFFFE000  }
0x161: {  	[spmem:s17] =	stream.linear.scatter [tilespmem:s3], [sflag:$0x3], $0x2000, $0x38;
	[tilespmem:$0x1E620] =	vst v63  }
0x162: {  	_ =	swait.ge [sflag:s25], $0x2000  }
0x163: {  	[sflag:s25] =	ssyncset.done $0x0  }
0x164: {  	s18 =	simm.s32 $0xDE00;
	[sflag:s25] =	ssyncadd.s32 $0xFFFFE000  }
0x165: {  	[tilespmem:s18], [sflag:$0x3] =	stream.linear.gather [spmem:s20], $0x1000, $0x38;
	[tilespmem:$0x1E620] =	vst v63  }
0x166: {  	_ =	swait.ge [sflag:s25], $0x1000  }
0x167: {  	[sflag:s25] =	ssyncset.done $0x0  }
0x168: {  	[sflag:s25] =	ssyncadd.s32 $0xFFFFF000  }
0x169: {  	s23 =	simm.s32 $0x0;
	v0 =	vld [tilespmem:s18+$0x0]  }
0x16a: {  	v1 =	vld [tilespmem:s23+$0x13E00];
	_ =	sdelay $0x1  }
0x16b: {  	v2 =	vld [tilespmem:$0x14600];
	_ =	sdelay $0x2  }
0x16c: {  	v0 =	vmul.f32 v0, v1;
	_ =	sdelay $0x1  }
0x16d: {  	v0 =	vadd.f32 v2, v0;
	_ =	sdelay $0x1  }
0x16e: {  	v0 =	vmax.f32 v0, $0.0e+00  }
0x16f: {  	v0 =	vmul.f32 v0, v1  }
0x170: {  	v2 =	vld [tilespmem:s18+$0x10]  }
0x171: {  	[tilespmem:s18+$0x0] =	vst v0  }
0x172: {  	v0 =	vld [tilespmem:$0x14610];
	_ =	sdelay $0x2  }
0x173: {  	v2 =	vmul.f32 v2, v1;
	_ =	sdelay $0x1  }
0x174: {  	v0 =	vadd.f32 v0, v2;
	_ =	sdelay $0x1  }
0x175: {  	v0 =	vmax.f32 v0, $0.0e+00  }
0x176: {  	s22 =	simm.s32 $0x40;
	s29 =	simm.s32 $0x80;
	s21 =	simm.s32 $0xDE20;
	v0 =	vmul.f32 v0, v1  }
.LBB2_14:
0x177: {  	p1 =	sne.s32 s29, $0x1FC0;
	s7 =	sshra.s32 s22, $0x2  }
0x178: {  	v1 =	vld [tilespmem:s21+$0x0];
	[tilespmem:s18+$0x10] =	vst v0;
	s22 =	smov.u32 s29;
	s29 =	sadd.s32 $0x40, s29;
	s18 =	smov.u32 s21  }
0x179: {  	v0 =	vld [tilespmem:s7+$0x13E00];
	_ =	sdelay $0x1  }
0x17a: {  	v2 =	vld [tilespmem:$0x14600];
	_ =	sdelay $0x2  }
0x17b: {  	v1 =	vmul.f32 v1, v0;
	_ =	sdelay $0x1  }
0x17c: {  	v1 =	vadd.f32 v2, v1;
	_ =	sdelay $0x1  }
0x17d: {  	v1 =	vmax.f32 v1, $0.0e+00  }
0x17e: {  	v1 =	vmul.f32 v1, v0  }
0x17f: {  	v2 =	vld [tilespmem:s21+$0x10]  }
0x180: {  	[tilespmem:s21+$0x0] =	vst v1  }
0x181: {  	v1 =	vld [tilespmem:$0x14610];
	_ =	sdelay $0x2  }
0x182: {  	v2 =	vmul.f32 v2, v0;
	_ =	sdelay $0x1  }
.Ltmp6:
0x183: {  	v1 =	vadd.f32 v1, v2;
	(pc) =	sbr.rel @p1 .LBB2_14-.Ltmp6, $4  }
0x184: {  	_ = 	snop  }
0x185: {  	v1 =	vmax.f32 v1, $0.0e+00  }
0x186: {  	v0 =	vmul.f32 v1, v0  }
0x187: {  	s21 =	sadd.s32 $0x20, s21  }
0x188: {  	v1 =	vld [tilespmem:s21+$0x0];
	s7 =	sshra.s32 s22, $0x2;
	[tilespmem:s18+$0x10] =	vst v0  }
0x189: {  	v0 =	vld [tilespmem:s7+$0x13E00];
	_ =	sdelay $0x1  }
0x18a: {  	v2 =	vld [tilespmem:$0x14600];
	_ =	sdelay $0x2  }
0x18b: {  	v1 =	vmul.f32 v1, v0;
	_ =	sdelay $0x1  }
0x18c: {  	v1 =	vadd.f32 v2, v1;
	_ =	sdelay $0x1  }
0x18d: {  	v1 =	vmax.f32 v1, $0.0e+00  }
0x18e: {  	v1 =	vmul.f32 v1, v0  }
0x18f: {  	v63 =	vld [tilespmem:s21+$0x10]  }
0x190: {  	[tilespmem:s21+$0x0] =	vst v1  }
0x191: {  	v1 =	vld [tilespmem:$0x14610];
	_ =	sdelay $0x2  }
0x192: {  	v2 =	vmul.f32 v63, v0;
	_ =	sdelay $0x1  }
0x193: {  	v1 =	vadd.f32 v1, v2;
	_ =	sdelay $0x1  }
0x194: {  	v1 =	vmax.f32 v1, $0.0e+00  }
0x195: {  	v0 =	vmul.f32 v1, v0;
	_ =	sdelay $0x1  }
0x196: {  	[tilespmem:s21+$0x10] =	vst v0  }
0x197: {  	[spmem:s19] =	stream.linear.scatter [tilespmem:s26], [sflag:$0x3], $0x1000, $0x38;
	[tilespmem:$0x1E620] =	vst v63  }
0x198: {  	_ =	swait.ge [sflag:s25], $0x1000  }
0x199: {  	[sflag:s25] =	ssyncset.done $0x0  }
0x19a: {  	[sflag:s25] =	ssyncadd.s32 $0xFFFFF000  }
0x19b: {  	[spmem:s20] =	stream.linear.scatter [tilespmem:s26], [sflag:$0x3], $0x1000, $0x38;
	[tilespmem:$0x1E620] =	vst v63  }
0x19c: {  	_ =	swait.ge [sflag:s25], $0x1000  }
0x19d: {  	[sflag:s25] =	ssyncset.done $0x0  }
0x19e: {  	[sflag:s25] =	ssyncadd.s32 $0xFFFFF000  }
0x19f: {  	s23 =	simm.s32 $0x0;
	[bflag:$0x0] =	sbarrier.arrive $0xFFFF  }
0x1a0: {  	[tilespmem:s0], [sflag:$0x1] =	stream.indirect.gather [spmem:s1], $0x20, s23, s28, $0xb8;
	[tilespmem:$0x1E620] =	vst v63  }
0x1a1: {  	_ = 	snop  }
0x1a2: {  	[tilespmem:s3], [sflag:$0x1] =	stream.indirect.gather [spmem:s1], $0x20, s28, s28, $0xb8;
	[tilespmem:$0x1E620] =	vst v63  }
0x1a3: {  	s18 =	simm.s32 $0x200  }
0x1a4: {  	[tilespmem:s26], [sflag:$0x1] =	stream.indirect.gather [spmem:s1], $0x20, s18, s28, $0xb8;
	[tilespmem:$0x1E620] =	vst v63  }
0x1a5: {  	s21 =	simm.s32 $0x300  }
0x1a6: {  	[tilespmem:s8], [sflag:$0x1] =	stream.indirect.gather [spmem:s1], $0x20, s21, s28, $0xb8;
	[tilespmem:$0x1E620] =	vst v63  }
0x1a7: {  	_ =	swait.ge [sflag:s9], $0x2000  }
0x1a8: {  	[sflag:s9] =	ssyncset.done $0x0  }
0x1a9: {  	s22 =	simm.s32 $0x4F00;
	[sflag:s9] =	ssyncadd.s32 $0xFFFFE000  }
0x1aa: {  	[spmem:s2] =	stream.indirect.scatter.add.f32 [tilespmem:s0], [sflag:$0x2], $0x20, s22, s28, $0xb8;
	[tilespmem:$0x1E620] =	vst v63  }
0x1ab: {  	_ =	swait.ge [sflag:s9], $0x2000  }
0x1ac: {  	[sflag:s9] =	ssyncset.done $0x0  }
0x1ad: {  	s23 =	simm.s32 $0x5000;
	[sflag:s9] =	ssyncadd.s32 $0xFFFFE000  }
0x1ae: {  	[spmem:s2] =	stream.indirect.scatter.add.f32 [tilespmem:s3], [sflag:$0x2], $0x20, s23, s28, $0xb8;
	[tilespmem:$0x1E620] =	vst v63  }
0x1af: {  	_ =	swait.ge [sflag:s9], $0x2000  }
0x1b0: {  	[sflag:s9] =	ssyncset.done $0x0  }
0x1b1: {  	s18 =	simm.s32 $0x5100;
	[sflag:s9] =	ssyncadd.s32 $0xFFFFE000  }
0x1b2: {  	[spmem:s2] =	stream.indirect.scatter.add.f32 [tilespmem:s26], [sflag:$0x2], $0x20, s18, s28, $0xb8;
	[tilespmem:$0x1E620] =	vst v63  }
0x1b3: {  	_ =	swait.ge [sflag:s9], $0x2000  }
0x1b4: {  	[sflag:s9] =	ssyncset.done $0x0  }
0x1b5: {  	s21 =	simm.s32 $0x5200;
	[sflag:s9] =	ssyncadd.s32 $0xFFFFE000  }
0x1b6: {  	[spmem:s2] =	stream.indirect.scatter.add.f32 [tilespmem:s8], [sflag:$0x2], $0x20, s21, s28, $0xb8;
	[tilespmem:$0x1E620] =	vst v63  }
0x1b7: {  	_ =	swait.ge [sflag:s10], $0x2000  }
0x1b8: {  	[sflag:s10] =	ssyncset.done $0x0  }
0x1b9: {  	s22 =	simm.s32 $0x400;
	[sflag:s10] =	ssyncadd.s32 $0xFFFFE000  }
0x1ba: {  	[tilespmem:s0], [sflag:$0x1] =	stream.indirect.gather [spmem:s1], $0x20, s22, s28, $0xb8;
	[tilespmem:$0x1E620] =	vst v63  }
0x1bb: {  	_ =	swait.ge [sflag:s10], $0x2000  }
0x1bc: {  	[sflag:s10] =	ssyncset.done $0x0  }
0x1bd: {  	s23 =	simm.s32 $0x500;
	[sflag:s10] =	ssyncadd.s32 $0xFFFFE000  }
0x1be: {  	[tilespmem:s3], [sflag:$0x1] =	stream.indirect.gather [spmem:s1], $0x20, s23, s28, $0xb8;
	[tilespmem:$0x1E620] =	vst v63  }
0x1bf: {  	p1 =	sle.u32 s5, $0x6;
	_ =	swait.ge [sflag:s10], $0x2000  }
0x1c0: {  	p2 =	sle.u32 s5, $0x7;
	s7 =	simm.s32 @!p1 $0xDE00;
	[sflag:s10] =	ssyncset.done $0x0  }
0x1c1: {  	s18 =	simm.s32 @!p1 $0x600;
	s21 =	simm.s32 @!p1 $0x100;
	[sflag:s10] =	ssyncadd.s32 $0xFFFFE000  }
0x1c2: {  	[tilespmem:s7], [sflag:$0x1] =	stream.indirect.gather @!p1 [spmem:s1], $0x20, s18, s21, $0xb8;
	[tilespmem:$0x1E620] =	vst v63  }
0x1c3: {  	s29 =	simm.s32 @!p2 $0x700;
	_ =	swait.ge [sflag:s10], $0x2000  }
0x1c4: {  	s22 =	simm.s32 @!p2 $0xFE00;
	s23 =	simm.s32 @!p2 $0x100;
	[sflag:s10] =	ssyncset.done $0x0  }
0x1c5: {  	s18 =	simm.s32 $0x1000;
	s21 =	simm.s32 $0xB;
	[sflag:s10] =	ssyncadd.s32 $0xFFFFE000  }
.LBB2_16:
0x1c6: {  	[tilespmem:s22], [sflag:$0x1] =	stream.indirect.gather @!p2 [spmem:s1], $0x20, s29, s23, $0xb8;
	[tilespmem:$0x1E620] =	vst v63  }
0x1c7: {  	s22 =	smov.u32 s18;
	s18 =	sadd.s32 $0x1000, s18  }
0x1c8: {  	p1 =	sne.s32 s18, $0x13000;
	_ =	swait.ge [sflag:s9], $0x2000  }
0x1c9: {  	s7 =	sshra.s32 s22, $0x2;
	[sflag:s9] =	ssyncset.done $0x0  }
0x1ca: {  	s23 =	sadd.s32 $0x4F00, s7;
	[sflag:s9] =	ssyncadd.s32 $0xFFFFE000  }
0x1cb: {  	[spmem:s2] =	stream.indirect.scatter.add.f32 [tilespmem:s0], [sflag:$0x2], $0x20, s23, s28, $0xb8;
	[tilespmem:$0x1E620] =	vst v63  }
0x1cc: {  	_ =	swait.ge [sflag:s9], $0x2000  }
0x1cd: {  	[sflag:s9] =	ssyncset.done $0x0  }
0x1ce: {  	s23 =	sadd.s32 $0x5000, s7;
	[sflag:s9] =	ssyncadd.s32 $0xFFFFE000  }
0x1cf: {  	[spmem:s2] =	stream.indirect.scatter.add.f32 [tilespmem:s3], [sflag:$0x2], $0x20, s23, s28, $0xb8;
	[tilespmem:$0x1E620] =	vst v63  }
0x1d0: {  	_ =	swait.ge [sflag:s9], $0x2000  }
0x1d1: {  	[sflag:s9] =	ssyncset.done $0x0  }
0x1d2: {  	s23 =	sadd.s32 $0x5100, s7;
	[sflag:s9] =	ssyncadd.s32 $0xFFFFE000  }
0x1d3: {  	[spmem:s2] =	stream.indirect.scatter.add.f32 [tilespmem:s26], [sflag:$0x2], $0x20, s23, s28, $0xb8;
	[tilespmem:$0x1E620] =	vst v63  }
0x1d4: {  	_ =	swait.ge [sflag:s9], $0x2000  }
0x1d5: {  	[sflag:s9] =	ssyncset.done $0x0  }
0x1d6: {  	s23 =	sadd.s32 $0x5200, s7;
	[sflag:s9] =	ssyncadd.s32 $0xFFFFE000  }
0x1d7: {  	[spmem:s2] =	stream.indirect.scatter.add.f32 [tilespmem:s8], [sflag:$0x2], $0x20, s23, s28, $0xb8;
	[tilespmem:$0x1E620] =	vst v63  }
0x1d8: {  	_ =	swait.ge [sflag:s10], $0x2000  }
0x1d9: {  	[sflag:s10] =	ssyncset.done $0x0  }
0x1da: {  	s23 =	sadd.s32 $0x400, s7;
	[sflag:s10] =	ssyncadd.s32 $0xFFFFE000  }
0x1db: {  	[tilespmem:s0], [sflag:$0x1] =	stream.indirect.gather [spmem:s1], $0x20, s23, s28, $0xb8;
	[tilespmem:$0x1E620] =	vst v63  }
0x1dc: {  	_ =	swait.ge [sflag:s10], $0x2000  }
0x1dd: {  	s23 =	sadd.s32 $0xFFFFFFFF, s21;
	[sflag:s10] =	ssyncset.done $0x0  }
0x1de: {  	s7 =	sadd.s32 $0x500, s7;
	p2 =	sge.u32 s23, s5;
	[sflag:s10] =	ssyncadd.s32 $0xFFFFE000  }
0x1df: {  	[tilespmem:s3], [sflag:$0x1] =	stream.indirect.gather [spmem:s1], $0x20, s7, s28, $0xb8;
	[tilespmem:$0x1E620] =	vst v63  }
0x1e0: {  	s23 =	simm.s32 @!p2 $0xDE00;
	_ =	swait.ge [sflag:s10], $0x2000  }
0x1e1: {  	s29 =	simm.s32 @!p2 $0x100;
	s7 =	sshra.s32 @!p2 s22, $0x2;
	[sflag:s10] =	ssyncset.done $0x0  }
.Ltmp7:
0x1e2: {  	s7 =	sadd.s32 @!p2 $0x600, s7;
	[sflag:s10] =	ssyncadd.s32 $0xFFFFE000;
	(pc) =	sbr.rel @p1 .LBB2_16-.Ltmp7, $4  }
0x1e3: {  	[tilespmem:s23], [sflag:$0x1] =	stream.indirect.gather @!p2 [spmem:s1], $0x20, s7, s29, $0xb8;
	[tilespmem:$0x1E620] =	vst v63  }
0x1e4: {  	p2 =	sge.u32 s21, s5;
	s21 =	sadd.s32 $0x4, s21;
	_ =	swait.ge [sflag:s10], $0x2000  }
0x1e5: {  	s7 =	sshra.s32 @!p2 s22, $0x2;
	s22 =	simm.s32 @!p2 $0xFE00;
	[sflag:s10] =	ssyncset.done $0x0  }
0x1e6: {  	s23 =	simm.s32 @!p2 $0x100;
	s29 =	sadd.s32 @!p2 $0x700, s7;
	[sflag:s10] =	ssyncadd.s32 $0xFFFFE000  }
0x1e7: {  	[tilespmem:s22], [sflag:$0x1] =	stream.indirect.gather @!p2 [spmem:s1], $0x20, s29, s23, $0xb8;
	[tilespmem:$0x1E620] =	vst v63  }
0x1e8: {  	_ =	swait.ge [sflag:s9], $0x2000  }
0x1e9: {  	[sflag:s9] =	ssyncset.done $0x0  }
0x1ea: {  	[sflag:s9] =	ssyncadd.s32 $0xFFFFE000  }
0x1eb: {  	[spmem:s2] =	stream.indirect.scatter.add.f32 [tilespmem:s0], [sflag:$0x2], $0x20, s11, s28, $0xb8;
	[tilespmem:$0x1E620] =	vst v63  }
0x1ec: {  	_ =	swait.ge [sflag:s9], $0x2000  }
0x1ed: {  	[sflag:s9] =	ssyncset.done $0x0  }
0x1ee: {  	s7 =	simm.s32 @p0 $0x2;
	[sflag:s9] =	ssyncadd.s32 $0xFFFFE000  }
0x1ef: {  	[spmem:s2] =	stream.indirect.scatter.add.f32 [tilespmem:s3], [sflag:$0x2], $0x20, s12, s28, $0xb8;
	[tilespmem:$0x1E620] =	vst v63  }
0x1f0: {  	_ =	swait.ge @p0 [sflag:s7], $0x2000  }
0x1f1: {  	[sflag:s7] =	ssyncset.done @p0 $0x0  }
0x1f2: {  	[sflag:s7] =	ssyncadd.s32 @p0 $0xFFFFE000  }
0x1f3: {  	_ =	swait.ge @p0 [sflag:s7], $0x2000  }
0x1f4: {  	[sflag:s7] =	ssyncset.done @p0 $0x0  }
0x1f5: {  	[sflag:s7] =	ssyncadd.s32 @p0 $0xFFFFE000;
	s7 =	simm.s32 @!p0 $0x1  }
0x1f6: {  	_ =	swait.ge @!p0 [sflag:s7], $0x2000  }
0x1f7: {  	s18 =	simm.s32 @!p0 $0x9D00;
	[sflag:s7] =	ssyncset.done @!p0 $0x0  }
0x1f8: {  	s21 =	simm.s32 @!p0 $0xDE00;
	[sflag:s7] =	ssyncadd.s32 @!p0 $0xFFFFE000;
	s7 =	simm.s32 @!p0 $0x100  }
0x1f9: {  	[spmem:s2] =	stream.indirect.scatter.add.f32 @!p0 [tilespmem:s21], [sflag:$0x2], $0x20, s18, s7, $0xb8;
	[tilespmem:$0x1E620] =	vst v63  }
0x1fa: {  	s7 =	simm.s32 @!p0 $0x2  }
0x1fb: {  	_ =	swait.ge @!p0 [sflag:s7], $0x2000  }
0x1fc: {  	[sflag:s7] =	ssyncset.done @!p0 $0x0  }
0x1fd: {  	[sflag:s7] =	ssyncadd.s32 @!p0 $0xFFFFE000  }
0x1fe: {  	_ =	swait.ge @!p0 [sflag:s7], $0x2000  }
0x1ff: {  	[sflag:s7] =	ssyncset.done @!p0 $0x0  }
0x200: {  	[sflag:s7] =	ssyncadd.s32 @!p0 $0xFFFFE000  }
0x201: {  	_ =	swait.ge @!p0 [sflag:s7], $0x2000  }
0x202: {  	[sflag:s7] =	ssyncset.done @!p0 $0x0  }
0x203: {  	[sflag:s7] =	ssyncadd.s32 @!p0 $0xFFFFE000  }
0x204: {  	[bflag:$0x0] =	sbarrier.arrive $0xFFFF  }
0x205: {  	[tilespmem:s0], [sflag:$0x3] =	stream.linear.gather [spmem:s14], $0x2000, $0x38;
	[tilespmem:$0x1E620] =	vst v63  }
0x206: {  	_ =	swait.ge [sflag:s25], $0x2000  }
0x207: {  	[sflag:s25] =	ssyncset.done $0x0  }
0x208: {  	s22 =	rddreg [dreg:$0xf];
	[sflag:s25] =	ssyncadd.s32 $0xFFFFE000  }
0x209: {  	[hbm4b:s22+s30] =	stream.strided.scatter [tilespmem:s0], [sflag:$0x3], $0x2000, s31, s30, $0x38;
	[tilespmem:$0x1E620] =	vst v63  }
0x20a: {  	_ =	swait.ge [sflag:s25], $0x2000  }
0x20b: {  	[sflag:s25] =	ssyncset.done $0x0  }
0x20c: {  	[sflag:s25] =	ssyncadd.s32 $0xFFFFE000  }
0x20d: {  	[tilespmem:s3], [sflag:$0x3] =	stream.linear.gather [spmem:s17], $0x2000, $0x38;
	[tilespmem:$0x1E620] =	vst v63  }
0x20e: {  	_ =	swait.ge [sflag:s25], $0x2000  }
0x20f: {  	[sflag:s25] =	ssyncset.done $0x0  }
0x210: {  	s23 =	rddreg [dreg:$0x10];
	[sflag:s25] =	ssyncadd.s32 $0xFFFFE000  }
0x211: {  	[hbm4b:s23+s30] =	stream.strided.scatter [tilespmem:s3], [sflag:$0x3], $0x2000, s31, s30, $0x38;
	[tilespmem:$0x1E620] =	vst v63  }
0x212: {  	_ =	swait.ge [sflag:s25], $0x2000  }
0x213: {  	[sflag:s25] =	ssyncset.done $0x0  }
0x214: {  	[sflag:s25] =	ssyncadd.s32 $0xFFFFE000  }
0x215: {  	[tilespmem:s26], [sflag:$0x3] =	stream.linear.gather [spmem:s20], $0x1000, $0x38;
	[tilespmem:$0x1E620] =	vst v63  }
0x216: {  	s15 =	sadd.s32 $0x1, s15;
	_ =	swait.ge [sflag:s25], $0x1000  }
0x217: {  	p1 =	sne.s32 s15, s24;
	[sflag:s25] =	ssyncset.done $0x0  }
.Ltmp8:
0x218: {  	s29 =	rddreg [dreg:$0x11];
	[sflag:s25] =	ssyncadd.s32 $0xFFFFF000;
	(pc) =	sbr.rel @p1 .LBB2_1-.Ltmp8, $4  }
0x219: {  	[hbm4b:s29+s30] =	stream.strided.scatter [tilespmem:s26], [sflag:$0x3], $0x1000, s31, s30, $0x38;
	[tilespmem:$0x1E620] =	vst v63  }
0x21a: {  	_ =	swait.ge [sflag:s25], $0x1000  }
0x21b: {  	[sflag:s25] =	ssyncset.done $0x0  }
0x21c: {  	[sflag:s25] =	ssyncadd.s32 $0xFFFFF000  }
0x21d: {  	_ =	sfence.sel $0x180000  }
0x21e: {  	[bflag:$0x0] =	sbarrier.arrive $0xFFFF  }
0x21f: {  	_ =	strace $0x9000004A  }
0x220: {  	s0 =	stileid.u32;
	[bflag:$0x2] =	sbarrier.arrive $0xFFFF  }
0x221: {  	p0 =	sne.s32 s0, $0x0;
	s0 =	rddreg [dreg:$0x6]  }
0x222: {  	s0 =	sadd.s32 @!p0 $0x100000, s0  }
0x223: {  	[sflag:s0] =	ssyncadd.tile.s32 @!p0 $0x1;
	_ =	shalt  }
.Lfunc_end2:
_tile_overlayer_lowered:
.L_overlay_start_2:
0x224: {  	(tag) =	ssettag $0x2  }
0x225: {  	s0 =	rddreg [dreg:$0x0];
	s2 =	stileid.u32  }
0x226: {  	s1 =	rddreg [dreg:$0x1];
	p0 =	sne.s32 s2, $0x0  }
0x227: {  	s3 =	rddreg [dreg:$0x2];
	[bflag:$0x3] =	sbarrier.arrive $0xFFFF;
	s2 =	simm.s32 @!p0 $0x1C03  }
0x228: {  	[timem:s3], [sflag:s2] =	dma.local @!p0 [hbm:s0], s1  }
0x229: {  	s0 =	simm.s32 @!p0 $0x3  }
0x22a: {  	_ =	swait.ge @!p0 [sflag:s0], s1  }
0x22b: {  	s1 =	ssub.s32 @!p0 $0x0, s1;
	[sflag:s0] =	ssyncset.done @!p0 $0x0  }
0x22c: {  	[sflag:s0] =	ssyncadd.s32 @!p0 s1  }
0x22d: {  	[bflag:$0x3] =	sbarrier.arrive $0xFFFF  }
0x22e: {  	_ =	shalt  }

// kernel: kernel.7.cloned.1.call-start
scs
__scs_entry_jumppad:
0x0: {  	(pc) =	sbr.rel $0x88, $3  }
0x1: {  	(tag) =	ssettag $0x0;
	lr =	simm.s32 $0x1  }
0x2: {  	[smem:$0x3F99] =	sst lr;
	_ =	strace $0xD0000000  }
0x3: {  	_ = 	snop  }
0x4: {  	_ = 	snop  }
0x5: {  	_ = 	snop  }
0x6: {  	_ = 	snop  }
0x7: {  	_ = 	snop  }
__scs_overlays_trampoline_lowered:
0x8: {  	[smem:$0x3FA8] =	sst s0  }
0x9: {  	[smem:$0x3FA9] =	sst s1  }
0xa: {  	[smem:$0x3FAA] =	sst s2  }
0xb: {  	[smem:$0x3FAB] =	sst s3  }
0xc: {  	[smem:$0x3FAC] =	sst s4  }
0xd: {  	[smem:$0x3FAD] =	sst s5  }
0xe: {  	[smem:$0x3FAE] =	sst s6  }
0xf: {  	[smem:$0x3FAF] =	sst s7  }
0x10: {  	[smem:$0x3FB0] =	sst s8  }
0x11: {  	[smem:$0x3FB1] =	sst s9;
	s0 =	simm.s32 @!p0 $0x0  }
0x12: {  	s1 =	sld [smem:$0x3F97];
	s0 =	simm.s32 @p0 $0x1  }
0x13: {  	[smem:$0x3FB2] =	sst s0;
	s0 =	simm.s32 @!p1 $0x0  }
0x14: {  	s2 =	sld [smem:$0x3F96];
	s0 =	simm.s32 @p1 $0x1  }
0x15: {  	[smem:$0x3FB3] =	sst s0;
	s0 =	simm.s32 @!p2 $0x0  }
0x16: {  	s3 =	sld [smem:$0x3FDB];
	s0 =	simm.s32 @p2 $0x1  }
0x17: {  	s4 =	simm.s32 $0x1BF5;
	[smem:$0x3FB5] =	sst s0  }
0x18: {  	s0 =	sld [smem:$0x3F98];
	_ =	swait.ge [sflag:s4], $0x0  }
0x19: {  	s7 =	sld [smem:$0x3F99]  }
0x1a: {  	s8 =	sadd.s32 $0xFFFFE003, lr  }
0x1b: {  	s9 =	sadd.s32 $0xFFFFFEF7, lr;
	s5 =	simm.s32 $0xFFFFFFFF;
	p2 =	slt.u32 s8, $0xFFFFF086  }
0x1c: {  	p1 =	slt.u32 s9, $0xF7A;
	s5 =	simm.s32 @!p2 $0x0  }
0x1d: {  	s5 =	simm.s32 @p1 $0x1;
	p0 =	seq.s32 s7, s2  }
0x1e: {  	s7 =	smul.u32 @!p0 $0xF7A, s2;
	p2 =	seq.s32 @!p0 s5, $0x0  }
0x1f: {  	s9 =	smul.u32 $0xF7A, s1;
	s8 =	simm.s32 @!p0 $0x1BF5;
	p2 =	por !p2, p0  }
0x20: {  	[sflag:s8] =	ssyncset.s32 @!p0 $0xFFFFF086;
	s6 =	sadd.s32 @!p0 s3, s7;
	s7 =	simm.s32 @!p0 $0x108  }
0x21: {  	s3 =	sadd.s32 s3, s9;
	s6 =	sadd.s32 @!p0 $0x88, s6;
	s7 =	simm.s32 @p2 $0x1082  }
0x22: {  	[simem:s7], [sflag:s8] =	dma.local @!p0 [hbm:s6], $0xF7A  }
0x23: {  	s9 =	sor.u32 $0xD0000000, s2;
	s6 =	simm.s32 $0x108;
	_ =	swait.ge @!p0 [sflag:s8], $0x0  }
0x24: {  	s3 =	sadd.s32 $0x88, s3;
	s6 =	simm.s32 @!p1 $0x1082;
	[sflag:s4] =	ssyncset.s32 $0xFFFFF086  }
0x25: {  	[simem:s6], [sflag:s4] =	dma.local [hbm:s3], $0xF7A  }
0x26: {  	[smem:$0x3F99] =	sst s1;
	(tag) =	ssettag s2;
	_ =	strace s9  }
0x27: {  	s1 =	sld [smem:$0x3FA9]  }
0x28: {  	s2 =	sld [smem:$0x3FAA]  }
0x29: {  	s4 =	sld [smem:$0x3FAC]  }
0x2a: {  	p0 =	seq.s32 s5, $0x0;
	s5 =	sld [smem:$0x3FAD]  }
0x2b: {  	s6 =	sld [smem:$0x3FAE]  }
0x2c: {  	s7 =	sld [smem:$0x3FAF]  }
0x2d: {  	s3 =	simm.s32 $0x108;
	s8 =	sld [smem:$0x3FB0]  }
0x2e: {  	s3 =	simm.s32 @!p0 $0x1082;
	s9 =	sld [smem:$0x3FB1]  }
0x2f: {  	lr =	sadd.s32 s0, s3;
	s0 =	sld [smem:$0x3FA8]  }
0x30: {  	s3 =	sld [smem:$0x3FAB]  }
0x31: {  	[smem:$0x3FB4] =	sst s10  }
0x32: {  	s10 =	sld [smem:$0x3FB2];
	_ =	sdelay $0x3  }
0x33: {  	p0 =	seq.s32 s10, $0x1;
	s10 =	sld [smem:$0x3FB4];
	_ =	sdelay $0x3  }
0x34: {  	[smem:$0x3FB4] =	sst s10  }
0x35: {  	s10 =	sld [smem:$0x3FB3];
	_ =	sdelay $0x3  }
0x36: {  	p1 =	seq.s32 s10, $0x1;
	s10 =	sld [smem:$0x3FB4];
	_ =	sdelay $0x3  }
0x37: {  	[smem:$0x3FB4] =	sst s10  }
0x38: {  	s10 =	sld [smem:$0x3FB5]  }
0x39: {  	_ = 	snop;
	(pc) =	sbr.ind lr, $3  }
0x3a: {  	_ = 	snop  }
0x3b: {  	_ = 	snop  }
0x3c: {  	p2 =	seq.s32 s10, $0x1;
	s10 =	sld [smem:$0x3FB4]  }
0x3d: {  	_ =	shalt  }
0x3e: {  	_ =	shalt  }
0x3f: {  	_ =	shalt  }
0x40: {  	_ =	shalt  }
0x41: {  	_ =	shalt  }
0x42: {  	_ =	shalt  }
0x43: {  	_ =	shalt  }
0x44: {  	_ =	shalt  }
0x45: {  	_ =	shalt  }
0x46: {  	_ =	shalt  }
0x47: {  	_ =	shalt  }
0x48: {  	_ =	shalt  }
0x49: {  	_ =	shalt  }
0x4a: {  	_ =	shalt  }
0x4b: {  	_ =	shalt  }
0x4c: {  	_ =	shalt  }
0x4d: {  	_ =	shalt  }
0x4e: {  	_ =	shalt  }
0x4f: {  	_ =	shalt  }
0x50: {  	_ =	shalt  }
0x51: {  	_ =	shalt  }
0x52: {  	_ =	shalt  }
0x53: {  	_ =	shalt  }
0x54: {  	_ =	shalt  }
0x55: {  	_ =	shalt  }
0x56: {  	_ =	shalt  }
0x57: {  	_ =	shalt  }
0x58: {  	_ =	shalt  }
0x59: {  	_ =	shalt  }
0x5a: {  	_ =	shalt  }
0x5b: {  	_ =	shalt  }
0x5c: {  	_ =	shalt  }
0x5d: {  	_ =	shalt  }
0x5e: {  	_ =	shalt  }
0x5f: {  	_ =	shalt  }
0x60: {  	_ =	shalt  }
0x61: {  	_ =	shalt  }
0x62: {  	_ =	shalt  }
0x63: {  	_ =	shalt  }
0x64: {  	_ =	shalt  }
0x65: {  	_ =	shalt  }
0x66: {  	_ =	shalt  }
0x67: {  	_ =	shalt  }
0x68: {  	_ =	shalt  }
0x69: {  	_ =	shalt  }
0x6a: {  	_ =	shalt  }
0x6b: {  	_ =	shalt  }
0x6c: {  	_ =	shalt  }
0x6d: {  	_ =	shalt  }
0x6e: {  	_ =	shalt  }
0x6f: {  	_ =	shalt  }
0x70: {  	_ =	shalt  }
0x71: {  	_ =	shalt  }
0x72: {  	_ =	shalt  }
0x73: {  	_ =	shalt  }
0x74: {  	_ =	shalt  }
0x75: {  	_ =	shalt  }
0x76: {  	_ =	shalt  }
0x77: {  	_ =	shalt  }
0x78: {  	_ =	shalt  }
0x79: {  	_ =	shalt  }
0x7a: {  	_ =	shalt  }
0x7b: {  	_ =	shalt  }
0x7c: {  	_ =	shalt  }
0x7d: {  	_ =	shalt  }
0x7e: {  	_ =	shalt  }
0x7f: {  	_ =	shalt  }
0x80: {  	_ =	shalt  }
0x81: {  	_ =	shalt  }
0x82: {  	_ =	shalt  }
0x83: {  	_ =	shalt  }
0x84: {  	_ =	shalt  }
0x85: {  	_ =	shalt  }
0x86: {  	_ =	shalt  }
0x87: {  	_ =	shalt  }
.Lfunc_end0:
.L_simem_size_0:
called_computation_lowered:
.L_overlay_start_0:
0x88: {  	s2 =	sld [smem:$0x3FD9]  }
0x89: {  	s3 =	sld [smem:$0x3FFE];
	_ =	sdelay $0x1  }
0x8a: {  	s1 =	srdreg.scid  }
0x8b: {  	s0 =	sand.u32 $0x1, s1  }
0x8c: {  	s15 =	sshll.u32 s0, $0xA;
	s2 =	sadd.s32 s3, s2  }
0x8d: {  	s2 =	sadd.s32 s2, s15  }
0x8e: {  	[smem:$0x3FC0] =	sst s2  }
0x8f: {  	_ = 	snop  }
0x90: {  	s2 =	sld [smem:$0x3FD0];
	_ =	sdelay $0x2  }
0x91: {  	s16 =	simm.s32 $0xA;
	s4 =	simm.s32 $0x10  }
0x92: {  	[smem:s4], [sflag:s16] =	dma.local [hbm:s2], $0x1  }
0x93: {  	_ =	swait.eq [sflag:s16], $0x1  }
0x94: {  	[sflag:s16] =	ssyncset.done $0x0  }
0x95: {  	s17 =	sld [smem:$0x10];
	[sflag:s16] =	ssyncadd.s32 $0xFFFFFFFF  }
0x96: {  	s18 =	sld [smem:$0x11];
	(tm) =	ssettm $0x1  }
0x97: {  	s19 =	sld [smem:$0x3FFB];
	_ =	sdelay $0x3  }
0x98: {  	_ =	strace s19  }
0x99: {  	s4 =	sld [smem:$0x3FFC];
	_ =	sdelay $0x3  }
0x9a: {  	_ =	strace s4  }
0x9b: {  	s4 =	sld [smem:$0x3FFD];
	_ =	sdelay $0x3  }
0x9c: {  	_ =	strace s4  }
0x9d: {  	_ =	strace $0x8FFFFFFF  }
0x9e: {  	s20 =	sld [smem:$0x3FDB];
	_ =	sdelay $0x1  }
0x9f: {  	s5 =	simm.s32 $_scs_section_size  }
0xa0: {  	s6 =	simm.s32 $_size__tile_overlayer_lowered;
	s7 =	simm.s32 $_tile_overlayer_lowered  }
0xa1: {  	s23 =	simm.s32 $0x1BFF;
	s22 =	sshll.u32 s7, $0x1;
	s4 =	sadd.s32 s5, s20  }
0xa2: {  	s8 =	simm.s32 $0x0;
	s21 =	sshll.u32 s6, $0x1;
	s6 =	sadd.s32 s22, s4  }
0xa3: {  	[timem:s8], [sflag:s23] =	dma.local [hbm:s6], s21  }
0xa4: {  	_ =	swait.ge [sflag:s23], s21  }
0xa5: {  	s5 =	ssub.s32 $0x0, s21;
	[sflag:s23] =	ssyncset.done $0x0  }
0xa6: {  	[sflag:s23] =	ssyncadd.s32 s5;
	_ =	sdelay $0x1  }
0xa7: {  	s24 =	simm.s32 $0x1B8B  }
0xa8: {  	_ =	swait.ge [sflag:s24], $0x1  }
0xa9: {  	[sflag:s24] =	ssyncset.done $0x0  }
0xaa: {  	s25 =	simm.s32 $0x1B8E;
	[sflag:s24] =	ssyncadd.s32 $0xFFFFFFFF  }
0xab: {  	s26 =	simm.s32 $execute0_lowered;
	[smem:$0x3FD2] =	sst s25  }
0xac: {  	s5 =	sshll.u32 s26, $0x1;
	_ =	strace $0x80000046;
	[dreg:$0x1] =	wrdreg $0xFFFFFFFF  }
0xad: {  	s28 =	simm.s32 $_size_execute0_lowered;
	s4 =	sadd.s32 s4, s5;
	[dreg:$0x0] =	wrdreg $0x0  }
0xae: {  	s5 =	sshll.u32 s28, $0x1;
	[dreg:$0x2] =	wrdreg s4  }
0xaf: {  	[dreg:$0x3] =	wrdreg s5  }
0xb0: {  	[dreg:$0x4] =	wrdreg $0xC0  }
0xb1: {  	_ =	task [dreg:s8], $0x5FFFF  }
0xb2: {  	[dreg:$0x1] =	wrdreg $0xFFFFFFFF  }
0xb3: {  	[dreg:$0x0] =	wrdreg $0x60  }
0xb4: {  	[dreg:$0x2] =	wrdreg s18  }
0xb5: {  	[dreg:$0x3] =	wrdreg s17  }
0xb6: {  	[dreg:$0x4] =	wrdreg $0x2B800  }
0xb7: {  	[dreg:$0x5] =	wrdreg $0x9  }
0xb8: {  	_ =	task.clear_ibuf [dreg:s8], $0x6FFFF;
	_ =	strace $0x90000046  }
0xb9: {  	s29 =	simm.s32 $0x9;
	_ =	strace $0x80000048  }
0xba: {  	_ =	swait.ge [sflag:s29], $0x1  }
0xbb: {  	[sflag:s29] =	ssyncadd.s32 $0xFFFFFFFF  }
0xbc: {  	_ =	strace $0x90000048  }
0xbd: {  	_ =	sfence  }
0xbe: {  	s30 =	sld [smem:$0x0];
	_ =	sdelay $0x2  }
0xbf: {  	s31 =	sshll.u32 s1, $0xD;
	s1 =	sshrl.u32 s1, $0x2  }
0xc0: {  	s3 =	sand.u32 $0x4000, s31;
	s1 =	sadd.s32 s1, s30  }
0xc1: {  	s0 =	sor.u32 s3, s0;
	s1 =	sshll.u32 s1, $0x11  }
0xc2: {  	s0 =	sor.u32 s1, s0  }
0xc3: {  	s0 =	sadd.s32 $0x8F2B, s0  }
0xc4: {  	[sflag:s0] =	ssyncadd.remote.s32 $0x1  }
0xc5: {  	_ =	sfence.sel $0xFFFF  }
0xc6: {  	[dreg:$0x0] =	wrdreg $0xFFFFFFFF;
	(pc) =	sbr.abs _section_cstart, $3  }
0xc7: {  	[dreg:$0x1] =	wrdreg $0xFFFFFFFF  }
0xc8: {  	_ =	task.clear_ibuf [dreg:s8], $0x2FFFF;
	_ =	strace $0x9FFFFFFF  }
0xc9: {  	(tm) =	ssettm $0x7FFFFFFF  }
tec
execute0_lowered:
.L_overlay_start_1:
0x0: {  	(tag) =	ssettag $0x1  }
0x1: {  	s5 =	rddreg [dreg:$0x0]  }
0x2: {  	s8 =	rddreg [dreg:$0x1]  }
0x3: {  	s1 =	rddreg [dreg:$0x2]  }
0x4: {  	s0 =	rddreg [dreg:$0x3]  }
0x5: {  	s2 =	simm.s32 $0x0;
	s3 =	srdreg.scid;
	s11 =	stileid.u32  }
0x6: {  	s10 =	simm.s32 $0x1;
	s13 =	simm.s32 $0x0;
	[smem:$0x7FF] =	sst s2  }
0x7: {  	s3 =	sand.u32 $0x1, s3;
	s7 =	smul.u32 $0x27, s11;
	p0 =	sne.s32 s11, $0x0  }
0x8: {  	s30 =	smul.u32 $0x280, s11;
	p1 =	seq.s32 s11, $0x0;
	s11 =	sshll.u32 s11, $0x6  }
0x9: {  	s4 =	smul.u32 $0x271, s3;
	_ =	strace $0x80000047;
	s6 =	ssub.s32 $0x2, s3  }
0xa: {  	s10 =	simm.s32 @!p0 $0x0;
	s31 =	smul.u32 $0x2800, s3;
	s3 =	simm.s32 $0x1  }
0xb: {  	s11 =	sor.u32 $0x1C01, s11;
	s9 =	sshrl.u32 s6, $0x1;
	s4 =	sadd.s32 s7, s4  }
0xc: {  	s9 =	ssub.s32 s6, s9;
	s6 =	sadd.s32 s30, s31;
	s7 =	sadd.s32 s30, s1  }
0xd: {  	s4 =	sadd.s32 s10, s4;
	s12 =	sshrl.u32 s6, $0x3;
	s9 =	smax.u32 s9, $0x1  }
0xe: {  	s10 =	sshll.u32 s4, $0x5;
	s4 =	simm.s32 $0x28;
	s8 =	sadd.s32 s8, s12  }
0xf: {  	s12 =	sshrl.u32 s7, $0x3;
	s10 =	sadd.s32 s5, s10;
	s4 =	simm.s32 @!p1 $0x27  }
0x10: {  	v0 =	vimm.f32 $1.000000000e+00;
	v1 =	vimm.f32 $0.0e+00;
	s5 =	sadd.s32 $0x9C40, s10;
	s6 =	sadd.s32 $0xA120, s10;
	s10 =	simm.s32 $0x2900  }
.LBB2_1:
0x11: {  	[tilespmem:s2], [sflag:$0x1] =	stream.linear.gather [hbm4b:s5+s2], $0x2700, $0x38;
	[tilespmem:$0x2E00] =	vst v63  }
0x12: {  	_ =	swait.ge [sflag:s3], $0x2700  }
0x13: {  	[sflag:s3] =	ssyncset.done $0x0  }
0x14: {  	s14 =	simm.s32 @!p0 $0x0;
	s15 =	simm.s32 @!p0 $0x2700;
	[sflag:s3] =	ssyncadd.s32 $0xFFFFD900  }
0x15: {  	[tilespmem:s15], [sflag:$0x1] =	stream.linear.gather @!p0 [hbm4b:s6+s14], $0x100, $0x38;
	[tilespmem:$0x2E00] =	vst v63  }
0x16: {  	s14 =	simm.s32 @!p0 $0x1  }
0x17: {  	_ =	swait.ge @!p0 [sflag:s14], $0x100  }
0x18: {  	[sflag:s14] =	ssyncset.done @!p0 $0x0  }
0x19: {  	[sflag:s14] =	ssyncadd.s32 @!p0 $0xFFFFFF00  }
0x1a: {  	[tilespmem:$0x2800] =	vst v0  }
0x1b: {  	[tilespmem:$0x2810] =	vst v0  }
0x1c: {  	[tilespmem:$0x2820] =	vst v0  }
0x1d: {  	[tilespmem:$0x2830] =	vst v0  }
0x1e: {  	[tilespmem:$0x2840] =	vst v0  }
0x1f: {  	[tilespmem:$0x2850] =	vst v0  }
0x20: {  	[tilespmem:$0x2860] =	vst v0  }
0x21: {  	[tilespmem:$0x2870] =	vst v0  }
0x22: {  	[tilespmem:$0x2880] =	vst v0  }
0x23: {  	[tilespmem:$0x2890] =	vst v0  }
0x24: {  	[tilespmem:$0x28A0] =	vst v0  }
0x25: {  	[tilespmem:$0x28B0] =	vst v0  }
0x26: {  	[tilespmem:$0x28C0] =	vst v0  }
0x27: {  	[tilespmem:$0x28D0] =	vst v0  }
0x28: {  	[tilespmem:$0x28E0] =	vst v0  }
0x29: {  	[tilespmem:$0x28F0] =	vst v0  }
0x2a: {  	[tilespmem:$0x2900] =	vst v1  }
0x2b: {  	[tilespmem:$0x2910] =	vst v1  }
0x2c: {  	[tilespmem:$0x2920] =	vst v1  }
0x2d: {  	[tilespmem:$0x2930] =	vst v1  }
0x2e: {  	[tilespmem:$0x2940] =	vst v1  }
0x2f: {  	[tilespmem:$0x2950] =	vst v1  }
0x30: {  	[tilespmem:$0x2960] =	vst v1  }
0x31: {  	[tilespmem:$0x2970] =	vst v1  }
0x32: {  	[tilespmem:$0x2980] =	vst v1  }
0x33: {  	[tilespmem:$0x2990] =	vst v1  }
0x34: {  	[tilespmem:$0x29A0] =	vst v1  }
0x35: {  	[tilespmem:$0x29B0] =	vst v1  }
0x36: {  	[tilespmem:$0x29C0] =	vst v1  }
0x37: {  	[tilespmem:$0x29D0] =	vst v1  }
0x38: {  	[tilespmem:$0x29E0] =	vst v1  }
0x39: {  	[tilespmem:$0x29F0] =	vst v1  }
0x3a: {  	[tilespmem:$0x2A00] =	vst v1  }
0x3b: {  	[tilespmem:$0x2A10] =	vst v1  }
0x3c: {  	[tilespmem:$0x2A20] =	vst v1  }
0x3d: {  	[tilespmem:$0x2A30] =	vst v1  }
0x3e: {  	[tilespmem:$0x2A40] =	vst v1  }
0x3f: {  	[tilespmem:$0x2A50] =	vst v1  }
0x40: {  	[tilespmem:$0x2A60] =	vst v1  }
0x41: {  	[tilespmem:$0x2A70] =	vst v1  }
0x42: {  	[tilespmem:$0x2A80] =	vst v1  }
0x43: {  	[tilespmem:$0x2A90] =	vst v1  }
0x44: {  	[tilespmem:$0x2AA0] =	vst v1  }
0x45: {  	[tilespmem:$0x2AB0] =	vst v1  }
0x46: {  	[tilespmem:$0x2AC0] =	vst v1  }
0x47: {  	[tilespmem:$0x2AD0] =	vst v1  }
0x48: {  	[tilespmem:$0x2AE0] =	vst v1  }
0x49: {  	[tilespmem:$0x2AF0] =	vst v1  }
0x4a: {  	[tilespmem:$0x2B00] =	vst v1  }
0x4b: {  	[tilespmem:$0x2B10] =	vst v1  }
0x4c: {  	[tilespmem:$0x2B20] =	vst v1  }
0x4d: {  	[tilespmem:$0x2B30] =	vst v1  }
0x4e: {  	[tilespmem:$0x2B40] =	vst v1  }
0x4f: {  	[tilespmem:$0x2B50] =	vst v1  }
0x50: {  	[tilespmem:$0x2B60] =	vst v1  }
0x51: {  	[tilespmem:$0x2B70] =	vst v1  }
0x52: {  	[spmem:s7] =	stream.linear.scatter [tilespmem:s10], [sflag:$0x1], $0x280, $0x38;
	[tilespmem:$0x2E00] =	vst v63  }
0x53: {  	_ =	swait.ge [sflag:s3], $0x280  }
0x54: {  	p1 =	sle.u32 s4, $0x0;
	[sflag:s3] =	ssyncset.done $0x0  }
0x55: {  	s16 =	simm.s32 @!p1 $0x1;
	[sflag:s3] =	ssyncadd.s32 $0xFFFFFD80  }
0x56: {  	s15 =	simm.s32 @!p1 $0x2800;
	s14 =	simm.s32 @!p1 $0x100;
	[bflag:$0x0] =	sbarrier.arrive $0xFFFF  }
0x57: {  	[spmem:s1] =	stream.indirect.scatter.add.f32 @!p1 [tilespmem:s15], [sflag:$0x1], $0x1, s2, s14, $0xb8;
	[tilespmem:$0x2E00] =	vst v63  }
0x58: {  	_ =	swait.ge @!p1 [sflag:s16], $0x100  }
0x59: {  	s14 =	simm.s32 $0x1;
	s15 =	simm.s32 $0x0;
	[sflag:s16] =	ssyncset.done @!p1 $0x0  }
.LBB2_2:
0x5a: {  	[sflag:s16] =	ssyncadd.s32 @!p1 $0xFFFFFF00;
	s16 =	smov.u32 s14;
	s14 =	sadd.s32 $0x1, s14  }
0x5b: {  	s15 =	sadd.s32 $0x100, s15;
	p2 =	sne.s32 s14, $0x28  }
.Ltmp0:
0x5c: {  	p1 =	sge.u32 s16, s4;
	(pc) =	sbr.rel @p2 .LBB2_2-.Ltmp0, $4  }
0x5d: {  	s17 =	simm.s32 @!p1 $0x100;
	s18 =	simm.s32 @!p1 $0x2800;
	s16 =	simm.s32 @!p1 $0x1  }
0x5e: {  	[spmem:s1] =	stream.indirect.scatter.add.f32 @!p1 [tilespmem:s18], [sflag:$0x1], $0x1, s15, s17, $0xb8;
	[tilespmem:$0x2E00] =	vst v63  }
0x5f: {  	_ =	swait.ge @!p1 [sflag:s16], $0x100  }
0x60: {  	[sflag:s16] =	ssyncset.done @!p1 $0x0  }
0x61: {  	s13 =	sadd.s32 $0x1, s13  }
0x62: {  	[sflag:s16] =	ssyncadd.s32 @!p1 $0xFFFFFF00;
	p1 =	sne.s32 s13, s9  }
.Ltmp1:
0x63: {  	[bflag:$0x0] =	sbarrier.arrive $0xFFFF;
	(pc) =	sbr.rel @p1 .LBB2_1-.Ltmp1, $4  }
0x64: {  	[hbm:s8], [sflag:s11] =	dma.local [spmem:s12], $0x50  }
0x65: {  	_ =	swait.ge [sflag:s3], $0x50  }
0x66: {  	[sflag:s3] =	ssyncset.done $0x0  }
0x67: {  	[sflag:s3] =	ssyncadd.s32 $0xFFFFFFB0  }
0x68: {  	_ =	sfence.sel $0x180000  }
0x69: {  	[bflag:$0x0] =	sbarrier.arrive $0xFFFF  }
0x6a: {  	_ =	strace $0x90000047  }
0x6b: {  	s0 =	sadd.s32 @!p0 $0x100000, s0;
	[bflag:$0x2] =	sbarrier.arrive $0xFFFF  }
0x6c: {  	[sflag:s0] =	ssyncadd.tile.s32 @!p0 $0x1;
	_ =	shalt  }
.Lfunc_end2:
_tile_overlayer_lowered:
.L_overlay_start_2:
0x6d: {  	(tag) =	ssettag $0x2  }
0x6e: {  	s0 =	rddreg [dreg:$0x0];
	s2 =	stileid.u32  }
0x6f: {  	s1 =	rddreg [dreg:$0x1];
	p0 =	sne.s32 s2, $0x0  }
0x70: {  	s3 =	rddreg [dreg:$0x2];
	[bflag:$0x3] =	sbarrier.arrive $0xFFFF;
	s2 =	simm.s32 @!p0 $0x1C01  }
0x71: {  	[timem:s3], [sflag:s2] =	dma.local @!p0 [hbm:s0], s1  }
0x72: {  	s0 =	simm.s32 @!p0 $0x1  }
0x73: {  	_ =	swait.ge @!p0 [sflag:s0], s1  }
0x74: {  	s1 =	ssub.s32 @!p0 $0x0, s1;
	[sflag:s0] =	ssyncset.done @!p0 $0x0  }
0x75: {  	[sflag:s0] =	ssyncadd.s32 @!p0 s1  }
0x76: {  	[bflag:$0x3] =	sbarrier.arrive $0xFFFF  }
0x77: {  	_ =	shalt  }

</sc_bundles>
